<compile_context>
chip_gen: v7x
topology: tpu7x:2x2x1
jax: 0.10.2.dev20260603
libtpu: 0.0.44.dev20260713+nightly
codegen_flags: <defaults>
</compile_context>

<pallas_src>
import dataclasses
import functools

import jax
import jax.numpy as jnp
from jax.experimental import pallas as pl
from jax.experimental.pallas import tpu as pltpu
from jax.experimental.pallas import tpu_sc as plsc

N = 10000
D = 128
E = 320000
ER = 2500
RPW = 80
LAST = ER - 31 * RPW


def _sc_compiler_params():
    cp = pltpu.CompilerParams()
    if "needs_layout_passes" in pltpu.CompilerParams.__dataclass_fields__:
        cp = dataclasses.replace(cp, needs_layout_passes=False)
    return cp


@functools.cache
def _mesh():
    return plsc.VectorSubcoreMesh(core_axis_name="c", subcore_axis_name="s")


def _stage_rows(hbm, vmem, w):
    @pl.when(w < 31)
    def _():
        off = pl.multiple_of(w * RPW, 8)
        pltpu.sync_copy(hbm.at[pl.ds(off, RPW)], vmem)

    @pl.when(w == 31)
    def _():
        pltpu.sync_copy(hbm.at[pl.ds(31 * RPW, LAST)], vmem.at[pl.ds(0, LAST)])


@functools.cache
def _make_sc_degree():
    @functools.partial(
        pl.kernel,
        out_type=jax.ShapeDtypeStruct((2, N), jnp.float32),
        mesh=_mesh(),
        scratch_types=[
            pltpu.VMEM((RPW, 128), jnp.int32),
            pltpu.VMEM((128,), jnp.float32),
            pltpu.VMEM_SHARED((N,), jnp.float32),
            pltpu.SemaphoreType.DMA,
        ],
    )
    def _sc_degree(dst_hbm, ones_hbm, zero_hbm, out_hbm,
                   dst_v, ones_v, acc_sp, sem):
        core = jax.lax.axis_index("c")
        tile = jax.lax.axis_index("s")
        w = core * 16 + tile
        nch = jnp.where(w == 31, LAST, RPW)
        _stage_rows(dst_hbm, dst_v, w)
        pltpu.sync_copy(ones_hbm, ones_v)

        @pl.when(tile == 0)
        def _():
            pltpu.sync_copy(zero_hbm, acc_sp)

        plsc.subcore_barrier()

        @pl.loop(0, nch, step=4)
        def _(j):
            for k in range(4):
                pltpu.async_copy(ones_v, acc_sp.at[dst_v.at[j + k]], sem,
                                 add=True)
            for k in range(4):
                pltpu.make_async_copy(ones_v, acc_sp.at[dst_v.at[j + k]],
                                      sem).wait()

        plsc.subcore_barrier()

        @pl.when(tile == 0)
        def _():
            pltpu.sync_copy(acc_sp, out_hbm.at[core])

    return _sc_degree


@functools.cache
def _make_sc_agg():
    @functools.partial(
        pl.kernel,
        out_type=jax.ShapeDtypeStruct((2, N, D), jnp.float32),
        mesh=_mesh(),
        scratch_types=[
            pltpu.VMEM((RPW, 128), jnp.int32),
            pltpu.VMEM((40, 128), jnp.int32),
            pltpu.VMEM((128, D), jnp.float32),
            pltpu.VMEM((128, D), jnp.float32),
            pltpu.VMEM_SHARED((N, D), jnp.float32),
            pltpu.SemaphoreType.DMA,
            pltpu.SemaphoreType.DMA,
        ],
    )
    def _agg(g_hbm, src_hbm, dst_hbm, out_hbm,
             src_v, dst_v, rows0, rows1, acc_sp, sem0, sem1):
        core = jax.lax.axis_index("c")
        tile = jax.lax.axis_index("s")
        w = core * 16 + tile
        nch = jnp.where(w == 31, LAST, RPW)
        _stage_rows(src_hbm, src_v, w)
        base = pl.multiple_of(tile * 632, 8)

        @pl.loop(0, 128)
        def _(r):
            for c in range(8):
                rows0[r, pl.ds(c * 16, 16)] = jnp.zeros((16,), jnp.float32)

        @pl.when(tile < 15)
        def _():
            for k in range(5):
                pltpu.sync_copy(rows0.at[pl.ds(0, 120)],
                                acc_sp.at[pl.ds(base + k * 120, 120)])
            pltpu.sync_copy(rows0.at[pl.ds(0, 32)],
                            acc_sp.at[pl.ds(base + 600, 32)])

        @pl.when(tile == 15)
        def _():
            for k in range(4):
                pltpu.sync_copy(rows0.at[pl.ds(0, 120)],
                                acc_sp.at[pl.ds(15 * 632 + k * 120, 120)])
            pltpu.sync_copy(rows0.at[pl.ds(0, 40)],
                            acc_sp.at[pl.ds(15 * 632 + 480, 40)])

        pltpu.async_copy(g_hbm.at[src_v.at[0]], rows0, sem0)
        plsc.subcore_barrier()

        @pl.loop(0, nch, step=2)
        def _(j):
            q = j // 40

            @pl.when(j == q * 40)
            def _():
                @pl.when(w < 31)
                def _():
                    off = pl.multiple_of(w * RPW + q * 40, 8)
                    pltpu.sync_copy(dst_hbm.at[pl.ds(off, 40)], dst_v)

                @pl.when(w == 31)
                def _():
                    pltpu.sync_copy(dst_hbm.at[pl.ds(31 * RPW, LAST)],
                                    dst_v.at[pl.ds(0, LAST)])

            jd = j - q * 40
            pltpu.async_copy(g_hbm.at[src_v.at[j + 1]], rows1, sem1)
            pltpu.make_async_copy(g_hbm.at[src_v.at[j]], rows0, sem0).wait()
            pltpu.sync_copy(rows0, acc_sp.at[dst_v.at[jd]], add=True)

            @pl.when(j + 2 < nch)
            def _():
                pltpu.async_copy(g_hbm.at[src_v.at[j + 2]], rows0, sem0)

            pltpu.make_async_copy(g_hbm.at[src_v.at[j + 1]], rows1, sem1).wait()
            pltpu.sync_copy(rows1, acc_sp.at[dst_v.at[jd + 1]], add=True)

        plsc.subcore_barrier()

        @pl.when(tile < 15)
        def _():
            pltpu.sync_copy(acc_sp.at[pl.ds(base, 632)],
                            out_hbm.at[core, pl.ds(base, 632)])

        @pl.when(tile == 15)
        def _():
            pltpu.sync_copy(acc_sp.at[pl.ds(15 * 632, N - 15 * 632)],
                            out_hbm.at[core, pl.ds(15 * 632, N - 15 * 632)])

    return _agg


@functools.cache
def _make_sc_agg1d():
    @functools.partial(
        pl.kernel,
        out_type=jax.ShapeDtypeStruct((2, N), jnp.float32),
        mesh=_mesh(),
        scratch_types=[
            pltpu.VMEM((RPW, 128), jnp.int32),
            pltpu.VMEM((RPW, 128), jnp.int32),
            pltpu.VMEM((N,), jnp.float32),
            pltpu.VMEM((RPW, 128), jnp.float32),
            pltpu.VMEM_SHARED((N,), jnp.float32),
            pltpu.SemaphoreType.DMA,
        ],
        compiler_params=_sc_compiler_params(),
    )
    def _agg1d(y_hbm, src_hbm, dst_hbm, zero_hbm, out_hbm,
               src_v, dst_v, y_l, vals_v, acc_sp, sem):
        core = jax.lax.axis_index("c")
        tile = jax.lax.axis_index("s")
        w = core * 16 + tile
        nch = jnp.where(w == 31, LAST, RPW)
        _stage_rows(src_hbm, src_v, w)
        _stage_rows(dst_hbm, dst_v, w)
        pltpu.sync_copy(y_hbm, y_l)

        @pl.when(tile == 0)
        def _():
            pltpu.sync_copy(zero_hbm, acc_sp)

        @pl.loop(0, nch)
        def _(j):
            for k in range(8):
                idx = src_v[j, pl.ds(k * 16, 16)]
                vals_v[j, pl.ds(k * 16, 16)] = plsc.load_gather(y_l, [idx])

        plsc.subcore_barrier()

        @pl.loop(0, nch, step=4)
        def _(j):
            for k in range(4):
                pltpu.async_copy(vals_v.at[j + k], acc_sp.at[dst_v.at[j + k]],
                                 sem, add=True)
            for k in range(4):
                pltpu.make_async_copy(vals_v.at[j + k],
                                      acc_sp.at[dst_v.at[j + k]], sem).wait()

        plsc.subcore_barrier()

        @pl.when(tile == 0)
        def _():
            pltpu.sync_copy(acc_sp, out_hbm.at[core])

    return _agg1d


def _tc_matmul_scale(x, W1, degp):
    def body(x_ref, w_ref, degp_ref, o_ref):
        dinv_r = jax.lax.rsqrt(degp_ref[0] + degp_ref[1] + 1.0)
        dinv = jnp.reshape(dinv_r, (N, 1))
        h = jnp.dot(x_ref[...], w_ref[...], preferred_element_type=jnp.float32)
        o_ref[...] = h * dinv

    return pl.pallas_call(
        body, out_shape=jax.ShapeDtypeStruct((N, D), jnp.float32))(x, W1, degp)


def _tc_layer(p, g1, degp, b1, W2):
    def body(p_ref, g_ref, degp_ref, b1_ref, w2_ref, o_ref):
        dinv_r = jax.lax.rsqrt(degp_ref[0] + degp_ref[1] + 1.0)
        dinv = jnp.reshape(dinv_r, (N, 1))
        acc = p_ref[0] + p_ref[1] + g_ref[...]
        h1 = jnp.maximum(acc * dinv + b1_ref[...], 0.0)
        w2t = jnp.reshape(w2_ref[...], (1, D))
        y = jnp.sum(h1 * w2t, axis=1, keepdims=True) * dinv
        o_ref[...] = jnp.reshape(y, (N,))

    return pl.pallas_call(
        body, out_shape=jax.ShapeDtypeStruct((N,), jnp.float32))(
            p, g1, degp, b1, W2)


def _tc_final(q, y1, degp, b2):
    def body(q_ref, y_ref, degp_ref, b2_ref, o_ref):
        dinv = jax.lax.rsqrt(degp_ref[0] + degp_ref[1] + 1.0)
        tot = q_ref[0] + q_ref[1] + y_ref[...]
        res = jax.nn.sigmoid(tot * dinv + b2_ref[...])
        o_ref[...] = jnp.reshape(res, (N, 1))

    return pl.pallas_call(
        body, out_shape=jax.ShapeDtypeStruct((N, 1), jnp.float32))(
            q, y1, degp, b2)


def kernel(x, edge_index, W1, b1, W2, b2):
    ei = edge_index.astype(jnp.int32)
    src = ei[0].reshape(ER, 128)
    dst = ei[1].reshape(ER, 128)
    ones_n = jnp.ones((128,), jnp.float32)
    zero_n = jnp.zeros((N,), jnp.float32)

    degp = _make_sc_degree()(dst, ones_n, zero_n)
    g1 = _tc_matmul_scale(x, W1, degp)
    p = _make_sc_agg()(g1, src, dst)
    y1 = _tc_layer(p, g1, degp, b1, W2)
    q = _make_sc_agg1d()(y1, src, dst, zero_n)
    return _tc_final(q, y1, degp, b2)

# --- scband reference (transcript-rebuilt; emitter-appended) ---
"""Pipeline reference for scband-two-layer-gcn-45792941310459 (READ-ONLY COPY).

The authoritative reference and input builder live on the scoring server;
editing this copy changes nothing except your own understanding.
"""

import jax, jax.numpy as jnp
import numpy as np

N_NODES = 10000
D_IN = 128
D_HID = 128


def _gcn_conv(x, edge_index, W, b, n_nodes):
    # Kipf & Welling GCN layer with added self-loops and symmetric normalization.
    src = edge_index[0]
    dst = edge_index[1]
    loop = jnp.arange(n_nodes, dtype=edge_index.dtype)
    src = jnp.concatenate([src, loop], axis=0)
    dst = jnp.concatenate([dst, loop], axis=0)
    # degree computed at destination (aggregation target), includes self-loops
    deg = jnp.zeros((n_nodes,), dtype=x.dtype).at[dst].add(1.0)
    deg_inv_sqrt = jnp.where(deg > 0, jax.lax.rsqrt(deg), 0.0)
    norm = deg_inv_sqrt[src] * deg_inv_sqrt[dst]
    h = x @ W  # linear transform first
    msg = h[src] * norm[:, None]  # gather + scale
    out = jnp.zeros((n_nodes, h.shape[1]), dtype=x.dtype).at[dst].add(msg)  # scatter-add
    return out + b


def setup_inputs(seed: int = 0) -> dict:
    key = jax.random.key(seed)
    k1, k2, k3, k4 = jax.random.split(key, 4)
    x = jax.random.normal(k1, (N_NODES, D_IN), dtype=jnp.float32)
    edge_index = jax.random.randint(k2, (2, 320000), 0, N_NODES, dtype=jnp.int64)
    # glorot-style init for GCN weights
    W1 = jax.random.normal(k3, (D_IN, D_HID), dtype=jnp.float32) * (1.0 / np.sqrt(D_IN))
    b1 = jnp.zeros((D_HID,), dtype=jnp.float32)
    W2 = jax.random.normal(k4, (D_HID, 1), dtype=jnp.float32) * (1.0 / np.sqrt(D_HID))
    b2 = jnp.zeros((1,), dtype=jnp.float32)
    return {"x": x, "edge_index": edge_index, "W1": W1, "b1": b1, "W2": W2, "b2": b2}


def reference(x, edge_index, W1, b1, W2, b2):
    n = x.shape[0]
    h = _gcn_conv(x, edge_index, W1, b1, n)
    h = jax.nn.relu(h)
    # dropout is identity in eval mode
    out = _gcn_conv(h, edge_index, W2, b2, n)
    return jax.nn.sigmoid(out)

if __name__ == "__main__":
    import jax
    _d = setup_inputs()
    print(jax.jit(kernel)(*tuple(_d.values())))

</pallas_src>

<mosaic_0001>
#map = affine_map<(d0, d1) -> (0, 0)>
#map1 = affine_map<(d0, d1) -> (0)>
module attributes {stable_mosaic.version = 14 : i64} {
  func.func @_sc_degree(%arg0: i32, %arg1: i32, %arg2: memref<2500x128xi32, #tpu.memory_space<hbm>>, %arg3: memref<128xf32, #tpu.memory_space<hbm>>, %arg4: memref<10000xf32, #tpu.memory_space<hbm>>, %arg5: memref<2x10000xf32, #tpu.memory_space<hbm>>, %arg6: memref<80x128xi32, #tpu.memory_space<vmem>>, %arg7: memref<128xf32, #tpu.memory_space<vmem>>, %arg8: memref<10000xf32, #tpu.memory_space<vmem_shared>>, %arg9: memref<!tpu.dma_semaphore, #tpu.memory_space<semaphore_mem>>) attributes {dimension_semantics = [#tpu.dimension_semantics<core_parallel>, #tpu.dimension_semantics<subcore_parallel>], iteration_bounds = array<i64: 2, 16>, scalar_prefetch = 0 : i64, scratch_operands = 4 : i64, tpu.core_type = #tpu.core_type<sc_vector_subcore>, window_params = [{transform_indices = #map}, {transform_indices = #map1}, {transform_indices = #map1}, {transform_indices = #map}]} {
    %mul3A = arith.constant 16 : i32
    %mul3A_0 = arith.muli %arg0, %mul3A : i32
    %add3A = arith.addi %mul3A_0, %arg1 : i32
    %eq3A = arith.constant 31 : i32
    %eq3A_1 = arith.cmpi eq, %add3A, %eq3A : i32
    %jit3A = arith.constant 20 : i32
    %jit3A_2 = arith.constant 80 : i32
    %select_n3A = arith.select %eq3A_1, %jit3A, %jit3A_2 : i32
    %lt3A = arith.constant 31 : i32
    %lt3A_3 = arith.cmpi slt, %add3A, %lt3A : i32
    %convert_element_type3A = arith.extui %lt3A_3 : i1 to i32
    %cond3A = arith.constant 0 : i32
    %cond3A_4 = arith.cmpi ne, %convert_element_type3A, %cond3A : i32
    scf.if %cond3A_4 {
      %mul3A_37 = arith.constant 80 : i32
      %mul3A_38 = arith.muli %add3A, %mul3A_37 : i32
      %multiple_of3A = tpu.assume_multiple %mul3A_38, 8 : i32
      "tpu.region"() ({
        %run_scoped3A = tpu.sem_alloc : memref<!tpu.dma_semaphore, #tpu.memory_space<semaphore_mem>>
        %dma_start3A = arith.constant 0 : i32
        %dma_start3A_39 = tpu.memref_slice %arg2[%multiple_of3A, %dma_start3A] : memref<2500x128xi32, #tpu.memory_space<hbm>> -> memref<80x128xi32, #tpu.memory_space<hbm>>
        %dma_start3A_40 = arith.constant 0 : i32
        %dma_start3A_41 = tpu.memref_slice %arg2[%multiple_of3A, %dma_start3A_40] : memref<2500x128xi32, #tpu.memory_space<hbm>> -> memref<80x128xi32, #tpu.memory_space<hbm>>
        tpu.enqueue_dma source(%dma_start3A_41 : memref<80x128xi32, #tpu.memory_space<hbm>>) target(%arg6 : memref<80x128xi32, #tpu.memory_space<vmem>>) target_semaphore(%run_scoped3A : memref<!tpu.dma_semaphore, #tpu.memory_space<semaphore_mem>>)
        %dma_wait3A = arith.constant 0 : i32
        %dma_wait3A_42 = tpu.memref_slice %arg2[%multiple_of3A, %dma_wait3A] : memref<2500x128xi32, #tpu.memory_space<hbm>> -> memref<80x128xi32, #tpu.memory_space<hbm>>
        %dma_wait3A_43 = arith.constant 0 : i32
        %dma_wait3A_44 = tpu.memref_slice %arg2[%multiple_of3A, %dma_wait3A_43] : memref<2500x128xi32, #tpu.memory_space<hbm>> -> memref<80x128xi32, #tpu.memory_space<hbm>>
        tpu.wait_dma2 semaphore(%run_scoped3A : memref<!tpu.dma_semaphore, #tpu.memory_space<semaphore_mem>>) src(%dma_wait3A_44 : memref<80x128xi32, #tpu.memory_space<hbm>>) dst(%arg6 : memref<80x128xi32, #tpu.memory_space<vmem>>)
        tpu.yield
      }) : () -> ()
    } else {
    }
    %eq3A_5 = arith.constant 31 : i32
    %eq3A_6 = arith.cmpi eq, %add3A, %eq3A_5 : i32
    %convert_element_type3A_7 = arith.extui %eq3A_6 : i1 to i32
    %cond3A_8 = arith.constant 0 : i32
    %cond3A_9 = arith.cmpi ne, %convert_element_type3A_7, %cond3A_8 : i32
    scf.if %cond3A_9 {
      "tpu.region"() ({
        %run_scoped3A = tpu.sem_alloc : memref<!tpu.dma_semaphore, #tpu.memory_space<semaphore_mem>>
        %dma_start3A = arith.constant 0 : i32
        %dma_start3A_37 = arith.constant 0 : i32
        %dma_start3A_38 = tpu.memref_slice %arg6[%dma_start3A, %dma_start3A_37] : memref<80x128xi32, #tpu.memory_space<vmem>> -> memref<20x128xi32, #tpu.memory_space<vmem>>
        %dma_start3A_39 = arith.constant 2480 : i32
        %dma_start3A_40 = arith.constant 0 : i32
        %dma_start3A_41 = tpu.memref_slice %arg2[%dma_start3A_39, %dma_start3A_40] : memref<2500x128xi32, #tpu.memory_space<hbm>> -> memref<20x128xi32, #tpu.memory_space<hbm>>
        %dma_start3A_42 = arith.constant 0 : i32
        %dma_start3A_43 = arith.constant 0 : i32
        %dma_start3A_44 = tpu.memref_slice %arg6[%dma_start3A_42, %dma_start3A_43] : memref<80x128xi32, #tpu.memory_space<vmem>> -> memref<20x128xi32, #tpu.memory_space<vmem>>
        %dma_start3A_45 = arith.constant 2480 : i32
        %dma_start3A_46 = arith.constant 0 : i32
        %dma_start3A_47 = tpu.memref_slice %arg2[%dma_start3A_45, %dma_start3A_46] : memref<2500x128xi32, #tpu.memory_space<hbm>> -> memref<20x128xi32, #tpu.memory_space<hbm>>
        tpu.enqueue_dma source(%dma_start3A_47 : memref<20x128xi32, #tpu.memory_space<hbm>>) target(%dma_start3A_44 : memref<20x128xi32, #tpu.memory_space<vmem>>) target_semaphore(%run_scoped3A : memref<!tpu.dma_semaphore, #tpu.memory_space<semaphore_mem>>)
        %dma_wait3A = arith.constant 0 : i32
        %dma_wait3A_48 = arith.constant 0 : i32
        %dma_wait3A_49 = tpu.memref_slice %arg6[%dma_wait3A, %dma_wait3A_48] : memref<80x128xi32, #tpu.memory_space<vmem>> -> memref<20x128xi32, #tpu.memory_space<vmem>>
        %dma_wait3A_50 = arith.constant 2480 : i32
        %dma_wait3A_51 = arith.constant 0 : i32
        %dma_wait3A_52 = tpu.memref_slice %arg2[%dma_wait3A_50, %dma_wait3A_51] : memref<2500x128xi32, #tpu.memory_space<hbm>> -> memref<20x128xi32, #tpu.memory_space<hbm>>
        %dma_wait3A_53 = arith.constant 0 : i32
        %dma_wait3A_54 = arith.constant 0 : i32
        %dma_wait3A_55 = tpu.memref_slice %arg6[%dma_wait3A_53, %dma_wait3A_54] : memref<80x128xi32, #tpu.memory_space<vmem>> -> memref<20x128xi32, #tpu.memory_space<vmem>>
        %dma_wait3A_56 = arith.constant 2480 : i32
        %dma_wait3A_57 = arith.constant 0 : i32
        %dma_wait3A_58 = tpu.memref_slice %arg2[%dma_wait3A_56, %dma_wait3A_57] : memref<2500x128xi32, #tpu.memory_space<hbm>> -> memref<20x128xi32, #tpu.memory_space<hbm>>
        tpu.wait_dma2 semaphore(%run_scoped3A : memref<!tpu.dma_semaphore, #tpu.memory_space<semaphore_mem>>) src(%dma_wait3A_58 : memref<20x128xi32, #tpu.memory_space<hbm>>) dst(%dma_wait3A_55 : memref<20x128xi32, #tpu.memory_space<vmem>>)
        tpu.yield
      }) : () -> ()
    } else {
    }
    "tpu.region"() ({
      %run_scoped3A = tpu.sem_alloc : memref<!tpu.dma_semaphore, #tpu.memory_space<semaphore_mem>>
      tpu.enqueue_dma source(%arg3 : memref<128xf32, #tpu.memory_space<hbm>>) target(%arg7 : memref<128xf32, #tpu.memory_space<vmem>>) target_semaphore(%run_scoped3A : memref<!tpu.dma_semaphore, #tpu.memory_space<semaphore_mem>>)
      tpu.wait_dma2 semaphore(%run_scoped3A : memref<!tpu.dma_semaphore, #tpu.memory_space<semaphore_mem>>) src(%arg3 : memref<128xf32, #tpu.memory_space<hbm>>) dst(%arg7 : memref<128xf32, #tpu.memory_space<vmem>>)
      tpu.yield
    }) : () -> ()
    %eq3A_10 = arith.constant 0 : i32
    %eq3A_11 = arith.cmpi eq, %arg1, %eq3A_10 : i32
    %convert_element_type3A_12 = arith.extui %eq3A_11 : i1 to i32
    %cond3A_13 = arith.constant 0 : i32
    %cond3A_14 = arith.cmpi ne, %convert_element_type3A_12, %cond3A_13 : i32
    scf.if %cond3A_14 {
      "tpu.region"() ({
        %run_scoped3A = tpu.sem_alloc : memref<!tpu.dma_semaphore, #tpu.memory_space<semaphore_mem>>
        tpu.enqueue_dma source(%arg4 : memref<10000xf32, #tpu.memory_space<hbm>>) target(%arg8 : memref<10000xf32, #tpu.memory_space<vmem_shared>>) target_semaphore(%run_scoped3A : memref<!tpu.dma_semaphore, #tpu.memory_space<semaphore_mem>>)
        tpu.wait_dma2 semaphore(%run_scoped3A : memref<!tpu.dma_semaphore, #tpu.memory_space<semaphore_mem>>) src(%arg4 : memref<10000xf32, #tpu.memory_space<hbm>>) dst(%arg8 : memref<10000xf32, #tpu.memory_space<vmem_shared>>)
        tpu.yield
      }) : () -> ()
    } else {
    }
    %barrier3A = arith.constant 0 : index
    tpu.barrier barrier_id(%barrier3A)
    %sub3A = arith.constant 0 : i32
    %sub3A_15 = arith.subi %select_n3A, %sub3A : i32
    %sub3A_16 = arith.constant 4 : i32
    %sub3A_17 = arith.constant 1 : i32
    %sub3A_18 = arith.subi %sub3A_16, %sub3A_17 : i32
    %add3A_19 = arith.addi %sub3A_15, %sub3A_18 : i32
    %div3A = arith.constant 4 : i32
    %div3A_20 = arith.divsi %add3A_19, %div3A : i32
    %while3A = arith.constant 4 : i32
    %while3A_21 = arith.constant 0 : i32
    %while3A_22 = arith.constant 0 : i32
    %while3A_23 = arith.subi %div3A_20, %while3A_22 : i32
    %while3A_24 = arith.addi %while3A_22, %while3A_23 : i32
    %while3A_25 = arith.constant 1 : i32
    %while3A_26 = arith.divsi %while3A_23, %while3A_25 : i32
    %while3A_27 = arith.muli %while3A_26, %while3A_25 : i32
    %while3A_28 = arith.addi %while3A_22, %while3A_27 : i32
    %while3A_29 = arith.constant 1 : i32
    scf.for %while3A_37 = %while3A_22 to %while3A_28 step %while3A_29  : i32 {
      %mul3A_38 = arith.muli %while3A_37, %while3A : i32
      %add3A_39 = arith.addi %while3A_21, %mul3A_38 : i32
      %add3A_40 = arith.constant 0 : i32
      %add3A_41 = arith.addi %add3A_39, %add3A_40 : i32
      %dma_start3A = arith.constant 0 : i32
      %dma_start3A_42 = tpu.memref_slice %arg6[%add3A_41, %dma_start3A] : memref<80x128xi32, #tpu.memory_space<vmem>> -> memref<1x128xi32, #tpu.memory_space<vmem>>
      %dma_start3A_43 = tpu.memref_squeeze %dma_start3A_42 : memref<1x128xi32, #tpu.memory_space<vmem>> -> memref<128xi32, #tpu.memory_space<vmem>>
      %dma_start3A_44 = arith.constant 0 : i32
      %dma_start3A_45 = tpu.memref_slice %arg8[%dma_start3A_44] : memref<10000xf32, #tpu.memory_space<vmem_shared>> -> memref<10000xf32, #tpu.memory_space<vmem_shared>>
      tpu.enqueue_indirect_dma source(%arg7 : memref<128xf32, #tpu.memory_space<vmem>>) target(%dma_start3A_45 : memref<10000xf32, #tpu.memory_space<vmem_shared>>) offsets(%dma_start3A_43 : memref<128xi32, #tpu.memory_space<vmem>>) semaphore(%arg9 : memref<!tpu.dma_semaphore, #tpu.memory_space<semaphore_mem>>) {add = true}
      %add3A_46 = arith.constant 1 : i32
      %add3A_47 = arith.addi %add3A_39, %add3A_46 : i32
      %dma_start3A_48 = arith.constant 0 : i32
      %dma_start3A_49 = tpu.memref_slice %arg6[%add3A_47, %dma_start3A_48] : memref<80x128xi32, #tpu.memory_space<vmem>> -> memref<1x128xi32, #tpu.memory_space<vmem>>
      %dma_start3A_50 = tpu.memref_squeeze %dma_start3A_49 : memref<1x128xi32, #tpu.memory_space<vmem>> -> memref<128xi32, #tpu.memory_space<vmem>>
      %dma_start3A_51 = arith.constant 0 : i32
      %dma_start3A_52 = tpu.memref_slice %arg8[%dma_start3A_51] : memref<10000xf32, #tpu.memory_space<vmem_shared>> -> memref<10000xf32, #tpu.memory_space<vmem_shared>>
      tpu.enqueue_indirect_dma source(%arg7 : memref<128xf32, #tpu.memory_space<vmem>>) target(%dma_start3A_52 : memref<10000xf32, #tpu.memory_space<vmem_shared>>) offsets(%dma_start3A_50 : memref<128xi32, #tpu.memory_space<vmem>>) semaphore(%arg9 : memref<!tpu.dma_semaphore, #tpu.memory_space<semaphore_mem>>) {add = true}
      %add3A_53 = arith.constant 2 : i32
      %add3A_54 = arith.addi %add3A_39, %add3A_53 : i32
      %dma_start3A_55 = arith.constant 0 : i32
      %dma_start3A_56 = tpu.memref_slice %arg6[%add3A_54, %dma_start3A_55] : memref<80x128xi32, #tpu.memory_space<vmem>> -> memref<1x128xi32, #tpu.memory_space<vmem>>
      %dma_start3A_57 = tpu.memref_squeeze %dma_start3A_56 : memref<1x128xi32, #tpu.memory_space<vmem>> -> memref<128xi32, #tpu.memory_space<vmem>>
      %dma_start3A_58 = arith.constant 0 : i32
      %dma_start3A_59 = tpu.memref_slice %arg8[%dma_start3A_58] : memref<10000xf32, #tpu.memory_space<vmem_shared>> -> memref<10000xf32, #tpu.memory_space<vmem_shared>>
      tpu.enqueue_indirect_dma source(%arg7 : memref<128xf32, #tpu.memory_space<vmem>>) target(%dma_start3A_59 : memref<10000xf32, #tpu.memory_space<vmem_shared>>) offsets(%dma_start3A_57 : memref<128xi32, #tpu.memory_space<vmem>>) semaphore(%arg9 : memref<!tpu.dma_semaphore, #tpu.memory_space<semaphore_mem>>) {add = true}
      %add3A_60 = arith.constant 3 : i32
      %add3A_61 = arith.addi %add3A_39, %add3A_60 : i32
      %dma_start3A_62 = arith.constant 0 : i32
      %dma_start3A_63 = tpu.memref_slice %arg6[%add3A_61, %dma_start3A_62] : memref<80x128xi32, #tpu.memory_space<vmem>> -> memref<1x128xi32, #tpu.memory_space<vmem>>
      %dma_start3A_64 = tpu.memref_squeeze %dma_start3A_63 : memref<1x128xi32, #tpu.memory_space<vmem>> -> memref<128xi32, #tpu.memory_space<vmem>>
      %dma_start3A_65 = arith.constant 0 : i32
      %dma_start3A_66 = tpu.memref_slice %arg8[%dma_start3A_65] : memref<10000xf32, #tpu.memory_space<vmem_shared>> -> memref<10000xf32, #tpu.memory_space<vmem_shared>>
      tpu.enqueue_indirect_dma source(%arg7 : memref<128xf32, #tpu.memory_space<vmem>>) target(%dma_start3A_66 : memref<10000xf32, #tpu.memory_space<vmem_shared>>) offsets(%dma_start3A_64 : memref<128xi32, #tpu.memory_space<vmem>>) semaphore(%arg9 : memref<!tpu.dma_semaphore, #tpu.memory_space<semaphore_mem>>) {add = true}
      %add3A_67 = arith.constant 0 : i32
      %add3A_68 = arith.addi %add3A_39, %add3A_67 : i32
      %dma_wait3A = arith.constant 0 : i32
      %dma_wait3A_69 = tpu.memref_slice %arg6[%add3A_68, %dma_wait3A] : memref<80x128xi32, #tpu.memory_space<vmem>> -> memref<1x128xi32, #tpu.memory_space<vmem>>
      %dma_wait3A_70 = tpu.memref_squeeze %dma_wait3A_69 : memref<1x128xi32, #tpu.memory_space<vmem>> -> memref<128xi32, #tpu.memory_space<vmem>>
      %dma_wait3A_71 = arith.constant 0 : i32
      %dma_wait3A_72 = tpu.memref_slice %arg8[%dma_wait3A_71] : memref<10000xf32, #tpu.memory_space<vmem_shared>> -> memref<10000xf32, #tpu.memory_space<vmem_shared>>
      tpu.wait_indirect_dma semaphore(%arg9 : memref<!tpu.dma_semaphore, #tpu.memory_space<semaphore_mem>>) src(%arg7 : memref<128xf32, #tpu.memory_space<vmem>>) dst(%dma_wait3A_72 : memref<10000xf32, #tpu.memory_space<vmem_shared>>)
      %add3A_73 = arith.constant 1 : i32
      %add3A_74 = arith.addi %add3A_39, %add3A_73 : i32
      %dma_wait3A_75 = arith.constant 0 : i32
      %dma_wait3A_76 = tpu.memref_slice %arg6[%add3A_74, %dma_wait3A_75] : memref<80x128xi32, #tpu.memory_space<vmem>> -> memref<1x128xi32, #tpu.memory_space<vmem>>
      %dma_wait3A_77 = tpu.memref_squeeze %dma_wait3A_76 : memref<1x128xi32, #tpu.memory_space<vmem>> -> memref<128xi32, #tpu.memory_space<vmem>>
      %dma_wait3A_78 = arith.constant 0 : i32
      %dma_wait3A_79 = tpu.memref_slice %arg8[%dma_wait3A_78] : memref<10000xf32, #tpu.memory_space<vmem_shared>> -> memref<10000xf32, #tpu.memory_space<vmem_shared>>
      tpu.wait_indirect_dma semaphore(%arg9 : memref<!tpu.dma_semaphore, #tpu.memory_space<semaphore_mem>>) src(%arg7 : memref<128xf32, #tpu.memory_space<vmem>>) dst(%dma_wait3A_79 : memref<10000xf32, #tpu.memory_space<vmem_shared>>)
      %add3A_80 = arith.constant 2 : i32
      %add3A_81 = arith.addi %add3A_39, %add3A_80 : i32
      %dma_wait3A_82 = arith.constant 0 : i32
      %dma_wait3A_83 = tpu.memref_slice %arg6[%add3A_81, %dma_wait3A_82] : memref<80x128xi32, #tpu.memory_space<vmem>> -> memref<1x128xi32, #tpu.memory_space<vmem>>
      %dma_wait3A_84 = tpu.memref_squeeze %dma_wait3A_83 : memref<1x128xi32, #tpu.memory_space<vmem>> -> memref<128xi32, #tpu.memory_space<vmem>>
      %dma_wait3A_85 = arith.constant 0 : i32
      %dma_wait3A_86 = tpu.memref_slice %arg8[%dma_wait3A_85] : memref<10000xf32, #tpu.memory_space<vmem_shared>> -> memref<10000xf32, #tpu.memory_space<vmem_shared>>
      tpu.wait_indirect_dma semaphore(%arg9 : memref<!tpu.dma_semaphore, #tpu.memory_space<semaphore_mem>>) src(%arg7 : memref<128xf32, #tpu.memory_space<vmem>>) dst(%dma_wait3A_86 : memref<10000xf32, #tpu.memory_space<vmem_shared>>)
      %add3A_87 = arith.constant 3 : i32
      %add3A_88 = arith.addi %add3A_39, %add3A_87 : i32
      %dma_wait3A_89 = arith.constant 0 : i32
      %dma_wait3A_90 = tpu.memref_slice %arg6[%add3A_88, %dma_wait3A_89] : memref<80x128xi32, #tpu.memory_space<vmem>> -> memref<1x128xi32, #tpu.memory_space<vmem>>
      %dma_wait3A_91 = tpu.memref_squeeze %dma_wait3A_90 : memref<1x128xi32, #tpu.memory_space<vmem>> -> memref<128xi32, #tpu.memory_space<vmem>>
      %dma_wait3A_92 = arith.constant 0 : i32
      %dma_wait3A_93 = tpu.memref_slice %arg8[%dma_wait3A_92] : memref<10000xf32, #tpu.memory_space<vmem_shared>> -> memref<10000xf32, #tpu.memory_space<vmem_shared>>
      tpu.wait_indirect_dma semaphore(%arg9 : memref<!tpu.dma_semaphore, #tpu.memory_space<semaphore_mem>>) src(%arg7 : memref<128xf32, #tpu.memory_space<vmem>>) dst(%dma_wait3A_93 : memref<10000xf32, #tpu.memory_space<vmem_shared>>)
    }
    %while3A_30 = arith.constant 1 : i32
    scf.for %while3A_37 = %while3A_28 to %while3A_24 step %while3A_30  : i32 {
      %mul3A_38 = arith.muli %while3A_37, %while3A : i32
      %add3A_39 = arith.addi %while3A_21, %mul3A_38 : i32
      %add3A_40 = arith.constant 0 : i32
      %add3A_41 = arith.addi %add3A_39, %add3A_40 : i32
      %dma_start3A = arith.constant 0 : i32
      %dma_start3A_42 = tpu.memref_slice %arg6[%add3A_41, %dma_start3A] : memref<80x128xi32, #tpu.memory_space<vmem>> -> memref<1x128xi32, #tpu.memory_space<vmem>>
      %dma_start3A_43 = tpu.memref_squeeze %dma_start3A_42 : memref<1x128xi32, #tpu.memory_space<vmem>> -> memref<128xi32, #tpu.memory_space<vmem>>
      %dma_start3A_44 = arith.constant 0 : i32
      %dma_start3A_45 = tpu.memref_slice %arg8[%dma_start3A_44] : memref<10000xf32, #tpu.memory_space<vmem_shared>> -> memref<10000xf32, #tpu.memory_space<vmem_shared>>
      tpu.enqueue_indirect_dma source(%arg7 : memref<128xf32, #tpu.memory_space<vmem>>) target(%dma_start3A_45 : memref<10000xf32, #tpu.memory_space<vmem_shared>>) offsets(%dma_start3A_43 : memref<128xi32, #tpu.memory_space<vmem>>) semaphore(%arg9 : memref<!tpu.dma_semaphore, #tpu.memory_space<semaphore_mem>>) {add = true}
      %add3A_46 = arith.constant 1 : i32
      %add3A_47 = arith.addi %add3A_39, %add3A_46 : i32
      %dma_start3A_48 = arith.constant 0 : i32
      %dma_start3A_49 = tpu.memref_slice %arg6[%add3A_47, %dma_start3A_48] : memref<80x128xi32, #tpu.memory_space<vmem>> -> memref<1x128xi32, #tpu.memory_space<vmem>>
      %dma_start3A_50 = tpu.memref_squeeze %dma_start3A_49 : memref<1x128xi32, #tpu.memory_space<vmem>> -> memref<128xi32, #tpu.memory_space<vmem>>
      %dma_start3A_51 = arith.constant 0 : i32
      %dma_start3A_52 = tpu.memref_slice %arg8[%dma_start3A_51] : memref<10000xf32, #tpu.memory_space<vmem_shared>> -> memref<10000xf32, #tpu.memory_space<vmem_shared>>
      tpu.enqueue_indirect_dma source(%arg7 : memref<128xf32, #tpu.memory_space<vmem>>) target(%dma_start3A_52 : memref<10000xf32, #tpu.memory_space<vmem_shared>>) offsets(%dma_start3A_50 : memref<128xi32, #tpu.memory_space<vmem>>) semaphore(%arg9 : memref<!tpu.dma_semaphore, #tpu.memory_space<semaphore_mem>>) {add = true}
      %add3A_53 = arith.constant 2 : i32
      %add3A_54 = arith.addi %add3A_39, %add3A_53 : i32
      %dma_start3A_55 = arith.constant 0 : i32
      %dma_start3A_56 = tpu.memref_slice %arg6[%add3A_54, %dma_start3A_55] : memref<80x128xi32, #tpu.memory_space<vmem>> -> memref<1x128xi32, #tpu.memory_space<vmem>>
      %dma_start3A_57 = tpu.memref_squeeze %dma_start3A_56 : memref<1x128xi32, #tpu.memory_space<vmem>> -> memref<128xi32, #tpu.memory_space<vmem>>
      %dma_start3A_58 = arith.constant 0 : i32
      %dma_start3A_59 = tpu.memref_slice %arg8[%dma_start3A_58] : memref<10000xf32, #tpu.memory_space<vmem_shared>> -> memref<10000xf32, #tpu.memory_space<vmem_shared>>
      tpu.enqueue_indirect_dma source(%arg7 : memref<128xf32, #tpu.memory_space<vmem>>) target(%dma_start3A_59 : memref<10000xf32, #tpu.memory_space<vmem_shared>>) offsets(%dma_start3A_57 : memref<128xi32, #tpu.memory_space<vmem>>) semaphore(%arg9 : memref<!tpu.dma_semaphore, #tpu.memory_space<semaphore_mem>>) {add = true}
      %add3A_60 = arith.constant 3 : i32
      %add3A_61 = arith.addi %add3A_39, %add3A_60 : i32
      %dma_start3A_62 = arith.constant 0 : i32
      %dma_start3A_63 = tpu.memref_slice %arg6[%add3A_61, %dma_start3A_62] : memref<80x128xi32, #tpu.memory_space<vmem>> -> memref<1x128xi32, #tpu.memory_space<vmem>>
      %dma_start3A_64 = tpu.memref_squeeze %dma_start3A_63 : memref<1x128xi32, #tpu.memory_space<vmem>> -> memref<128xi32, #tpu.memory_space<vmem>>
      %dma_start3A_65 = arith.constant 0 : i32
      %dma_start3A_66 = tpu.memref_slice %arg8[%dma_start3A_65] : memref<10000xf32, #tpu.memory_space<vmem_shared>> -> memref<10000xf32, #tpu.memory_space<vmem_shared>>
      tpu.enqueue_indirect_dma source(%arg7 : memref<128xf32, #tpu.memory_space<vmem>>) target(%dma_start3A_66 : memref<10000xf32, #tpu.memory_space<vmem_shared>>) offsets(%dma_start3A_64 : memref<128xi32, #tpu.memory_space<vmem>>) semaphore(%arg9 : memref<!tpu.dma_semaphore, #tpu.memory_space<semaphore_mem>>) {add = true}
      %add3A_67 = arith.constant 0 : i32
      %add3A_68 = arith.addi %add3A_39, %add3A_67 : i32
      %dma_wait3A = arith.constant 0 : i32
      %dma_wait3A_69 = tpu.memref_slice %arg6[%add3A_68, %dma_wait3A] : memref<80x128xi32, #tpu.memory_space<vmem>> -> memref<1x128xi32, #tpu.memory_space<vmem>>
      %dma_wait3A_70 = tpu.memref_squeeze %dma_wait3A_69 : memref<1x128xi32, #tpu.memory_space<vmem>> -> memref<128xi32, #tpu.memory_space<vmem>>
      %dma_wait3A_71 = arith.constant 0 : i32
      %dma_wait3A_72 = tpu.memref_slice %arg8[%dma_wait3A_71] : memref<10000xf32, #tpu.memory_space<vmem_shared>> -> memref<10000xf32, #tpu.memory_space<vmem_shared>>
      tpu.wait_indirect_dma semaphore(%arg9 : memref<!tpu.dma_semaphore, #tpu.memory_space<semaphore_mem>>) src(%arg7 : memref<128xf32, #tpu.memory_space<vmem>>) dst(%dma_wait3A_72 : memref<10000xf32, #tpu.memory_space<vmem_shared>>)
      %add3A_73 = arith.constant 1 : i32
      %add3A_74 = arith.addi %add3A_39, %add3A_73 : i32
      %dma_wait3A_75 = arith.constant 0 : i32
      %dma_wait3A_76 = tpu.memref_slice %arg6[%add3A_74, %dma_wait3A_75] : memref<80x128xi32, #tpu.memory_space<vmem>> -> memref<1x128xi32, #tpu.memory_space<vmem>>
      %dma_wait3A_77 = tpu.memref_squeeze %dma_wait3A_76 : memref<1x128xi32, #tpu.memory_space<vmem>> -> memref<128xi32, #tpu.memory_space<vmem>>
      %dma_wait3A_78 = arith.constant 0 : i32
      %dma_wait3A_79 = tpu.memref_slice %arg8[%dma_wait3A_78] : memref<10000xf32, #tpu.memory_space<vmem_shared>> -> memref<10000xf32, #tpu.memory_space<vmem_shared>>
      tpu.wait_indirect_dma semaphore(%arg9 : memref<!tpu.dma_semaphore, #tpu.memory_space<semaphore_mem>>) src(%arg7 : memref<128xf32, #tpu.memory_space<vmem>>) dst(%dma_wait3A_79 : memref<10000xf32, #tpu.memory_space<vmem_shared>>)
      %add3A_80 = arith.constant 2 : i32
      %add3A_81 = arith.addi %add3A_39, %add3A_80 : i32
      %dma_wait3A_82 = arith.constant 0 : i32
      %dma_wait3A_83 = tpu.memref_slice %arg6[%add3A_81, %dma_wait3A_82] : memref<80x128xi32, #tpu.memory_space<vmem>> -> memref<1x128xi32, #tpu.memory_space<vmem>>
      %dma_wait3A_84 = tpu.memref_squeeze %dma_wait3A_83 : memref<1x128xi32, #tpu.memory_space<vmem>> -> memref<128xi32, #tpu.memory_space<vmem>>
      %dma_wait3A_85 = arith.constant 0 : i32
      %dma_wait3A_86 = tpu.memref_slice %arg8[%dma_wait3A_85] : memref<10000xf32, #tpu.memory_space<vmem_shared>> -> memref<10000xf32, #tpu.memory_space<vmem_shared>>
      tpu.wait_indirect_dma semaphore(%arg9 : memref<!tpu.dma_semaphore, #tpu.memory_space<semaphore_mem>>) src(%arg7 : memref<128xf32, #tpu.memory_space<vmem>>) dst(%dma_wait3A_86 : memref<10000xf32, #tpu.memory_space<vmem_shared>>)
      %add3A_87 = arith.constant 3 : i32
      %add3A_88 = arith.addi %add3A_39, %add3A_87 : i32
      %dma_wait3A_89 = arith.constant 0 : i32
      %dma_wait3A_90 = tpu.memref_slice %arg6[%add3A_88, %dma_wait3A_89] : memref<80x128xi32, #tpu.memory_space<vmem>> -> memref<1x128xi32, #tpu.memory_space<vmem>>
      %dma_wait3A_91 = tpu.memref_squeeze %dma_wait3A_90 : memref<1x128xi32, #tpu.memory_space<vmem>> -> memref<128xi32, #tpu.memory_space<vmem>>
      %dma_wait3A_92 = arith.constant 0 : i32
      %dma_wait3A_93 = tpu.memref_slice %arg8[%dma_wait3A_92] : memref<10000xf32, #tpu.memory_space<vmem_shared>> -> memref<10000xf32, #tpu.memory_space<vmem_shared>>
      tpu.wait_indirect_dma semaphore(%arg9 : memref<!tpu.dma_semaphore, #tpu.memory_space<semaphore_mem>>) src(%arg7 : memref<128xf32, #tpu.memory_space<vmem>>) dst(%dma_wait3A_93 : memref<10000xf32, #tpu.memory_space<vmem_shared>>)
    }
    %barrier3A_31 = arith.constant 0 : index
    tpu.barrier barrier_id(%barrier3A_31)
    %eq3A_32 = arith.constant 0 : i32
    %eq3A_33 = arith.cmpi eq, %arg1, %eq3A_32 : i32
    %convert_element_type3A_34 = arith.extui %eq3A_33 : i1 to i32
    %cond3A_35 = arith.constant 0 : i32
    %cond3A_36 = arith.cmpi ne, %convert_element_type3A_34, %cond3A_35 : i32
    scf.if %cond3A_36 {
      "tpu.region"() ({
        %run_scoped3A = tpu.sem_alloc : memref<!tpu.dma_semaphore, #tpu.memory_space<semaphore_mem>>
        %dma_start3A = arith.constant 0 : i32
        %dma_start3A_37 = tpu.memref_slice %arg5[%arg0, %dma_start3A] : memref<2x10000xf32, #tpu.memory_space<hbm>> -> memref<1x10000xf32, #tpu.memory_space<hbm>>
        %dma_start3A_38 = tpu.memref_squeeze %dma_start3A_37 : memref<1x10000xf32, #tpu.memory_space<hbm>> -> memref<10000xf32, #tpu.memory_space<hbm>>
        tpu.enqueue_dma source(%arg8 : memref<10000xf32, #tpu.memory_space<vmem_shared>>) target(%dma_start3A_38 : memref<10000xf32, #tpu.memory_space<hbm>>) target_semaphore(%run_scoped3A : memref<!tpu.dma_semaphore, #tpu.memory_space<semaphore_mem>>)
        %dma_wait3A = arith.constant 0 : i32
        %dma_wait3A_39 = tpu.memref_slice %arg5[%arg0, %dma_wait3A] : memref<2x10000xf32, #tpu.memory_space<hbm>> -> memref<1x10000xf32, #tpu.memory_space<hbm>>
        %dma_wait3A_40 = tpu.memref_squeeze %dma_wait3A_39 : memref<1x10000xf32, #tpu.memory_space<hbm>> -> memref<10000xf32, #tpu.memory_space<hbm>>
        tpu.wait_dma2 semaphore(%run_scoped3A : memref<!tpu.dma_semaphore, #tpu.memory_space<semaphore_mem>>) src(%arg8 : memref<10000xf32, #tpu.memory_space<vmem_shared>>) dst(%dma_wait3A_40 : memref<10000xf32, #tpu.memory_space<hbm>>)
        tpu.yield
      }) : () -> ()
    } else {
    }
    return
  }
}

#map = affine_map<(d0, d1) -> (0, 0)>
#map1 = affine_map<(d0, d1) -> (0, 0, 0)>
module attributes {stable_mosaic.version = 14 : i64} {
  func.func @_agg(%arg0: i32, %arg1: i32, %arg2: memref<10000x128xf32, #tpu.memory_space<hbm>>, %arg3: memref<2500x128xi32, #tpu.memory_space<hbm>>, %arg4: memref<2500x128xi32, #tpu.memory_space<hbm>>, %arg5: memref<2x10000x128xf32, #tpu.memory_space<hbm>>, %arg6: memref<80x128xi32, #tpu.memory_space<vmem>>, %arg7: memref<40x128xi32, #tpu.memory_space<vmem>>, %arg8: memref<128x128xf32, #tpu.memory_space<vmem>>, %arg9: memref<128x128xf32, #tpu.memory_space<vmem>>, %arg10: memref<10000x128xf32, #tpu.memory_space<vmem_shared>>, %arg11: memref<!tpu.dma_semaphore, #tpu.memory_space<semaphore_mem>>, %arg12: memref<!tpu.dma_semaphore, #tpu.memory_space<semaphore_mem>>) attributes {dimension_semantics = [#tpu.dimension_semantics<core_parallel>, #tpu.dimension_semantics<subcore_parallel>], iteration_bounds = array<i64: 2, 16>, scalar_prefetch = 0 : i64, scratch_operands = 7 : i64, tpu.core_type = #tpu.core_type<sc_vector_subcore>, window_params = [{transform_indices = #map}, {transform_indices = #map}, {transform_indices = #map}, {transform_indices = #map1}]} {
    %mul3A = arith.constant 16 : i32
    %mul3A_0 = arith.muli %arg0, %mul3A : i32
    %add3A = arith.addi %mul3A_0, %arg1 : i32
    %eq3A = arith.constant 31 : i32
    %eq3A_1 = arith.cmpi eq, %add3A, %eq3A : i32
    %jit3A = arith.constant 20 : i32
    %jit3A_2 = arith.constant 80 : i32
    %select_n3A = arith.select %eq3A_1, %jit3A, %jit3A_2 : i32
    %lt3A = arith.constant 31 : i32
    %lt3A_3 = arith.cmpi slt, %add3A, %lt3A : i32
    %convert_element_type3A = arith.extui %lt3A_3 : i1 to i32
    %cond3A = arith.constant 0 : i32
    %cond3A_4 = arith.cmpi ne, %convert_element_type3A, %cond3A : i32
    scf.if %cond3A_4 {
      %mul3A_59 = arith.constant 80 : i32
      %mul3A_60 = arith.muli %add3A, %mul3A_59 : i32
      %multiple_of3A_61 = tpu.assume_multiple %mul3A_60, 8 : i32
      "tpu.region"() ({
        %run_scoped3A = tpu.sem_alloc : memref<!tpu.dma_semaphore, #tpu.memory_space<semaphore_mem>>
        %dma_start3A_62 = arith.constant 0 : i32
        %dma_start3A_63 = tpu.memref_slice %arg3[%multiple_of3A_61, %dma_start3A_62] : memref<2500x128xi32, #tpu.memory_space<hbm>> -> memref<80x128xi32, #tpu.memory_space<hbm>>
        %dma_start3A_64 = arith.constant 0 : i32
        %dma_start3A_65 = tpu.memref_slice %arg3[%multiple_of3A_61, %dma_start3A_64] : memref<2500x128xi32, #tpu.memory_space<hbm>> -> memref<80x128xi32, #tpu.memory_space<hbm>>
        tpu.enqueue_dma source(%dma_start3A_65 : memref<80x128xi32, #tpu.memory_space<hbm>>) target(%arg6 : memref<80x128xi32, #tpu.memory_space<vmem>>) target_semaphore(%run_scoped3A : memref<!tpu.dma_semaphore, #tpu.memory_space<semaphore_mem>>)
        %dma_wait3A = arith.constant 0 : i32
        %dma_wait3A_66 = tpu.memref_slice %arg3[%multiple_of3A_61, %dma_wait3A] : memref<2500x128xi32, #tpu.memory_space<hbm>> -> memref<80x128xi32, #tpu.memory_space<hbm>>
        %dma_wait3A_67 = arith.constant 0 : i32
        %dma_wait3A_68 = tpu.memref_slice %arg3[%multiple_of3A_61, %dma_wait3A_67] : memref<2500x128xi32, #tpu.memory_space<hbm>> -> memref<80x128xi32, #tpu.memory_space<hbm>>
        tpu.wait_dma2 semaphore(%run_scoped3A : memref<!tpu.dma_semaphore, #tpu.memory_space<semaphore_mem>>) src(%dma_wait3A_68 : memref<80x128xi32, #tpu.memory_space<hbm>>) dst(%arg6 : memref<80x128xi32, #tpu.memory_space<vmem>>)
        tpu.yield
      }) : () -> ()
    } else {
    }
    %eq3A_5 = arith.constant 31 : i32
    %eq3A_6 = arith.cmpi eq, %add3A, %eq3A_5 : i32
    %convert_element_type3A_7 = arith.extui %eq3A_6 : i1 to i32
    %cond3A_8 = arith.constant 0 : i32
    %cond3A_9 = arith.cmpi ne, %convert_element_type3A_7, %cond3A_8 : i32
    scf.if %cond3A_9 {
      "tpu.region"() ({
        %run_scoped3A = tpu.sem_alloc : memref<!tpu.dma_semaphore, #tpu.memory_space<semaphore_mem>>
        %dma_start3A_59 = arith.constant 0 : i32
        %dma_start3A_60 = arith.constant 0 : i32
        %dma_start3A_61 = tpu.memref_slice %arg6[%dma_start3A_59, %dma_start3A_60] : memref<80x128xi32, #tpu.memory_space<vmem>> -> memref<20x128xi32, #tpu.memory_space<vmem>>
        %dma_start3A_62 = arith.constant 2480 : i32
        %dma_start3A_63 = arith.constant 0 : i32
        %dma_start3A_64 = tpu.memref_slice %arg3[%dma_start3A_62, %dma_start3A_63] : memref<2500x128xi32, #tpu.memory_space<hbm>> -> memref<20x128xi32, #tpu.memory_space<hbm>>
        %dma_start3A_65 = arith.constant 0 : i32
        %dma_start3A_66 = arith.constant 0 : i32
        %dma_start3A_67 = tpu.memref_slice %arg6[%dma_start3A_65, %dma_start3A_66] : memref<80x128xi32, #tpu.memory_space<vmem>> -> memref<20x128xi32, #tpu.memory_space<vmem>>
        %dma_start3A_68 = arith.constant 2480 : i32
        %dma_start3A_69 = arith.constant 0 : i32
        %dma_start3A_70 = tpu.memref_slice %arg3[%dma_start3A_68, %dma_start3A_69] : memref<2500x128xi32, #tpu.memory_space<hbm>> -> memref<20x128xi32, #tpu.memory_space<hbm>>
        tpu.enqueue_dma source(%dma_start3A_70 : memref<20x128xi32, #tpu.memory_space<hbm>>) target(%dma_start3A_67 : memref<20x128xi32, #tpu.memory_space<vmem>>) target_semaphore(%run_scoped3A : memref<!tpu.dma_semaphore, #tpu.memory_space<semaphore_mem>>)
        %dma_wait3A = arith.constant 0 : i32
        %dma_wait3A_71 = arith.constant 0 : i32
        %dma_wait3A_72 = tpu.memref_slice %arg6[%dma_wait3A, %dma_wait3A_71] : memref<80x128xi32, #tpu.memory_space<vmem>> -> memref<20x128xi32, #tpu.memory_space<vmem>>
        %dma_wait3A_73 = arith.constant 2480 : i32
        %dma_wait3A_74 = arith.constant 0 : i32
        %dma_wait3A_75 = tpu.memref_slice %arg3[%dma_wait3A_73, %dma_wait3A_74] : memref<2500x128xi32, #tpu.memory_space<hbm>> -> memref<20x128xi32, #tpu.memory_space<hbm>>
        %dma_wait3A_76 = arith.constant 0 : i32
        %dma_wait3A_77 = arith.constant 0 : i32
        %dma_wait3A_78 = tpu.memref_slice %arg6[%dma_wait3A_76, %dma_wait3A_77] : memref<80x128xi32, #tpu.memory_space<vmem>> -> memref<20x128xi32, #tpu.memory_space<vmem>>
        %dma_wait3A_79 = arith.constant 2480 : i32
        %dma_wait3A_80 = arith.constant 0 : i32
        %dma_wait3A_81 = tpu.memref_slice %arg3[%dma_wait3A_79, %dma_wait3A_80] : memref<2500x128xi32, #tpu.memory_space<hbm>> -> memref<20x128xi32, #tpu.memory_space<hbm>>
        tpu.wait_dma2 semaphore(%run_scoped3A : memref<!tpu.dma_semaphore, #tpu.memory_space<semaphore_mem>>) src(%dma_wait3A_81 : memref<20x128xi32, #tpu.memory_space<hbm>>) dst(%dma_wait3A_78 : memref<20x128xi32, #tpu.memory_space<vmem>>)
        tpu.yield
      }) : () -> ()
    } else {
    }
    %mul3A_10 = arith.constant 632 : i32
    %mul3A_11 = arith.muli %arg1, %mul3A_10 : i32
    %multiple_of3A = tpu.assume_multiple %mul3A_11, 8 : i32
    %scan3A = arith.constant 0 : i32
    %scan3A_12 = arith.constant 128 : i32
    %scan3A_13 = arith.addi %scan3A, %scan3A_12 : i32
    %scan3A_14 = arith.constant 1 : i32
    scf.for %scan3A_59 = %scan3A to %scan3A_13 step %scan3A_14  : i32 {
      %mul3A_60 = arith.constant 1 : i32
      %mul3A_61 = arith.muli %scan3A_59, %mul3A_60 : i32
      %add3A_62 = arith.constant 0 : i32
      %add3A_63 = arith.addi %add3A_62, %mul3A_61 : i32
      %broadcast_in_dim3A = arith.constant 0.000000e+00 : f32
      %broadcast_in_dim3A_64 = vector.broadcast %broadcast_in_dim3A : f32 to vector<16xf32>
      %swap3A = arith.index_cast %add3A_63 : i32 to index
      %swap3A_65 = arith.constant 0 : index
      %swap3A_66 = tpu.vector_load %arg8[%swap3A, %swap3A_65] {strides = array<i32>} : memref<128x128xf32, #tpu.memory_space<vmem>>, vector<1x16xf32>,
      %swap3A_67 = vector.shape_cast %swap3A_66 : vector<1x16xf32> to vector<16xf32>
      %swap3A_68 = vector.shape_cast %broadcast_in_dim3A_64 : vector<16xf32> to vector<1x16xf32>
      tpu.vector_store %arg8[%swap3A, %swap3A_65], %swap3A_68 {strides = array<i32>} : memref<128x128xf32, #tpu.memory_space<vmem>>, vector<1x16xf32>,
      %broadcast_in_dim3A_69 = arith.constant 0.000000e+00 : f32
      %broadcast_in_dim3A_70 = vector.broadcast %broadcast_in_dim3A_69 : f32 to vector<16xf32>
      %swap3A_71 = arith.index_cast %add3A_63 : i32 to index
      %swap3A_72 = arith.constant 16 : index
      %swap3A_73 = tpu.vector_load %arg8[%swap3A_71, %swap3A_72] {strides = array<i32>} : memref<128x128xf32, #tpu.memory_space<vmem>>, vector<1x16xf32>,
      %swap3A_74 = vector.shape_cast %swap3A_73 : vector<1x16xf32> to vector<16xf32>
      %swap3A_75 = vector.shape_cast %broadcast_in_dim3A_70 : vector<16xf32> to vector<1x16xf32>
      tpu.vector_store %arg8[%swap3A_71, %swap3A_72], %swap3A_75 {strides = array<i32>} : memref<128x128xf32, #tpu.memory_space<vmem>>, vector<1x16xf32>,
      %broadcast_in_dim3A_76 = arith.constant 0.000000e+00 : f32
      %broadcast_in_dim3A_77 = vector.broadcast %broadcast_in_dim3A_76 : f32 to vector<16xf32>
      %swap3A_78 = arith.index_cast %add3A_63 : i32 to index
      %swap3A_79 = arith.constant 32 : index
      %swap3A_80 = tpu.vector_load %arg8[%swap3A_78, %swap3A_79] {strides = array<i32>} : memref<128x128xf32, #tpu.memory_space<vmem>>, vector<1x16xf32>,
      %swap3A_81 = vector.shape_cast %swap3A_80 : vector<1x16xf32> to vector<16xf32>
      %swap3A_82 = vector.shape_cast %broadcast_in_dim3A_77 : vector<16xf32> to vector<1x16xf32>
      tpu.vector_store %arg8[%swap3A_78, %swap3A_79], %swap3A_82 {strides = array<i32>} : memref<128x128xf32, #tpu.memory_space<vmem>>, vector<1x16xf32>,
      %broadcast_in_dim3A_83 = arith.constant 0.000000e+00 : f32
      %broadcast_in_dim3A_84 = vector.broadcast %broadcast_in_dim3A_83 : f32 to vector<16xf32>
      %swap3A_85 = arith.index_cast %add3A_63 : i32 to index
      %swap3A_86 = arith.constant 48 : index
      %swap3A_87 = tpu.vector_load %arg8[%swap3A_85, %swap3A_86] {strides = array<i32>} : memref<128x128xf32, #tpu.memory_space<vmem>>, vector<1x16xf32>,
      %swap3A_88 = vector.shape_cast %swap3A_87 : vector<1x16xf32> to vector<16xf32>
      %swap3A_89 = vector.shape_cast %broadcast_in_dim3A_84 : vector<16xf32> to vector<1x16xf32>
      tpu.vector_store %arg8[%swap3A_85, %swap3A_86], %swap3A_89 {strides = array<i32>} : memref<128x128xf32, #tpu.memory_space<vmem>>, vector<1x16xf32>,
      %broadcast_in_dim3A_90 = arith.constant 0.000000e+00 : f32
      %broadcast_in_dim3A_91 = vector.broadcast %broadcast_in_dim3A_90 : f32 to vector<16xf32>
      %swap3A_92 = arith.index_cast %add3A_63 : i32 to index
      %swap3A_93 = arith.constant 64 : index
      %swap3A_94 = tpu.vector_load %arg8[%swap3A_92, %swap3A_93] {strides = array<i32>} : memref<128x128xf32, #tpu.memory_space<vmem>>, vector<1x16xf32>,
      %swap3A_95 = vector.shape_cast %swap3A_94 : vector<1x16xf32> to vector<16xf32>
      %swap3A_96 = vector.shape_cast %broadcast_in_dim3A_91 : vector<16xf32> to vector<1x16xf32>
      tpu.vector_store %arg8[%swap3A_92, %swap3A_93], %swap3A_96 {strides = array<i32>} : memref<128x128xf32, #tpu.memory_space<vmem>>, vector<1x16xf32>,
      %broadcast_in_dim3A_97 = arith.constant 0.000000e+00 : f32
      %broadcast_in_dim3A_98 = vector.broadcast %broadcast_in_dim3A_97 : f32 to vector<16xf32>
      %swap3A_99 = arith.index_cast %add3A_63 : i32 to index
      %swap3A_100 = arith.constant 80 : index
      %swap3A_101 = tpu.vector_load %arg8[%swap3A_99, %swap3A_100] {strides = array<i32>} : memref<128x128xf32, #tpu.memory_space<vmem>>, vector<1x16xf32>,
      %swap3A_102 = vector.shape_cast %swap3A_101 : vector<1x16xf32> to vector<16xf32>
      %swap3A_103 = vector.shape_cast %broadcast_in_dim3A_98 : vector<16xf32> to vector<1x16xf32>
      tpu.vector_store %arg8[%swap3A_99, %swap3A_100], %swap3A_103 {strides = array<i32>} : memref<128x128xf32, #tpu.memory_space<vmem>>, vector<1x16xf32>,
      %broadcast_in_dim3A_104 = arith.constant 0.000000e+00 : f32
      %broadcast_in_dim3A_105 = vector.broadcast %broadcast_in_dim3A_104 : f32 to vector<16xf32>
      %swap3A_106 = arith.index_cast %add3A_63 : i32 to index
      %swap3A_107 = arith.constant 96 : index
      %swap3A_108 = tpu.vector_load %arg8[%swap3A_106, %swap3A_107] {strides = array<i32>} : memref<128x128xf32, #tpu.memory_space<vmem>>, vector<1x16xf32>,
      %swap3A_109 = vector.shape_cast %swap3A_108 : vector<1x16xf32> to vector<16xf32>
      %swap3A_110 = vector.shape_cast %broadcast_in_dim3A_105 : vector<16xf32> to vector<1x16xf32>
      tpu.vector_store %arg8[%swap3A_106, %swap3A_107], %swap3A_110 {strides = array<i32>} : memref<128x128xf32, #tpu.memory_space<vmem>>, vector<1x16xf32>,
      %broadcast_in_dim3A_111 = arith.constant 0.000000e+00 : f32
      %broadcast_in_dim3A_112 = vector.broadcast %broadcast_in_dim3A_111 : f32 to vector<16xf32>
      %swap3A_113 = arith.index_cast %add3A_63 : i32 to index
      %swap3A_114 = arith.constant 112 : index
      %swap3A_115 = tpu.vector_load %arg8[%swap3A_113, %swap3A_114] {strides = array<i32>} : memref<128x128xf32, #tpu.memory_space<vmem>>, vector<1x16xf32>,
      %swap3A_116 = vector.shape_cast %swap3A_115 : vector<1x16xf32> to vector<16xf32>
      %swap3A_117 = vector.shape_cast %broadcast_in_dim3A_112 : vector<16xf32> to vector<1x16xf32>
      tpu.vector_store %arg8[%swap3A_113, %swap3A_114], %swap3A_117 {strides = array<i32>} : memref<128x128xf32, #tpu.memory_space<vmem>>, vector<1x16xf32>,
    }
    %scan3A_15 = arith.constant 128 : i32
    %lt3A_16 = arith.constant 15 : i32
    %lt3A_17 = arith.cmpi slt, %arg1, %lt3A_16 : i32
    %convert_element_type3A_18 = arith.extui %lt3A_17 : i1 to i32
    %cond3A_19 = arith.constant 0 : i32
    %cond3A_20 = arith.cmpi ne, %convert_element_type3A_18, %cond3A_19 : i32
    scf.if %cond3A_20 {
      %add3A_59 = arith.constant 0 : i32
      %add3A_60 = arith.addi %multiple_of3A, %add3A_59 : i32
      "tpu.region"() ({
        %run_scoped3A = tpu.sem_alloc : memref<!tpu.dma_semaphore, #tpu.memory_space<semaphore_mem>>
        %dma_start3A_71 = arith.constant 0 : i32
        %dma_start3A_72 = arith.constant 0 : i32
        %dma_start3A_73 = tpu.memref_slice %arg8[%dma_start3A_71, %dma_start3A_72] : memref<128x128xf32, #tpu.memory_space<vmem>> -> memref<120x128xf32, #tpu.memory_space<vmem>>
        %dma_start3A_74 = arith.constant 0 : i32
        %dma_start3A_75 = tpu.memref_slice %arg10[%add3A_60, %dma_start3A_74] : memref<10000x128xf32, #tpu.memory_space<vmem_shared>> -> memref<120x128xf32, #tpu.memory_space<vmem_shared>>
        %dma_start3A_76 = arith.constant 0 : i32
        %dma_start3A_77 = tpu.memref_slice %arg10[%add3A_60, %dma_start3A_76] : memref<10000x128xf32, #tpu.memory_space<vmem_shared>> -> memref<120x128xf32, #tpu.memory_space<vmem_shared>>
        %dma_start3A_78 = arith.constant 0 : i32
        %dma_start3A_79 = arith.constant 0 : i32
        %dma_start3A_80 = tpu.memref_slice %arg8[%dma_start3A_78, %dma_start3A_79] : memref<128x128xf32, #tpu.memory_space<vmem>> -> memref<120x128xf32, #tpu.memory_space<vmem>>
        tpu.enqueue_dma source(%dma_start3A_80 : memref<120x128xf32, #tpu.memory_space<vmem>>) target(%dma_start3A_77 : memref<120x128xf32, #tpu.memory_space<vmem_shared>>) target_semaphore(%run_scoped3A : memref<!tpu.dma_semaphore, #tpu.memory_space<semaphore_mem>>)
        %dma_wait3A = arith.constant 0 : i32
        %dma_wait3A_81 = arith.constant 0 : i32
        %dma_wait3A_82 = tpu.memref_slice %arg8[%dma_wait3A, %dma_wait3A_81] : memref<128x128xf32, #tpu.memory_space<vmem>> -> memref<120x128xf32, #tpu.memory_space<vmem>>
        %dma_wait3A_83 = arith.constant 0 : i32
        %dma_wait3A_84 = tpu.memref_slice %arg10[%add3A_60, %dma_wait3A_83] : memref<10000x128xf32, #tpu.memory_space<vmem_shared>> -> memref<120x128xf32, #tpu.memory_space<vmem_shared>>
        %dma_wait3A_85 = arith.constant 0 : i32
        %dma_wait3A_86 = tpu.memref_slice %arg10[%add3A_60, %dma_wait3A_85] : memref<10000x128xf32, #tpu.memory_space<vmem_shared>> -> memref<120x128xf32, #tpu.memory_space<vmem_shared>>
        %dma_wait3A_87 = arith.constant 0 : i32
        %dma_wait3A_88 = arith.constant 0 : i32
        %dma_wait3A_89 = tpu.memref_slice %arg8[%dma_wait3A_87, %dma_wait3A_88] : memref<128x128xf32, #tpu.memory_space<vmem>> -> memref<120x128xf32, #tpu.memory_space<vmem>>
        tpu.wait_dma2 semaphore(%run_scoped3A : memref<!tpu.dma_semaphore, #tpu.memory_space<semaphore_mem>>) src(%dma_wait3A_89 : memref<120x128xf32, #tpu.memory_space<vmem>>) dst(%dma_wait3A_86 : memref<120x128xf32, #tpu.memory_space<vmem_shared>>)
        tpu.yield
      }) : () -> ()
      %add3A_61 = arith.constant 120 : i32
      %add3A_62 = arith.addi %multiple_of3A, %add3A_61 : i32
      "tpu.region"() ({
        %run_scoped3A = tpu.sem_alloc : memref<!tpu.dma_semaphore, #tpu.memory_space<semaphore_mem>>
        %dma_start3A_71 = arith.constant 0 : i32
        %dma_start3A_72 = arith.constant 0 : i32
        %dma_start3A_73 = tpu.memref_slice %arg8[%dma_start3A_71, %dma_start3A_72] : memref<128x128xf32, #tpu.memory_space<vmem>> -> memref<120x128xf32, #tpu.memory_space<vmem>>
        %dma_start3A_74 = arith.constant 0 : i32
        %dma_start3A_75 = tpu.memref_slice %arg10[%add3A_62, %dma_start3A_74] : memref<10000x128xf32, #tpu.memory_space<vmem_shared>> -> memref<120x128xf32, #tpu.memory_space<vmem_shared>>
        %dma_start3A_76 = arith.constant 0 : i32
        %dma_start3A_77 = tpu.memref_slice %arg10[%add3A_62, %dma_start3A_76] : memref<10000x128xf32, #tpu.memory_space<vmem_shared>> -> memref<120x128xf32, #tpu.memory_space<vmem_shared>>
        %dma_start3A_78 = arith.constant 0 : i32
        %dma_start3A_79 = arith.constant 0 : i32
        %dma_start3A_80 = tpu.memref_slice %arg8[%dma_start3A_78, %dma_start3A_79] : memref<128x128xf32, #tpu.memory_space<vmem>> -> memref<120x128xf32, #tpu.memory_space<vmem>>
        tpu.enqueue_dma source(%dma_start3A_80 : memref<120x128xf32, #tpu.memory_space<vmem>>) target(%dma_start3A_77 : memref<120x128xf32, #tpu.memory_space<vmem_shared>>) target_semaphore(%run_scoped3A : memref<!tpu.dma_semaphore, #tpu.memory_space<semaphore_mem>>)
        %dma_wait3A = arith.constant 0 : i32
        %dma_wait3A_81 = arith.constant 0 : i32
        %dma_wait3A_82 = tpu.memref_slice %arg8[%dma_wait3A, %dma_wait3A_81] : memref<128x128xf32, #tpu.memory_space<vmem>> -> memref<120x128xf32, #tpu.memory_space<vmem>>
        %dma_wait3A_83 = arith.constant 0 : i32
        %dma_wait3A_84 = tpu.memref_slice %arg10[%add3A_62, %dma_wait3A_83] : memref<10000x128xf32, #tpu.memory_space<vmem_shared>> -> memref<120x128xf32, #tpu.memory_space<vmem_shared>>
        %dma_wait3A_85 = arith.constant 0 : i32
        %dma_wait3A_86 = tpu.memref_slice %arg10[%add3A_62, %dma_wait3A_85] : memref<10000x128xf32, #tpu.memory_space<vmem_shared>> -> memref<120x128xf32, #tpu.memory_space<vmem_shared>>
        %dma_wait3A_87 = arith.constant 0 : i32
        %dma_wait3A_88 = arith.constant 0 : i32
        %dma_wait3A_89 = tpu.memref_slice %arg8[%dma_wait3A_87, %dma_wait3A_88] : memref<128x128xf32, #tpu.memory_space<vmem>> -> memref<120x128xf32, #tpu.memory_space<vmem>>
        tpu.wait_dma2 semaphore(%run_scoped3A : memref<!tpu.dma_semaphore, #tpu.memory_space<semaphore_mem>>) src(%dma_wait3A_89 : memref<120x128xf32, #tpu.memory_space<vmem>>) dst(%dma_wait3A_86 : memref<120x128xf32, #tpu.memory_space<vmem_shared>>)
        tpu.yield
      }) : () -> ()
      %add3A_63 = arith.constant 240 : i32
      %add3A_64 = arith.addi %multiple_of3A, %add3A_63 : i32
      "tpu.region"() ({
        %run_scoped3A = tpu.sem_alloc : memref<!tpu.dma_semaphore, #tpu.memory_space<semaphore_mem>>
        %dma_start3A_71 = arith.constant 0 : i32
        %dma_start3A_72 = arith.constant 0 : i32
        %dma_start3A_73 = tpu.memref_slice %arg8[%dma_start3A_71, %dma_start3A_72] : memref<128x128xf32, #tpu.memory_space<vmem>> -> memref<120x128xf32, #tpu.memory_space<vmem>>
        %dma_start3A_74 = arith.constant 0 : i32
        %dma_start3A_75 = tpu.memref_slice %arg10[%add3A_64, %dma_start3A_74] : memref<10000x128xf32, #tpu.memory_space<vmem_shared>> -> memref<120x128xf32, #tpu.memory_space<vmem_shared>>
        %dma_start3A_76 = arith.constant 0 : i32
        %dma_start3A_77 = tpu.memref_slice %arg10[%add3A_64, %dma_start3A_76] : memref<10000x128xf32, #tpu.memory_space<vmem_shared>> -> memref<120x128xf32, #tpu.memory_space<vmem_shared>>
        %dma_start3A_78 = arith.constant 0 : i32
        %dma_start3A_79 = arith.constant 0 : i32
        %dma_start3A_80 = tpu.memref_slice %arg8[%dma_start3A_78, %dma_start3A_79] : memref<128x128xf32, #tpu.memory_space<vmem>> -> memref<120x128xf32, #tpu.memory_space<vmem>>
        tpu.enqueue_dma source(%dma_start3A_80 : memref<120x128xf32, #tpu.memory_space<vmem>>) target(%dma_start3A_77 : memref<120x128xf32, #tpu.memory_space<vmem_shared>>) target_semaphore(%run_scoped3A : memref<!tpu.dma_semaphore, #tpu.memory_space<semaphore_mem>>)
        %dma_wait3A = arith.constant 0 : i32
        %dma_wait3A_81 = arith.constant 0 : i32
        %dma_wait3A_82 = tpu.memref_slice %arg8[%dma_wait3A, %dma_wait3A_81] : memref<128x128xf32, #tpu.memory_space<vmem>> -> memref<120x128xf32, #tpu.memory_space<vmem>>
        %dma_wait3A_83 = arith.constant 0 : i32
        %dma_wait3A_84 = tpu.memref_slice %arg10[%add3A_64, %dma_wait3A_83] : memref<10000x128xf32, #tpu.memory_space<vmem_shared>> -> memref<120x128xf32, #tpu.memory_space<vmem_shared>>
        %dma_wait3A_85 = arith.constant 0 : i32
        %dma_wait3A_86 = tpu.memref_slice %arg10[%add3A_64, %dma_wait3A_85] : memref<10000x128xf32, #tpu.memory_space<vmem_shared>> -> memref<120x128xf32, #tpu.memory_space<vmem_shared>>
        %dma_wait3A_87 = arith.constant 0 : i32
        %dma_wait3A_88 = arith.constant 0 : i32
        %dma_wait3A_89 = tpu.memref_slice %arg8[%dma_wait3A_87, %dma_wait3A_88] : memref<128x128xf32, #tpu.memory_space<vmem>> -> memref<120x128xf32, #tpu.memory_space<vmem>>
        tpu.wait_dma2 semaphore(%run_scoped3A : memref<!tpu.dma_semaphore, #tpu.memory_space<semaphore_mem>>) src(%dma_wait3A_89 : memref<120x128xf32, #tpu.memory_space<vmem>>) dst(%dma_wait3A_86 : memref<120x128xf32, #tpu.memory_space<vmem_shared>>)
        tpu.yield
      }) : () -> ()
      %add3A_65 = arith.constant 360 : i32
      %add3A_66 = arith.addi %multiple_of3A, %add3A_65 : i32
      "tpu.region"() ({
        %run_scoped3A = tpu.sem_alloc : memref<!tpu.dma_semaphore, #tpu.memory_space<semaphore_mem>>
        %dma_start3A_71 = arith.constant 0 : i32
        %dma_start3A_72 = arith.constant 0 : i32
        %dma_start3A_73 = tpu.memref_slice %arg8[%dma_start3A_71, %dma_start3A_72] : memref<128x128xf32, #tpu.memory_space<vmem>> -> memref<120x128xf32, #tpu.memory_space<vmem>>
        %dma_start3A_74 = arith.constant 0 : i32
        %dma_start3A_75 = tpu.memref_slice %arg10[%add3A_66, %dma_start3A_74] : memref<10000x128xf32, #tpu.memory_space<vmem_shared>> -> memref<120x128xf32, #tpu.memory_space<vmem_shared>>
        %dma_start3A_76 = arith.constant 0 : i32
        %dma_start3A_77 = tpu.memref_slice %arg10[%add3A_66, %dma_start3A_76] : memref<10000x128xf32, #tpu.memory_space<vmem_shared>> -> memref<120x128xf32, #tpu.memory_space<vmem_shared>>
        %dma_start3A_78 = arith.constant 0 : i32
        %dma_start3A_79 = arith.constant 0 : i32
        %dma_start3A_80 = tpu.memref_slice %arg8[%dma_start3A_78, %dma_start3A_79] : memref<128x128xf32, #tpu.memory_space<vmem>> -> memref<120x128xf32, #tpu.memory_space<vmem>>
        tpu.enqueue_dma source(%dma_start3A_80 : memref<120x128xf32, #tpu.memory_space<vmem>>) target(%dma_start3A_77 : memref<120x128xf32, #tpu.memory_space<vmem_shared>>) target_semaphore(%run_scoped3A : memref<!tpu.dma_semaphore, #tpu.memory_space<semaphore_mem>>)
        %dma_wait3A = arith.constant 0 : i32
        %dma_wait3A_81 = arith.constant 0 : i32
        %dma_wait3A_82 = tpu.memref_slice %arg8[%dma_wait3A, %dma_wait3A_81] : memref<128x128xf32, #tpu.memory_space<vmem>> -> memref<120x128xf32, #tpu.memory_space<vmem>>
        %dma_wait3A_83 = arith.constant 0 : i32
        %dma_wait3A_84 = tpu.memref_slice %arg10[%add3A_66, %dma_wait3A_83] : memref<10000x128xf32, #tpu.memory_space<vmem_shared>> -> memref<120x128xf32, #tpu.memory_space<vmem_shared>>
        %dma_wait3A_85 = arith.constant 0 : i32
        %dma_wait3A_86 = tpu.memref_slice %arg10[%add3A_66, %dma_wait3A_85] : memref<10000x128xf32, #tpu.memory_space<vmem_shared>> -> memref<120x128xf32, #tpu.memory_space<vmem_shared>>
        %dma_wait3A_87 = arith.constant 0 : i32
        %dma_wait3A_88 = arith.constant 0 : i32
        %dma_wait3A_89 = tpu.memref_slice %arg8[%dma_wait3A_87, %dma_wait3A_88] : memref<128x128xf32, #tpu.memory_space<vmem>> -> memref<120x128xf32, #tpu.memory_space<vmem>>
        tpu.wait_dma2 semaphore(%run_scoped3A : memref<!tpu.dma_semaphore, #tpu.memory_space<semaphore_mem>>) src(%dma_wait3A_89 : memref<120x128xf32, #tpu.memory_space<vmem>>) dst(%dma_wait3A_86 : memref<120x128xf32, #tpu.memory_space<vmem_shared>>)
        tpu.yield
      }) : () -> ()
      %add3A_67 = arith.constant 480 : i32
      %add3A_68 = arith.addi %multiple_of3A, %add3A_67 : i32
      "tpu.region"() ({
        %run_scoped3A = tpu.sem_alloc : memref<!tpu.dma_semaphore, #tpu.memory_space<semaphore_mem>>
        %dma_start3A_71 = arith.constant 0 : i32
        %dma_start3A_72 = arith.constant 0 : i32
        %dma_start3A_73 = tpu.memref_slice %arg8[%dma_start3A_71, %dma_start3A_72] : memref<128x128xf32, #tpu.memory_space<vmem>> -> memref<120x128xf32, #tpu.memory_space<vmem>>
        %dma_start3A_74 = arith.constant 0 : i32
        %dma_start3A_75 = tpu.memref_slice %arg10[%add3A_68, %dma_start3A_74] : memref<10000x128xf32, #tpu.memory_space<vmem_shared>> -> memref<120x128xf32, #tpu.memory_space<vmem_shared>>
        %dma_start3A_76 = arith.constant 0 : i32
        %dma_start3A_77 = tpu.memref_slice %arg10[%add3A_68, %dma_start3A_76] : memref<10000x128xf32, #tpu.memory_space<vmem_shared>> -> memref<120x128xf32, #tpu.memory_space<vmem_shared>>
        %dma_start3A_78 = arith.constant 0 : i32
        %dma_start3A_79 = arith.constant 0 : i32
        %dma_start3A_80 = tpu.memref_slice %arg8[%dma_start3A_78, %dma_start3A_79] : memref<128x128xf32, #tpu.memory_space<vmem>> -> memref<120x128xf32, #tpu.memory_space<vmem>>
        tpu.enqueue_dma source(%dma_start3A_80 : memref<120x128xf32, #tpu.memory_space<vmem>>) target(%dma_start3A_77 : memref<120x128xf32, #tpu.memory_space<vmem_shared>>) target_semaphore(%run_scoped3A : memref<!tpu.dma_semaphore, #tpu.memory_space<semaphore_mem>>)
        %dma_wait3A = arith.constant 0 : i32
        %dma_wait3A_81 = arith.constant 0 : i32
        %dma_wait3A_82 = tpu.memref_slice %arg8[%dma_wait3A, %dma_wait3A_81] : memref<128x128xf32, #tpu.memory_space<vmem>> -> memref<120x128xf32, #tpu.memory_space<vmem>>
        %dma_wait3A_83 = arith.constant 0 : i32
        %dma_wait3A_84 = tpu.memref_slice %arg10[%add3A_68, %dma_wait3A_83] : memref<10000x128xf32, #tpu.memory_space<vmem_shared>> -> memref<120x128xf32, #tpu.memory_space<vmem_shared>>
        %dma_wait3A_85 = arith.constant 0 : i32
        %dma_wait3A_86 = tpu.memref_slice %arg10[%add3A_68, %dma_wait3A_85] : memref<10000x128xf32, #tpu.memory_space<vmem_shared>> -> memref<120x128xf32, #tpu.memory_space<vmem_shared>>
        %dma_wait3A_87 = arith.constant 0 : i32
        %dma_wait3A_88 = arith.constant 0 : i32
        %dma_wait3A_89 = tpu.memref_slice %arg8[%dma_wait3A_87, %dma_wait3A_88] : memref<128x128xf32, #tpu.memory_space<vmem>> -> memref<120x128xf32, #tpu.memory_space<vmem>>
        tpu.wait_dma2 semaphore(%run_scoped3A : memref<!tpu.dma_semaphore, #tpu.memory_space<semaphore_mem>>) src(%dma_wait3A_89 : memref<120x128xf32, #tpu.memory_space<vmem>>) dst(%dma_wait3A_86 : memref<120x128xf32, #tpu.memory_space<vmem_shared>>)
        tpu.yield
      }) : () -> ()
      %add3A_69 = arith.constant 600 : i32
      %add3A_70 = arith.addi %multiple_of3A, %add3A_69 : i32
      "tpu.region"() ({
        %run_scoped3A = tpu.sem_alloc : memref<!tpu.dma_semaphore, #tpu.memory_space<semaphore_mem>>
        %dma_start3A_71 = arith.constant 0 : i32
        %dma_start3A_72 = arith.constant 0 : i32
        %dma_start3A_73 = tpu.memref_slice %arg8[%dma_start3A_71, %dma_start3A_72] : memref<128x128xf32, #tpu.memory_space<vmem>> -> memref<32x128xf32, #tpu.memory_space<vmem>>
        %dma_start3A_74 = arith.constant 0 : i32
        %dma_start3A_75 = tpu.memref_slice %arg10[%add3A_70, %dma_start3A_74] : memref<10000x128xf32, #tpu.memory_space<vmem_shared>> -> memref<32x128xf32, #tpu.memory_space<vmem_shared>>
        %dma_start3A_76 = arith.constant 0 : i32
        %dma_start3A_77 = tpu.memref_slice %arg10[%add3A_70, %dma_start3A_76] : memref<10000x128xf32, #tpu.memory_space<vmem_shared>> -> memref<32x128xf32, #tpu.memory_space<vmem_shared>>
        %dma_start3A_78 = arith.constant 0 : i32
        %dma_start3A_79 = arith.constant 0 : i32
        %dma_start3A_80 = tpu.memref_slice %arg8[%dma_start3A_78, %dma_start3A_79] : memref<128x128xf32, #tpu.memory_space<vmem>> -> memref<32x128xf32, #tpu.memory_space<vmem>>
        tpu.enqueue_dma source(%dma_start3A_80 : memref<32x128xf32, #tpu.memory_space<vmem>>) target(%dma_start3A_77 : memref<32x128xf32, #tpu.memory_space<vmem_shared>>) target_semaphore(%run_scoped3A : memref<!tpu.dma_semaphore, #tpu.memory_space<semaphore_mem>>)
        %dma_wait3A = arith.constant 0 : i32
        %dma_wait3A_81 = arith.constant 0 : i32
        %dma_wait3A_82 = tpu.memref_slice %arg8[%dma_wait3A, %dma_wait3A_81] : memref<128x128xf32, #tpu.memory_space<vmem>> -> memref<32x128xf32, #tpu.memory_space<vmem>>
        %dma_wait3A_83 = arith.constant 0 : i32
        %dma_wait3A_84 = tpu.memref_slice %arg10[%add3A_70, %dma_wait3A_83] : memref<10000x128xf32, #tpu.memory_space<vmem_shared>> -> memref<32x128xf32, #tpu.memory_space<vmem_shared>>
        %dma_wait3A_85 = arith.constant 0 : i32
        %dma_wait3A_86 = tpu.memref_slice %arg10[%add3A_70, %dma_wait3A_85] : memref<10000x128xf32, #tpu.memory_space<vmem_shared>> -> memref<32x128xf32, #tpu.memory_space<vmem_shared>>
        %dma_wait3A_87 = arith.constant 0 : i32
        %dma_wait3A_88 = arith.constant 0 : i32
        %dma_wait3A_89 = tpu.memref_slice %arg8[%dma_wait3A_87, %dma_wait3A_88] : memref<128x128xf32, #tpu.memory_space<vmem>> -> memref<32x128xf32, #tpu.memory_space<vmem>>
        tpu.wait_dma2 semaphore(%run_scoped3A : memref<!tpu.dma_semaphore, #tpu.memory_space<semaphore_mem>>) src(%dma_wait3A_89 : memref<32x128xf32, #tpu.memory_space<vmem>>) dst(%dma_wait3A_86 : memref<32x128xf32, #tpu.memory_space<vmem_shared>>)
        tpu.yield
      }) : () -> ()
    } else {
    }
    %eq3A_21 = arith.constant 15 : i32
    %eq3A_22 = arith.cmpi eq, %arg1, %eq3A_21 : i32
    %convert_element_type3A_23 = arith.extui %eq3A_22 : i1 to i32
    %cond3A_24 = arith.constant 0 : i32
    %cond3A_25 = arith.cmpi ne, %convert_element_type3A_23, %cond3A_24 : i32
    scf.if %cond3A_25 {
      "tpu.region"() ({
        %run_scoped3A = tpu.sem_alloc : memref<!tpu.dma_semaphore, #tpu.memory_space<semaphore_mem>>
        %dma_start3A_59 = arith.constant 0 : i32
        %dma_start3A_60 = arith.constant 0 : i32
        %dma_start3A_61 = tpu.memref_slice %arg8[%dma_start3A_59, %dma_start3A_60] : memref<128x128xf32, #tpu.memory_space<vmem>> -> memref<120x128xf32, #tpu.memory_space<vmem>>
        %dma_start3A_62 = arith.constant 9480 : i32
        %dma_start3A_63 = arith.constant 0 : i32
        %dma_start3A_64 = tpu.memref_slice %arg10[%dma_start3A_62, %dma_start3A_63] : memref<10000x128xf32, #tpu.memory_space<vmem_shared>> -> memref<120x128xf32, #tpu.memory_space<vmem_shared>>
        %dma_start3A_65 = arith.constant 9480 : i32
        %dma_start3A_66 = arith.constant 0 : i32
        %dma_start3A_67 = tpu.memref_slice %arg10[%dma_start3A_65, %dma_start3A_66] : memref<10000x128xf32, #tpu.memory_space<vmem_shared>> -> memref<120x128xf32, #tpu.memory_space<vmem_shared>>
        %dma_start3A_68 = arith.constant 0 : i32
        %dma_start3A_69 = arith.constant 0 : i32
        %dma_start3A_70 = tpu.memref_slice %arg8[%dma_start3A_68, %dma_start3A_69] : memref<128x128xf32, #tpu.memory_space<vmem>> -> memref<120x128xf32, #tpu.memory_space<vmem>>
        tpu.enqueue_dma source(%dma_start3A_70 : memref<120x128xf32, #tpu.memory_space<vmem>>) target(%dma_start3A_67 : memref<120x128xf32, #tpu.memory_space<vmem_shared>>) target_semaphore(%run_scoped3A : memref<!tpu.dma_semaphore, #tpu.memory_space<semaphore_mem>>)
        %dma_wait3A = arith.constant 0 : i32
        %dma_wait3A_71 = arith.constant 0 : i32
        %dma_wait3A_72 = tpu.memref_slice %arg8[%dma_wait3A, %dma_wait3A_71] : memref<128x128xf32, #tpu.memory_space<vmem>> -> memref<120x128xf32, #tpu.memory_space<vmem>>
        %dma_wait3A_73 = arith.constant 9480 : i32
        %dma_wait3A_74 = arith.constant 0 : i32
        %dma_wait3A_75 = tpu.memref_slice %arg10[%dma_wait3A_73, %dma_wait3A_74] : memref<10000x128xf32, #tpu.memory_space<vmem_shared>> -> memref<120x128xf32, #tpu.memory_space<vmem_shared>>
        %dma_wait3A_76 = arith.constant 9480 : i32
        %dma_wait3A_77 = arith.constant 0 : i32
        %dma_wait3A_78 = tpu.memref_slice %arg10[%dma_wait3A_76, %dma_wait3A_77] : memref<10000x128xf32, #tpu.memory_space<vmem_shared>> -> memref<120x128xf32, #tpu.memory_space<vmem_shared>>
        %dma_wait3A_79 = arith.constant 0 : i32
        %dma_wait3A_80 = arith.constant 0 : i32
        %dma_wait3A_81 = tpu.memref_slice %arg8[%dma_wait3A_79, %dma_wait3A_80] : memref<128x128xf32, #tpu.memory_space<vmem>> -> memref<120x128xf32, #tpu.memory_space<vmem>>
        tpu.wait_dma2 semaphore(%run_scoped3A : memref<!tpu.dma_semaphore, #tpu.memory_space<semaphore_mem>>) src(%dma_wait3A_81 : memref<120x128xf32, #tpu.memory_space<vmem>>) dst(%dma_wait3A_78 : memref<120x128xf32, #tpu.memory_space<vmem_shared>>)
        tpu.yield
      }) : () -> ()
      "tpu.region"() ({
        %run_scoped3A = tpu.sem_alloc : memref<!tpu.dma_semaphore, #tpu.memory_space<semaphore_mem>>
        %dma_start3A_59 = arith.constant 0 : i32
        %dma_start3A_60 = arith.constant 0 : i32
        %dma_start3A_61 = tpu.memref_slice %arg8[%dma_start3A_59, %dma_start3A_60] : memref<128x128xf32, #tpu.memory_space<vmem>> -> memref<120x128xf32, #tpu.memory_space<vmem>>
        %dma_start3A_62 = arith.constant 9600 : i32
        %dma_start3A_63 = arith.constant 0 : i32
        %dma_start3A_64 = tpu.memref_slice %arg10[%dma_start3A_62, %dma_start3A_63] : memref<10000x128xf32, #tpu.memory_space<vmem_shared>> -> memref<120x128xf32, #tpu.memory_space<vmem_shared>>
        %dma_start3A_65 = arith.constant 9600 : i32
        %dma_start3A_66 = arith.constant 0 : i32
        %dma_start3A_67 = tpu.memref_slice %arg10[%dma_start3A_65, %dma_start3A_66] : memref<10000x128xf32, #tpu.memory_space<vmem_shared>> -> memref<120x128xf32, #tpu.memory_space<vmem_shared>>
        %dma_start3A_68 = arith.constant 0 : i32
        %dma_start3A_69 = arith.constant 0 : i32
        %dma_start3A_70 = tpu.memref_slice %arg8[%dma_start3A_68, %dma_start3A_69] : memref<128x128xf32, #tpu.memory_space<vmem>> -> memref<120x128xf32, #tpu.memory_space<vmem>>
        tpu.enqueue_dma source(%dma_start3A_70 : memref<120x128xf32, #tpu.memory_space<vmem>>) target(%dma_start3A_67 : memref<120x128xf32, #tpu.memory_space<vmem_shared>>) target_semaphore(%run_scoped3A : memref<!tpu.dma_semaphore, #tpu.memory_space<semaphore_mem>>)
        %dma_wait3A = arith.constant 0 : i32
        %dma_wait3A_71 = arith.constant 0 : i32
        %dma_wait3A_72 = tpu.memref_slice %arg8[%dma_wait3A, %dma_wait3A_71] : memref<128x128xf32, #tpu.memory_space<vmem>> -> memref<120x128xf32, #tpu.memory_space<vmem>>
        %dma_wait3A_73 = arith.constant 9600 : i32
        %dma_wait3A_74 = arith.constant 0 : i32
        %dma_wait3A_75 = tpu.memref_slice %arg10[%dma_wait3A_73, %dma_wait3A_74] : memref<10000x128xf32, #tpu.memory_space<vmem_shared>> -> memref<120x128xf32, #tpu.memory_space<vmem_shared>>
        %dma_wait3A_76 = arith.constant 9600 : i32
        %dma_wait3A_77 = arith.constant 0 : i32
        %dma_wait3A_78 = tpu.memref_slice %arg10[%dma_wait3A_76, %dma_wait3A_77] : memref<10000x128xf32, #tpu.memory_space<vmem_shared>> -> memref<120x128xf32, #tpu.memory_space<vmem_shared>>
        %dma_wait3A_79 = arith.constant 0 : i32
        %dma_wait3A_80 = arith.constant 0 : i32
        %dma_wait3A_81 = tpu.memref_slice %arg8[%dma_wait3A_79, %dma_wait3A_80] : memref<128x128xf32, #tpu.memory_space<vmem>> -> memref<120x128xf32, #tpu.memory_space<vmem>>
        tpu.wait_dma2 semaphore(%run_scoped3A : memref<!tpu.dma_semaphore, #tpu.memory_space<semaphore_mem>>) src(%dma_wait3A_81 : memref<120x128xf32, #tpu.memory_space<vmem>>) dst(%dma_wait3A_78 : memref<120x128xf32, #tpu.memory_space<vmem_shared>>)
        tpu.yield
      }) : () -> ()
      "tpu.region"() ({
        %run_scoped3A = tpu.sem_alloc : memref<!tpu.dma_semaphore, #tpu.memory_space<semaphore_mem>>
        %dma_start3A_59 = arith.constant 0 : i32
        %dma_start3A_60 = arith.constant 0 : i32
        %dma_start3A_61 = tpu.memref_slice %arg8[%dma_start3A_59, %dma_start3A_60] : memref<128x128xf32, #tpu.memory_space<vmem>> -> memref<120x128xf32, #tpu.memory_space<vmem>>
        %dma_start3A_62 = arith.constant 9720 : i32
        %dma_start3A_63 = arith.constant 0 : i32
        %dma_start3A_64 = tpu.memref_slice %arg10[%dma_start3A_62, %dma_start3A_63] : memref<10000x128xf32, #tpu.memory_space<vmem_shared>> -> memref<120x128xf32, #tpu.memory_space<vmem_shared>>
        %dma_start3A_65 = arith.constant 9720 : i32
        %dma_start3A_66 = arith.constant 0 : i32
        %dma_start3A_67 = tpu.memref_slice %arg10[%dma_start3A_65, %dma_start3A_66] : memref<10000x128xf32, #tpu.memory_space<vmem_shared>> -> memref<120x128xf32, #tpu.memory_space<vmem_shared>>
        %dma_start3A_68 = arith.constant 0 : i32
        %dma_start3A_69 = arith.constant 0 : i32
        %dma_start3A_70 = tpu.memref_slice %arg8[%dma_start3A_68, %dma_start3A_69] : memref<128x128xf32, #tpu.memory_space<vmem>> -> memref<120x128xf32, #tpu.memory_space<vmem>>
        tpu.enqueue_dma source(%dma_start3A_70 : memref<120x128xf32, #tpu.memory_space<vmem>>) target(%dma_start3A_67 : memref<120x128xf32, #tpu.memory_space<vmem_shared>>) target_semaphore(%run_scoped3A : memref<!tpu.dma_semaphore, #tpu.memory_space<semaphore_mem>>)
        %dma_wait3A = arith.constant 0 : i32
        %dma_wait3A_71 = arith.constant 0 : i32
        %dma_wait3A_72 = tpu.memref_slice %arg8[%dma_wait3A, %dma_wait3A_71] : memref<128x128xf32, #tpu.memory_space<vmem>> -> memref<120x128xf32, #tpu.memory_space<vmem>>
        %dma_wait3A_73 = arith.constant 9720 : i32
        %dma_wait3A_74 = arith.constant 0 : i32
        %dma_wait3A_75 = tpu.memref_slice %arg10[%dma_wait3A_73, %dma_wait3A_74] : memref<10000x128xf32, #tpu.memory_space<vmem_shared>> -> memref<120x128xf32, #tpu.memory_space<vmem_shared>>
        %dma_wait3A_76 = arith.constant 9720 : i32
        %dma_wait3A_77 = arith.constant 0 : i32
        %dma_wait3A_78 = tpu.memref_slice %arg10[%dma_wait3A_76, %dma_wait3A_77] : memref<10000x128xf32, #tpu.memory_space<vmem_shared>> -> memref<120x128xf32, #tpu.memory_space<vmem_shared>>
        %dma_wait3A_79 = arith.constant 0 : i32
        %dma_wait3A_80 = arith.constant 0 : i32
        %dma_wait3A_81 = tpu.memref_slice %arg8[%dma_wait3A_79, %dma_wait3A_80] : memref<128x128xf32, #tpu.memory_space<vmem>> -> memref<120x128xf32, #tpu.memory_space<vmem>>
        tpu.wait_dma2 semaphore(%run_scoped3A : memref<!tpu.dma_semaphore, #tpu.memory_space<semaphore_mem>>) src(%dma_wait3A_81 : memref<120x128xf32, #tpu.memory_space<vmem>>) dst(%dma_wait3A_78 : memref<120x128xf32, #tpu.memory_space<vmem_shared>>)
        tpu.yield
      }) : () -> ()
      "tpu.region"() ({
        %run_scoped3A = tpu.sem_alloc : memref<!tpu.dma_semaphore, #tpu.memory_space<semaphore_mem>>
        %dma_start3A_59 = arith.constant 0 : i32
        %dma_start3A_60 = arith.constant 0 : i32
        %dma_start3A_61 = tpu.memref_slice %arg8[%dma_start3A_59, %dma_start3A_60] : memref<128x128xf32, #tpu.memory_space<vmem>> -> memref<120x128xf32, #tpu.memory_space<vmem>>
        %dma_start3A_62 = arith.constant 9840 : i32
        %dma_start3A_63 = arith.constant 0 : i32
        %dma_start3A_64 = tpu.memref_slice %arg10[%dma_start3A_62, %dma_start3A_63] : memref<10000x128xf32, #tpu.memory_space<vmem_shared>> -> memref<120x128xf32, #tpu.memory_space<vmem_shared>>
        %dma_start3A_65 = arith.constant 9840 : i32
        %dma_start3A_66 = arith.constant 0 : i32
        %dma_start3A_67 = tpu.memref_slice %arg10[%dma_start3A_65, %dma_start3A_66] : memref<10000x128xf32, #tpu.memory_space<vmem_shared>> -> memref<120x128xf32, #tpu.memory_space<vmem_shared>>
        %dma_start3A_68 = arith.constant 0 : i32
        %dma_start3A_69 = arith.constant 0 : i32
        %dma_start3A_70 = tpu.memref_slice %arg8[%dma_start3A_68, %dma_start3A_69] : memref<128x128xf32, #tpu.memory_space<vmem>> -> memref<120x128xf32, #tpu.memory_space<vmem>>
        tpu.enqueue_dma source(%dma_start3A_70 : memref<120x128xf32, #tpu.memory_space<vmem>>) target(%dma_start3A_67 : memref<120x128xf32, #tpu.memory_space<vmem_shared>>) target_semaphore(%run_scoped3A : memref<!tpu.dma_semaphore, #tpu.memory_space<semaphore_mem>>)
        %dma_wait3A = arith.constant 0 : i32
        %dma_wait3A_71 = arith.constant 0 : i32
        %dma_wait3A_72 = tpu.memref_slice %arg8[%dma_wait3A, %dma_wait3A_71] : memref<128x128xf32, #tpu.memory_space<vmem>> -> memref<120x128xf32, #tpu.memory_space<vmem>>
        %dma_wait3A_73 = arith.constant 9840 : i32
        %dma_wait3A_74 = arith.constant 0 : i32
        %dma_wait3A_75 = tpu.memref_slice %arg10[%dma_wait3A_73, %dma_wait3A_74] : memref<10000x128xf32, #tpu.memory_space<vmem_shared>> -> memref<120x128xf32, #tpu.memory_space<vmem_shared>>
        %dma_wait3A_76 = arith.constant 9840 : i32
        %dma_wait3A_77 = arith.constant 0 : i32
        %dma_wait3A_78 = tpu.memref_slice %arg10[%dma_wait3A_76, %dma_wait3A_77] : memref<10000x128xf32, #tpu.memory_space<vmem_shared>> -> memref<120x128xf32, #tpu.memory_space<vmem_shared>>
        %dma_wait3A_79 = arith.constant 0 : i32
        %dma_wait3A_80 = arith.constant 0 : i32
        %dma_wait3A_81 = tpu.memref_slice %arg8[%dma_wait3A_79, %dma_wait3A_80] : memref<128x128xf32, #tpu.memory_space<vmem>> -> memref<120x128xf32, #tpu.memory_space<vmem>>
        tpu.wait_dma2 semaphore(%run_scoped3A : memref<!tpu.dma_semaphore, #tpu.memory_space<semaphore_mem>>) src(%dma_wait3A_81 : memref<120x128xf32, #tpu.memory_space<vmem>>) dst(%dma_wait3A_78 : memref<120x128xf32, #tpu.memory_space<vmem_shared>>)
        tpu.yield
      }) : () -> ()
      "tpu.region"() ({
        %run_scoped3A = tpu.sem_alloc : memref<!tpu.dma_semaphore, #tpu.memory_space<semaphore_mem>>
        %dma_start3A_59 = arith.constant 0 : i32
        %dma_start3A_60 = arith.constant 0 : i32
        %dma_start3A_61 = tpu.memref_slice %arg8[%dma_start3A_59, %dma_start3A_60] : memref<128x128xf32, #tpu.memory_space<vmem>> -> memref<40x128xf32, #tpu.memory_space<vmem>>
        %dma_start3A_62 = arith.constant 9960 : i32
        %dma_start3A_63 = arith.constant 0 : i32
        %dma_start3A_64 = tpu.memref_slice %arg10[%dma_start3A_62, %dma_start3A_63] : memref<10000x128xf32, #tpu.memory_space<vmem_shared>> -> memref<40x128xf32, #tpu.memory_space<vmem_shared>>
        %dma_start3A_65 = arith.constant 9960 : i32
        %dma_start3A_66 = arith.constant 0 : i32
        %dma_start3A_67 = tpu.memref_slice %arg10[%dma_start3A_65, %dma_start3A_66] : memref<10000x128xf32, #tpu.memory_space<vmem_shared>> -> memref<40x128xf32, #tpu.memory_space<vmem_shared>>
        %dma_start3A_68 = arith.constant 0 : i32
        %dma_start3A_69 = arith.constant 0 : i32
        %dma_start3A_70 = tpu.memref_slice %arg8[%dma_start3A_68, %dma_start3A_69] : memref<128x128xf32, #tpu.memory_space<vmem>> -> memref<40x128xf32, #tpu.memory_space<vmem>>
        tpu.enqueue_dma source(%dma_start3A_70 : memref<40x128xf32, #tpu.memory_space<vmem>>) target(%dma_start3A_67 : memref<40x128xf32, #tpu.memory_space<vmem_shared>>) target_semaphore(%run_scoped3A : memref<!tpu.dma_semaphore, #tpu.memory_space<semaphore_mem>>)
        %dma_wait3A = arith.constant 0 : i32
        %dma_wait3A_71 = arith.constant 0 : i32
        %dma_wait3A_72 = tpu.memref_slice %arg8[%dma_wait3A, %dma_wait3A_71] : memref<128x128xf32, #tpu.memory_space<vmem>> -> memref<40x128xf32, #tpu.memory_space<vmem>>
        %dma_wait3A_73 = arith.constant 9960 : i32
        %dma_wait3A_74 = arith.constant 0 : i32
        %dma_wait3A_75 = tpu.memref_slice %arg10[%dma_wait3A_73, %dma_wait3A_74] : memref<10000x128xf32, #tpu.memory_space<vmem_shared>> -> memref<40x128xf32, #tpu.memory_space<vmem_shared>>
        %dma_wait3A_76 = arith.constant 9960 : i32
        %dma_wait3A_77 = arith.constant 0 : i32
        %dma_wait3A_78 = tpu.memref_slice %arg10[%dma_wait3A_76, %dma_wait3A_77] : memref<10000x128xf32, #tpu.memory_space<vmem_shared>> -> memref<40x128xf32, #tpu.memory_space<vmem_shared>>
        %dma_wait3A_79 = arith.constant 0 : i32
        %dma_wait3A_80 = arith.constant 0 : i32
        %dma_wait3A_81 = tpu.memref_slice %arg8[%dma_wait3A_79, %dma_wait3A_80] : memref<128x128xf32, #tpu.memory_space<vmem>> -> memref<40x128xf32, #tpu.memory_space<vmem>>
        tpu.wait_dma2 semaphore(%run_scoped3A : memref<!tpu.dma_semaphore, #tpu.memory_space<semaphore_mem>>) src(%dma_wait3A_81 : memref<40x128xf32, #tpu.memory_space<vmem>>) dst(%dma_wait3A_78 : memref<40x128xf32, #tpu.memory_space<vmem_shared>>)
        tpu.yield
      }) : () -> ()
    } else {
    }
    %dma_start3A = arith.constant 0 : i32
    %dma_start3A_26 = arith.constant 0 : i32
    %dma_start3A_27 = tpu.memref_slice %arg6[%dma_start3A, %dma_start3A_26] : memref<80x128xi32, #tpu.memory_space<vmem>> -> memref<1x128xi32, #tpu.memory_space<vmem>>
    %dma_start3A_28 = tpu.memref_squeeze %dma_start3A_27 : memref<1x128xi32, #tpu.memory_space<vmem>> -> memref<128xi32, #tpu.memory_space<vmem>>
    %dma_start3A_29 = arith.constant 0 : i32
    %dma_start3A_30 = arith.constant 0 : i32
    %dma_start3A_31 = tpu.memref_slice %arg2[%dma_start3A_29, %dma_start3A_30] : memref<10000x128xf32, #tpu.memory_space<hbm>> -> memref<10000x128xf32, #tpu.memory_space<hbm>>
    tpu.enqueue_indirect_dma source(%dma_start3A_31 : memref<10000x128xf32, #tpu.memory_space<hbm>>) target(%arg8 : memref<128x128xf32, #tpu.memory_space<vmem>>) offsets(%dma_start3A_28 : memref<128xi32, #tpu.memory_space<vmem>>) semaphore(%arg11 : memref<!tpu.dma_semaphore, #tpu.memory_space<semaphore_mem>>)
    %barrier3A = arith.constant 0 : index
    tpu.barrier barrier_id(%barrier3A)
    %sub3A = arith.constant 0 : i32
    %sub3A_32 = arith.subi %select_n3A, %sub3A : i32
    %sub3A_33 = arith.constant 2 : i32
    %sub3A_34 = arith.constant 1 : i32
    %sub3A_35 = arith.subi %sub3A_33, %sub3A_34 : i32
    %add3A_36 = arith.addi %sub3A_32, %sub3A_35 : i32
    %div3A = arith.constant 2 : i32
    %div3A_37 = arith.divsi %add3A_36, %div3A : i32
    %while3A = arith.constant 2 : i32
    %while3A_38 = arith.constant 0 : i32
    %while3A_39 = arith.constant 0 : i32
    %while3A_40 = arith.subi %div3A_37, %while3A_39 : i32
    %while3A_41 = arith.addi %while3A_39, %while3A_40 : i32
    %while3A_42 = arith.constant 1 : i32
    %while3A_43 = arith.divsi %while3A_40, %while3A_42 : i32
    %while3A_44 = arith.muli %while3A_43, %while3A_42 : i32
    %while3A_45 = arith.addi %while3A_39, %while3A_44 : i32
    %while3A_46 = arith.constant 1 : i32
    scf.for %while3A_59 = %while3A_39 to %while3A_45 step %while3A_46  : i32 {
      %mul3A_60 = arith.muli %while3A_59, %while3A : i32
      %add3A_61 = arith.addi %while3A_38, %mul3A_60 : i32
      %jit3A_62 = arith.constant 40 : i32
      %div3A_63 = arith.divsi %add3A_61, %jit3A_62 : i32
      %sign3A = arith.constant 0 : i32
      %sign3A_64 = arith.cmpi sgt, %add3A_61, %sign3A : i32
      %sign3A_65 = arith.extui %sign3A_64 : i1 to i32
      %sign3A_66 = arith.constant 0 : i32
      %sign3A_67 = arith.cmpi slt, %add3A_61, %sign3A_66 : i32
      %sign3A_68 = arith.extui %sign3A_67 : i1 to i32
      %sign3A_69 = arith.subi %sign3A_65, %sign3A_68 : i32
      %sign3A_70 = arith.constant 0 : i32
      %sign3A_71 = arith.cmpi sgt, %jit3A_62, %sign3A_70 : i32
      %sign3A_72 = arith.extui %sign3A_71 : i1 to i32
      %sign3A_73 = arith.constant 0 : i32
      %sign3A_74 = arith.cmpi slt, %jit3A_62, %sign3A_73 : i32
      %sign3A_75 = arith.extui %sign3A_74 : i1 to i32
      %sign3A_76 = arith.subi %sign3A_72, %sign3A_75 : i32
      %ne3A = arith.cmpi ne, %sign3A_69, %sign3A_76 : i32
      %rem3A = arith.remsi %add3A_61, %jit3A_62 : i32
      %ne3A_77 = arith.constant 0 : i32
      %ne3A_78 = arith.cmpi ne, %rem3A, %ne3A_77 : i32
      %and3A = arith.andi %ne3A, %ne3A_78 : i1
      %sub3A_79 = arith.constant 1 : i32
      %sub3A_80 = arith.subi %div3A_63, %sub3A_79 : i32
      %select_n3A_81 = arith.select %and3A, %sub3A_80, %div3A_63 : i32
      %mul3A_82 = arith.constant 40 : i32
      %mul3A_83 = arith.muli %select_n3A_81, %mul3A_82 : i32
      %eq3A_84 = arith.cmpi eq, %add3A_61, %mul3A_83 : i32
      %convert_element_type3A_85 = arith.extui %eq3A_84 : i1 to i32
      %cond3A_86 = arith.constant 0 : i32
      %cond3A_87 = arith.cmpi ne, %convert_element_type3A_85, %cond3A_86 : i32
      scf.if %cond3A_87 {
        %lt3A_120 = arith.constant 31 : i32
        %lt3A_121 = arith.cmpi slt, %add3A, %lt3A_120 : i32
        %convert_element_type3A_122 = arith.extui %lt3A_121 : i1 to i32
        %cond3A_123 = arith.constant 0 : i32
        %cond3A_124 = arith.cmpi ne, %convert_element_type3A_122, %cond3A_123 : i32
        scf.if %cond3A_124 {
          %mul3A_130 = arith.constant 80 : i32
          %mul3A_131 = arith.muli %add3A, %mul3A_130 : i32
          %mul3A_132 = arith.constant 40 : i32
          %mul3A_133 = arith.muli %select_n3A_81, %mul3A_132 : i32
          %add3A_134 = arith.addi %mul3A_131, %mul3A_133 : i32
          %multiple_of3A_135 = tpu.assume_multiple %add3A_134, 8 : i32
          "tpu.region"() ({
            %run_scoped3A = tpu.sem_alloc : memref<!tpu.dma_semaphore, #tpu.memory_space<semaphore_mem>>
            %dma_start3A_136 = arith.constant 0 : i32
            %dma_start3A_137 = tpu.memref_slice %arg4[%multiple_of3A_135, %dma_start3A_136] : memref<2500x128xi32, #tpu.memory_space<hbm>> -> memref<40x128xi32, #tpu.memory_space<hbm>>
            %dma_start3A_138 = arith.constant 0 : i32
            %dma_start3A_139 = tpu.memref_slice %arg4[%multiple_of3A_135, %dma_start3A_138] : memref<2500x128xi32, #tpu.memory_space<hbm>> -> memref<40x128xi32, #tpu.memory_space<hbm>>
            tpu.enqueue_dma source(%dma_start3A_139 : memref<40x128xi32, #tpu.memory_space<hbm>>) target(%arg7 : memref<40x128xi32, #tpu.memory_space<vmem>>) target_semaphore(%run_scoped3A : memref<!tpu.dma_semaphore, #tpu.memory_space<semaphore_mem>>)
            %dma_wait3A_140 = arith.constant 0 : i32
            %dma_wait3A_141 = tpu.memref_slice %arg4[%multiple_of3A_135, %dma_wait3A_140] : memref<2500x128xi32, #tpu.memory_space<hbm>> -> memref<40x128xi32, #tpu.memory_space<hbm>>
            %dma_wait3A_142 = arith.constant 0 : i32
            %dma_wait3A_143 = tpu.memref_slice %arg4[%multiple_of3A_135, %dma_wait3A_142] : memref<2500x128xi32, #tpu.memory_space<hbm>> -> memref<40x128xi32, #tpu.memory_space<hbm>>
            tpu.wait_dma2 semaphore(%run_scoped3A : memref<!tpu.dma_semaphore, #tpu.memory_space<semaphore_mem>>) src(%dma_wait3A_143 : memref<40x128xi32, #tpu.memory_space<hbm>>) dst(%arg7 : memref<40x128xi32, #tpu.memory_space<vmem>>)
            tpu.yield
          }) : () -> ()
        } else {
        }
        %eq3A_125 = arith.constant 31 : i32
        %eq3A_126 = arith.cmpi eq, %add3A, %eq3A_125 : i32
        %convert_element_type3A_127 = arith.extui %eq3A_126 : i1 to i32
        %cond3A_128 = arith.constant 0 : i32
        %cond3A_129 = arith.cmpi ne, %convert_element_type3A_127, %cond3A_128 : i32
        scf.if %cond3A_129 {
          "tpu.region"() ({
            %run_scoped3A = tpu.sem_alloc : memref<!tpu.dma_semaphore, #tpu.memory_space<semaphore_mem>>
            %dma_start3A_130 = arith.constant 0 : i32
            %dma_start3A_131 = arith.constant 0 : i32
            %dma_start3A_132 = tpu.memref_slice %arg7[%dma_start3A_130, %dma_start3A_131] : memref<40x128xi32, #tpu.memory_space<vmem>> -> memref<20x128xi32, #tpu.memory_space<vmem>>
            %dma_start3A_133 = arith.constant 2480 : i32
            %dma_start3A_134 = arith.constant 0 : i32
            %dma_start3A_135 = tpu.memref_slice %arg4[%dma_start3A_133, %dma_start3A_134] : memref<2500x128xi32, #tpu.memory_space<hbm>> -> memref<20x128xi32, #tpu.memory_space<hbm>>
            %dma_start3A_136 = arith.constant 0 : i32
            %dma_start3A_137 = arith.constant 0 : i32
            %dma_start3A_138 = tpu.memref_slice %arg7[%dma_start3A_136, %dma_start3A_137] : memref<40x128xi32, #tpu.memory_space<vmem>> -> memref<20x128xi32, #tpu.memory_space<vmem>>
            %dma_start3A_139 = arith.constant 2480 : i32
            %dma_start3A_140 = arith.constant 0 : i32
            %dma_start3A_141 = tpu.memref_slice %arg4[%dma_start3A_139, %dma_start3A_140] : memref<2500x128xi32, #tpu.memory_space<hbm>> -> memref<20x128xi32, #tpu.memory_space<hbm>>
            tpu.enqueue_dma source(%dma_start3A_141 : memref<20x128xi32, #tpu.memory_space<hbm>>) target(%dma_start3A_138 : memref<20x128xi32, #tpu.memory_space<vmem>>) target_semaphore(%run_scoped3A : memref<!tpu.dma_semaphore, #tpu.memory_space<semaphore_mem>>)
            %dma_wait3A_142 = arith.constant 0 : i32
            %dma_wait3A_143 = arith.constant 0 : i32
            %dma_wait3A_144 = tpu.memref_slice %arg7[%dma_wait3A_142, %dma_wait3A_143] : memref<40x128xi32, #tpu.memory_space<vmem>> -> memref<20x128xi32, #tpu.memory_space<vmem>>
            %dma_wait3A_145 = arith.constant 2480 : i32
            %dma_wait3A_146 = arith.constant 0 : i32
            %dma_wait3A_147 = tpu.memref_slice %arg4[%dma_wait3A_145, %dma_wait3A_146] : memref<2500x128xi32, #tpu.memory_space<hbm>> -> memref<20x128xi32, #tpu.memory_space<hbm>>
            %dma_wait3A_148 = arith.constant 0 : i32
            %dma_wait3A_149 = arith.constant 0 : i32
            %dma_wait3A_150 = tpu.memref_slice %arg7[%dma_wait3A_148, %dma_wait3A_149] : memref<40x128xi32, #tpu.memory_space<vmem>> -> memref<20x128xi32, #tpu.memory_space<vmem>>
            %dma_wait3A_151 = arith.constant 2480 : i32
            %dma_wait3A_152 = arith.constant 0 : i32
            %dma_wait3A_153 = tpu.memref_slice %arg4[%dma_wait3A_151, %dma_wait3A_152] : memref<2500x128xi32, #tpu.memory_space<hbm>> -> memref<20x128xi32, #tpu.memory_space<hbm>>
            tpu.wait_dma2 semaphore(%run_scoped3A : memref<!tpu.dma_semaphore, #tpu.memory_space<semaphore_mem>>) src(%dma_wait3A_153 : memref<20x128xi32, #tpu.memory_space<hbm>>) dst(%dma_wait3A_150 : memref<20x128xi32, #tpu.memory_space<vmem>>)
            tpu.yield
          }) : () -> ()
        } else {
        }
      } else {
      }
      %mul3A_88 = arith.constant 40 : i32
      %mul3A_89 = arith.muli %select_n3A_81, %mul3A_88 : i32
      %sub3A_90 = arith.subi %add3A_61, %mul3A_89 : i32
      %add3A_91 = arith.constant 1 : i32
      %add3A_92 = arith.addi %add3A_61, %add3A_91 : i32
      %dma_start3A_93 = arith.constant 0 : i32
      %dma_start3A_94 = tpu.memref_slice %arg6[%add3A_92, %dma_start3A_93] : memref<80x128xi32, #tpu.memory_space<vmem>> -> memref<1x128xi32, #tpu.memory_space<vmem>>
      %dma_start3A_95 = tpu.memref_squeeze %dma_start3A_94 : memref<1x128xi32, #tpu.memory_space<vmem>> -> memref<128xi32, #tpu.memory_space<vmem>>
      %dma_start3A_96 = arith.constant 0 : i32
      %dma_start3A_97 = arith.constant 0 : i32
      %dma_start3A_98 = tpu.memref_slice %arg2[%dma_start3A_96, %dma_start3A_97] : memref<10000x128xf32, #tpu.memory_space<hbm>> -> memref<10000x128xf32, #tpu.memory_space<hbm>>
      tpu.enqueue_indirect_dma source(%dma_start3A_98 : memref<10000x128xf32, #tpu.memory_space<hbm>>) target(%arg9 : memref<128x128xf32, #tpu.memory_space<vmem>>) offsets(%dma_start3A_95 : memref<128xi32, #tpu.memory_space<vmem>>) semaphore(%arg12 : memref<!tpu.dma_semaphore, #tpu.memory_space<semaphore_mem>>)
      %dma_wait3A = arith.constant 0 : i32
      %dma_wait3A_99 = tpu.memref_slice %arg6[%add3A_61, %dma_wait3A] : memref<80x128xi32, #tpu.memory_space<vmem>> -> memref<1x128xi32, #tpu.memory_space<vmem>>
      %dma_wait3A_100 = tpu.memref_squeeze %dma_wait3A_99 : memref<1x128xi32, #tpu.memory_space<vmem>> -> memref<128xi32, #tpu.memory_space<vmem>>
      %dma_wait3A_101 = arith.constant 0 : i32
      %dma_wait3A_102 = arith.constant 0 : i32
      %dma_wait3A_103 = tpu.memref_slice %arg2[%dma_wait3A_101, %dma_wait3A_102] : memref<10000x128xf32, #tpu.memory_space<hbm>> -> memref<10000x128xf32, #tpu.memory_space<hbm>>
      tpu.wait_indirect_dma semaphore(%arg11 : memref<!tpu.dma_semaphore, #tpu.memory_space<semaphore_mem>>) src(%dma_wait3A_103 : memref<10000x128xf32, #tpu.memory_space<hbm>>) dst(%arg8 : memref<128x128xf32, #tpu.memory_space<vmem>>)
      "tpu.region"() ({
        %run_scoped3A = tpu.sem_alloc : memref<!tpu.dma_semaphore, #tpu.memory_space<semaphore_mem>>
        %dma_start3A_120 = arith.constant 0 : i32
        %dma_start3A_121 = tpu.memref_slice %arg7[%sub3A_90, %dma_start3A_120] : memref<40x128xi32, #tpu.memory_space<vmem>> -> memref<1x128xi32, #tpu.memory_space<vmem>>
        %dma_start3A_122 = tpu.memref_squeeze %dma_start3A_121 : memref<1x128xi32, #tpu.memory_space<vmem>> -> memref<128xi32, #tpu.memory_space<vmem>>
        %dma_start3A_123 = arith.constant 0 : i32
        %dma_start3A_124 = arith.constant 0 : i32
        %dma_start3A_125 = tpu.memref_slice %arg10[%dma_start3A_123, %dma_start3A_124] : memref<10000x128xf32, #tpu.memory_space<vmem_shared>> -> memref<10000x128xf32, #tpu.memory_space<vmem_shared>>
        tpu.enqueue_indirect_dma source(%arg8 : memref<128x128xf32, #tpu.memory_space<vmem>>) target(%dma_start3A_125 : memref<10000x128xf32, #tpu.memory_space<vmem_shared>>) offsets(%dma_start3A_122 : memref<128xi32, #tpu.memory_space<vmem>>) semaphore(%run_scoped3A : memref<!tpu.dma_semaphore, #tpu.memory_space<semaphore_mem>>) {add = true}
        %dma_wait3A_126 = arith.constant 0 : i32
        %dma_wait3A_127 = tpu.memref_slice %arg7[%sub3A_90, %dma_wait3A_126] : memref<40x128xi32, #tpu.memory_space<vmem>> -> memref<1x128xi32, #tpu.memory_space<vmem>>
        %dma_wait3A_128 = tpu.memref_squeeze %dma_wait3A_127 : memref<1x128xi32, #tpu.memory_space<vmem>> -> memref<128xi32, #tpu.memory_space<vmem>>
        %dma_wait3A_129 = arith.constant 0 : i32
        %dma_wait3A_130 = arith.constant 0 : i32
        %dma_wait3A_131 = tpu.memref_slice %arg10[%dma_wait3A_129, %dma_wait3A_130] : memref<10000x128xf32, #tpu.memory_space<vmem_shared>> -> memref<10000x128xf32, #tpu.memory_space<vmem_shared>>
        tpu.wait_indirect_dma semaphore(%run_scoped3A : memref<!tpu.dma_semaphore, #tpu.memory_space<semaphore_mem>>) src(%arg8 : memref<128x128xf32, #tpu.memory_space<vmem>>) dst(%dma_wait3A_131 : memref<10000x128xf32, #tpu.memory_space<vmem_shared>>)
        tpu.yield
      }) : () -> ()
      %add3A_104 = arith.constant 2 : i32
      %add3A_105 = arith.addi %add3A_61, %add3A_104 : i32
      %lt3A_106 = arith.cmpi slt, %add3A_105, %select_n3A : i32
      %convert_element_type3A_107 = arith.extui %lt3A_106 : i1 to i32
      %cond3A_108 = arith.constant 0 : i32
      %cond3A_109 = arith.cmpi ne, %convert_element_type3A_107, %cond3A_108 : i32
      scf.if %cond3A_109 {
        %add3A_120 = arith.constant 2 : i32
        %add3A_121 = arith.addi %add3A_61, %add3A_120 : i32
        %dma_start3A_122 = arith.constant 0 : i32
        %dma_start3A_123 = tpu.memref_slice %arg6[%add3A_121, %dma_start3A_122] : memref<80x128xi32, #tpu.memory_space<vmem>> -> memref<1x128xi32, #tpu.memory_space<vmem>>
        %dma_start3A_124 = tpu.memref_squeeze %dma_start3A_123 : memref<1x128xi32, #tpu.memory_space<vmem>> -> memref<128xi32, #tpu.memory_space<vmem>>
        %dma_start3A_125 = arith.constant 0 : i32
        %dma_start3A_126 = arith.constant 0 : i32
        %dma_start3A_127 = tpu.memref_slice %arg2[%dma_start3A_125, %dma_start3A_126] : memref<10000x128xf32, #tpu.memory_space<hbm>> -> memref<10000x128xf32, #tpu.memory_space<hbm>>
        tpu.enqueue_indirect_dma source(%dma_start3A_127 : memref<10000x128xf32, #tpu.memory_space<hbm>>) target(%arg8 : memref<128x128xf32, #tpu.memory_space<vmem>>) offsets(%dma_start3A_124 : memref<128xi32, #tpu.memory_space<vmem>>) semaphore(%arg11 : memref<!tpu.dma_semaphore, #tpu.memory_space<semaphore_mem>>)
      } else {
      }
      %add3A_110 = arith.constant 1 : i32
      %add3A_111 = arith.addi %add3A_61, %add3A_110 : i32
      %dma_wait3A_112 = arith.constant 0 : i32
      %dma_wait3A_113 = tpu.memref_slice %arg6[%add3A_111, %dma_wait3A_112] : memref<80x128xi32, #tpu.memory_space<vmem>> -> memref<1x128xi32, #tpu.memory_space<vmem>>
      %dma_wait3A_114 = tpu.memref_squeeze %dma_wait3A_113 : memref<1x128xi32, #tpu.memory_space<vmem>> -> memref<128xi32, #tpu.memory_space<vmem>>
      %dma_wait3A_115 = arith.constant 0 : i32
      %dma_wait3A_116 = arith.constant 0 : i32
      %dma_wait3A_117 = tpu.memref_slice %arg2[%dma_wait3A_115, %dma_wait3A_116] : memref<10000x128xf32, #tpu.memory_space<hbm>> -> memref<10000x128xf32, #tpu.memory_space<hbm>>
      tpu.wait_indirect_dma semaphore(%arg12 : memref<!tpu.dma_semaphore, #tpu.memory_space<semaphore_mem>>) src(%dma_wait3A_117 : memref<10000x128xf32, #tpu.memory_space<hbm>>) dst(%arg9 : memref<128x128xf32, #tpu.memory_space<vmem>>)
      %add3A_118 = arith.constant 1 : i32
      %add3A_119 = arith.addi %sub3A_90, %add3A_118 : i32
      "tpu.region"() ({
        %run_scoped3A = tpu.sem_alloc : memref<!tpu.dma_semaphore, #tpu.memory_space<semaphore_mem>>
        %dma_start3A_120 = arith.constant 0 : i32
        %dma_start3A_121 = tpu.memref_slice %arg7[%add3A_119, %dma_start3A_120] : memref<40x128xi32, #tpu.memory_space<vmem>> -> memref<1x128xi32, #tpu.memory_space<vmem>>
        %dma_start3A_122 = tpu.memref_squeeze %dma_start3A_121 : memref<1x128xi32, #tpu.memory_space<vmem>> -> memref<128xi32, #tpu.memory_space<vmem>>
        %dma_start3A_123 = arith.constant 0 : i32
        %dma_start3A_124 = arith.constant 0 : i32
        %dma_start3A_125 = tpu.memref_slice %arg10[%dma_start3A_123, %dma_start3A_124] : memref<10000x128xf32, #tpu.memory_space<vmem_shared>> -> memref<10000x128xf32, #tpu.memory_space<vmem_shared>>
        tpu.enqueue_indirect_dma source(%arg9 : memref<128x128xf32, #tpu.memory_space<vmem>>) target(%dma_start3A_125 : memref<10000x128xf32, #tpu.memory_space<vmem_shared>>) offsets(%dma_start3A_122 : memref<128xi32, #tpu.memory_space<vmem>>) semaphore(%run_scoped3A : memref<!tpu.dma_semaphore, #tpu.memory_space<semaphore_mem>>) {add = true}
        %dma_wait3A_126 = arith.constant 0 : i32
        %dma_wait3A_127 = tpu.memref_slice %arg7[%add3A_119, %dma_wait3A_126] : memref<40x128xi32, #tpu.memory_space<vmem>> -> memref<1x128xi32, #tpu.memory_space<vmem>>
        %dma_wait3A_128 = tpu.memref_squeeze %dma_wait3A_127 : memref<1x128xi32, #tpu.memory_space<vmem>> -> memref<128xi32, #tpu.memory_space<vmem>>
        %dma_wait3A_129 = arith.constant 0 : i32
        %dma_wait3A_130 = arith.constant 0 : i32
        %dma_wait3A_131 = tpu.memref_slice %arg10[%dma_wait3A_129, %dma_wait3A_130] : memref<10000x128xf32, #tpu.memory_space<vmem_shared>> -> memref<10000x128xf32, #tpu.memory_space<vmem_shared>>
        tpu.wait_indirect_dma semaphore(%run_scoped3A : memref<!tpu.dma_semaphore, #tpu.memory_space<semaphore_mem>>) src(%arg9 : memref<128x128xf32, #tpu.memory_space<vmem>>) dst(%dma_wait3A_131 : memref<10000x128xf32, #tpu.memory_space<vmem_shared>>)
        tpu.yield
      }) : () -> ()
    }
    %while3A_47 = arith.constant 1 : i32
    scf.for %while3A_59 = %while3A_45 to %while3A_41 step %while3A_47  : i32 {
      %mul3A_60 = arith.muli %while3A_59, %while3A : i32
      %add3A_61 = arith.addi %while3A_38, %mul3A_60 : i32
      %jit3A_62 = arith.constant 40 : i32
      %div3A_63 = arith.divsi %add3A_61, %jit3A_62 : i32
      %sign3A = arith.constant 0 : i32
      %sign3A_64 = arith.cmpi sgt, %add3A_61, %sign3A : i32
      %sign3A_65 = arith.extui %sign3A_64 : i1 to i32
      %sign3A_66 = arith.constant 0 : i32
      %sign3A_67 = arith.cmpi slt, %add3A_61, %sign3A_66 : i32
      %sign3A_68 = arith.extui %sign3A_67 : i1 to i32
      %sign3A_69 = arith.subi %sign3A_65, %sign3A_68 : i32
      %sign3A_70 = arith.constant 0 : i32
      %sign3A_71 = arith.cmpi sgt, %jit3A_62, %sign3A_70 : i32
      %sign3A_72 = arith.extui %sign3A_71 : i1 to i32
      %sign3A_73 = arith.constant 0 : i32
      %sign3A_74 = arith.cmpi slt, %jit3A_62, %sign3A_73 : i32
      %sign3A_75 = arith.extui %sign3A_74 : i1 to i32
      %sign3A_76 = arith.subi %sign3A_72, %sign3A_75 : i32
      %ne3A = arith.cmpi ne, %sign3A_69, %sign3A_76 : i32
      %rem3A = arith.remsi %add3A_61, %jit3A_62 : i32
      %ne3A_77 = arith.constant 0 : i32
      %ne3A_78 = arith.cmpi ne, %rem3A, %ne3A_77 : i32
      %and3A = arith.andi %ne3A, %ne3A_78 : i1
      %sub3A_79 = arith.constant 1 : i32
      %sub3A_80 = arith.subi %div3A_63, %sub3A_79 : i32
      %select_n3A_81 = arith.select %and3A, %sub3A_80, %div3A_63 : i32
      %mul3A_82 = arith.constant 40 : i32
      %mul3A_83 = arith.muli %select_n3A_81, %mul3A_82 : i32
      %eq3A_84 = arith.cmpi eq, %add3A_61, %mul3A_83 : i32
      %convert_element_type3A_85 = arith.extui %eq3A_84 : i1 to i32
      %cond3A_86 = arith.constant 0 : i32
      %cond3A_87 = arith.cmpi ne, %convert_element_type3A_85, %cond3A_86 : i32
      scf.if %cond3A_87 {
        %lt3A_120 = arith.constant 31 : i32
        %lt3A_121 = arith.cmpi slt, %add3A, %lt3A_120 : i32
        %convert_element_type3A_122 = arith.extui %lt3A_121 : i1 to i32
        %cond3A_123 = arith.constant 0 : i32
        %cond3A_124 = arith.cmpi ne, %convert_element_type3A_122, %cond3A_123 : i32
        scf.if %cond3A_124 {
          %mul3A_130 = arith.constant 80 : i32
          %mul3A_131 = arith.muli %add3A, %mul3A_130 : i32
          %mul3A_132 = arith.constant 40 : i32
          %mul3A_133 = arith.muli %select_n3A_81, %mul3A_132 : i32
          %add3A_134 = arith.addi %mul3A_131, %mul3A_133 : i32
          %multiple_of3A_135 = tpu.assume_multiple %add3A_134, 8 : i32
          "tpu.region"() ({
            %run_scoped3A = tpu.sem_alloc : memref<!tpu.dma_semaphore, #tpu.memory_space<semaphore_mem>>
            %dma_start3A_136 = arith.constant 0 : i32
            %dma_start3A_137 = tpu.memref_slice %arg4[%multiple_of3A_135, %dma_start3A_136] : memref<2500x128xi32, #tpu.memory_space<hbm>> -> memref<40x128xi32, #tpu.memory_space<hbm>>
            %dma_start3A_138 = arith.constant 0 : i32
            %dma_start3A_139 = tpu.memref_slice %arg4[%multiple_of3A_135, %dma_start3A_138] : memref<2500x128xi32, #tpu.memory_space<hbm>> -> memref<40x128xi32, #tpu.memory_space<hbm>>
            tpu.enqueue_dma source(%dma_start3A_139 : memref<40x128xi32, #tpu.memory_space<hbm>>) target(%arg7 : memref<40x128xi32, #tpu.memory_space<vmem>>) target_semaphore(%run_scoped3A : memref<!tpu.dma_semaphore, #tpu.memory_space<semaphore_mem>>)
            %dma_wait3A_140 = arith.constant 0 : i32
            %dma_wait3A_141 = tpu.memref_slice %arg4[%multiple_of3A_135, %dma_wait3A_140] : memref<2500x128xi32, #tpu.memory_space<hbm>> -> memref<40x128xi32, #tpu.memory_space<hbm>>
            %dma_wait3A_142 = arith.constant 0 : i32
            %dma_wait3A_143 = tpu.memref_slice %arg4[%multiple_of3A_135, %dma_wait3A_142] : memref<2500x128xi32, #tpu.memory_space<hbm>> -> memref<40x128xi32, #tpu.memory_space<hbm>>
            tpu.wait_dma2 semaphore(%run_scoped3A : memref<!tpu.dma_semaphore, #tpu.memory_space<semaphore_mem>>) src(%dma_wait3A_143 : memref<40x128xi32, #tpu.memory_space<hbm>>) dst(%arg7 : memref<40x128xi32, #tpu.memory_space<vmem>>)
            tpu.yield
          }) : () -> ()
        } else {
        }
        %eq3A_125 = arith.constant 31 : i32
        %eq3A_126 = arith.cmpi eq, %add3A, %eq3A_125 : i32
        %convert_element_type3A_127 = arith.extui %eq3A_126 : i1 to i32
        %cond3A_128 = arith.constant 0 : i32
        %cond3A_129 = arith.cmpi ne, %convert_element_type3A_127, %cond3A_128 : i32
        scf.if %cond3A_129 {
          "tpu.region"() ({
            %run_scoped3A = tpu.sem_alloc : memref<!tpu.dma_semaphore, #tpu.memory_space<semaphore_mem>>
            %dma_start3A_130 = arith.constant 0 : i32
            %dma_start3A_131 = arith.constant 0 : i32
            %dma_start3A_132 = tpu.memref_slice %arg7[%dma_start3A_130, %dma_start3A_131] : memref<40x128xi32, #tpu.memory_space<vmem>> -> memref<20x128xi32, #tpu.memory_space<vmem>>
            %dma_start3A_133 = arith.constant 2480 : i32
            %dma_start3A_134 = arith.constant 0 : i32
            %dma_start3A_135 = tpu.memref_slice %arg4[%dma_start3A_133, %dma_start3A_134] : memref<2500x128xi32, #tpu.memory_space<hbm>> -> memref<20x128xi32, #tpu.memory_space<hbm>>
            %dma_start3A_136 = arith.constant 0 : i32
            %dma_start3A_137 = arith.constant 0 : i32
            %dma_start3A_138 = tpu.memref_slice %arg7[%dma_start3A_136, %dma_start3A_137] : memref<40x128xi32, #tpu.memory_space<vmem>> -> memref<20x128xi32, #tpu.memory_space<vmem>>
            %dma_start3A_139 = arith.constant 2480 : i32
            %dma_start3A_140 = arith.constant 0 : i32
            %dma_start3A_141 = tpu.memref_slice %arg4[%dma_start3A_139, %dma_start3A_140] : memref<2500x128xi32, #tpu.memory_space<hbm>> -> memref<20x128xi32, #tpu.memory_space<hbm>>
            tpu.enqueue_dma source(%dma_start3A_141 : memref<20x128xi32, #tpu.memory_space<hbm>>) target(%dma_start3A_138 : memref<20x128xi32, #tpu.memory_space<vmem>>) target_semaphore(%run_scoped3A : memref<!tpu.dma_semaphore, #tpu.memory_space<semaphore_mem>>)
            %dma_wait3A_142 = arith.constant 0 : i32
            %dma_wait3A_143 = arith.constant 0 : i32
            %dma_wait3A_144 = tpu.memref_slice %arg7[%dma_wait3A_142, %dma_wait3A_143] : memref<40x128xi32, #tpu.memory_space<vmem>> -> memref<20x128xi32, #tpu.memory_space<vmem>>
            %dma_wait3A_145 = arith.constant 2480 : i32
            %dma_wait3A_146 = arith.constant 0 : i32
            %dma_wait3A_147 = tpu.memref_slice %arg4[%dma_wait3A_145, %dma_wait3A_146] : memref<2500x128xi32, #tpu.memory_space<hbm>> -> memref<20x128xi32, #tpu.memory_space<hbm>>
            %dma_wait3A_148 = arith.constant 0 : i32
            %dma_wait3A_149 = arith.constant 0 : i32
            %dma_wait3A_150 = tpu.memref_slice %arg7[%dma_wait3A_148, %dma_wait3A_149] : memref<40x128xi32, #tpu.memory_space<vmem>> -> memref<20x128xi32, #tpu.memory_space<vmem>>
            %dma_wait3A_151 = arith.constant 2480 : i32
            %dma_wait3A_152 = arith.constant 0 : i32
            %dma_wait3A_153 = tpu.memref_slice %arg4[%dma_wait3A_151, %dma_wait3A_152] : memref<2500x128xi32, #tpu.memory_space<hbm>> -> memref<20x128xi32, #tpu.memory_space<hbm>>
            tpu.wait_dma2 semaphore(%run_scoped3A : memref<!tpu.dma_semaphore, #tpu.memory_space<semaphore_mem>>) src(%dma_wait3A_153 : memref<20x128xi32, #tpu.memory_space<hbm>>) dst(%dma_wait3A_150 : memref<20x128xi32, #tpu.memory_space<vmem>>)
            tpu.yield
          }) : () -> ()
        } else {
        }
      } else {
      }
      %mul3A_88 = arith.constant 40 : i32
      %mul3A_89 = arith.muli %select_n3A_81, %mul3A_88 : i32
      %sub3A_90 = arith.subi %add3A_61, %mul3A_89 : i32
      %add3A_91 = arith.constant 1 : i32
      %add3A_92 = arith.addi %add3A_61, %add3A_91 : i32
      %dma_start3A_93 = arith.constant 0 : i32
      %dma_start3A_94 = tpu.memref_slice %arg6[%add3A_92, %dma_start3A_93] : memref<80x128xi32, #tpu.memory_space<vmem>> -> memref<1x128xi32, #tpu.memory_space<vmem>>
      %dma_start3A_95 = tpu.memref_squeeze %dma_start3A_94 : memref<1x128xi32, #tpu.memory_space<vmem>> -> memref<128xi32, #tpu.memory_space<vmem>>
      %dma_start3A_96 = arith.constant 0 : i32
      %dma_start3A_97 = arith.constant 0 : i32
      %dma_start3A_98 = tpu.memref_slice %arg2[%dma_start3A_96, %dma_start3A_97] : memref<10000x128xf32, #tpu.memory_space<hbm>> -> memref<10000x128xf32, #tpu.memory_space<hbm>>
      tpu.enqueue_indirect_dma source(%dma_start3A_98 : memref<10000x128xf32, #tpu.memory_space<hbm>>) target(%arg9 : memref<128x128xf32, #tpu.memory_space<vmem>>) offsets(%dma_start3A_95 : memref<128xi32, #tpu.memory_space<vmem>>) semaphore(%arg12 : memref<!tpu.dma_semaphore, #tpu.memory_space<semaphore_mem>>)
      %dma_wait3A = arith.constant 0 : i32
      %dma_wait3A_99 = tpu.memref_slice %arg6[%add3A_61, %dma_wait3A] : memref<80x128xi32, #tpu.memory_space<vmem>> -> memref<1x128xi32, #tpu.memory_space<vmem>>
      %dma_wait3A_100 = tpu.memref_squeeze %dma_wait3A_99 : memref<1x128xi32, #tpu.memory_space<vmem>> -> memref<128xi32, #tpu.memory_space<vmem>>
      %dma_wait3A_101 = arith.constant 0 : i32
      %dma_wait3A_102 = arith.constant 0 : i32
      %dma_wait3A_103 = tpu.memref_slice %arg2[%dma_wait3A_101, %dma_wait3A_102] : memref<10000x128xf32, #tpu.memory_space<hbm>> -> memref<10000x128xf32, #tpu.memory_space<hbm>>
      tpu.wait_indirect_dma semaphore(%arg11 : memref<!tpu.dma_semaphore, #tpu.memory_space<semaphore_mem>>) src(%dma_wait3A_103 : memref<10000x128xf32, #tpu.memory_space<hbm>>) dst(%arg8 : memref<128x128xf32, #tpu.memory_space<vmem>>)
      "tpu.region"() ({
        %run_scoped3A = tpu.sem_alloc : memref<!tpu.dma_semaphore, #tpu.memory_space<semaphore_mem>>
        %dma_start3A_120 = arith.constant 0 : i32
        %dma_start3A_121 = tpu.memref_slice %arg7[%sub3A_90, %dma_start3A_120] : memref<40x128xi32, #tpu.memory_space<vmem>> -> memref<1x128xi32, #tpu.memory_space<vmem>>
        %dma_start3A_122 = tpu.memref_squeeze %dma_start3A_121 : memref<1x128xi32, #tpu.memory_space<vmem>> -> memref<128xi32, #tpu.memory_space<vmem>>
        %dma_start3A_123 = arith.constant 0 : i32
        %dma_start3A_124 = arith.constant 0 : i32
        %dma_start3A_125 = tpu.memref_slice %arg10[%dma_start3A_123, %dma_start3A_124] : memref<10000x128xf32, #tpu.memory_space<vmem_shared>> -> memref<10000x128xf32, #tpu.memory_space<vmem_shared>>
        tpu.enqueue_indirect_dma source(%arg8 : memref<128x128xf32, #tpu.memory_space<vmem>>) target(%dma_start3A_125 : memref<10000x128xf32, #tpu.memory_space<vmem_shared>>) offsets(%dma_start3A_122 : memref<128xi32, #tpu.memory_space<vmem>>) semaphore(%run_scoped3A : memref<!tpu.dma_semaphore, #tpu.memory_space<semaphore_mem>>) {add = true}
        %dma_wait3A_126 = arith.constant 0 : i32
        %dma_wait3A_127 = tpu.memref_slice %arg7[%sub3A_90, %dma_wait3A_126] : memref<40x128xi32, #tpu.memory_space<vmem>> -> memref<1x128xi32, #tpu.memory_space<vmem>>
        %dma_wait3A_128 = tpu.memref_squeeze %dma_wait3A_127 : memref<1x128xi32, #tpu.memory_space<vmem>> -> memref<128xi32, #tpu.memory_space<vmem>>
        %dma_wait3A_129 = arith.constant 0 : i32
        %dma_wait3A_130 = arith.constant 0 : i32
        %dma_wait3A_131 = tpu.memref_slice %arg10[%dma_wait3A_129, %dma_wait3A_130] : memref<10000x128xf32, #tpu.memory_space<vmem_shared>> -> memref<10000x128xf32, #tpu.memory_space<vmem_shared>>
        tpu.wait_indirect_dma semaphore(%run_scoped3A : memref<!tpu.dma_semaphore, #tpu.memory_space<semaphore_mem>>) src(%arg8 : memref<128x128xf32, #tpu.memory_space<vmem>>) dst(%dma_wait3A_131 : memref<10000x128xf32, #tpu.memory_space<vmem_shared>>)
        tpu.yield
      }) : () -> ()
      %add3A_104 = arith.constant 2 : i32
      %add3A_105 = arith.addi %add3A_61, %add3A_104 : i32
      %lt3A_106 = arith.cmpi slt, %add3A_105, %select_n3A : i32
      %convert_element_type3A_107 = arith.extui %lt3A_106 : i1 to i32
      %cond3A_108 = arith.constant 0 : i32
      %cond3A_109 = arith.cmpi ne, %convert_element_type3A_107, %cond3A_108 : i32
      scf.if %cond3A_109 {
        %add3A_120 = arith.constant 2 : i32
        %add3A_121 = arith.addi %add3A_61, %add3A_120 : i32
        %dma_start3A_122 = arith.constant 0 : i32
        %dma_start3A_123 = tpu.memref_slice %arg6[%add3A_121, %dma_start3A_122] : memref<80x128xi32, #tpu.memory_space<vmem>> -> memref<1x128xi32, #tpu.memory_space<vmem>>
        %dma_start3A_124 = tpu.memref_squeeze %dma_start3A_123 : memref<1x128xi32, #tpu.memory_space<vmem>> -> memref<128xi32, #tpu.memory_space<vmem>>
        %dma_start3A_125 = arith.constant 0 : i32
        %dma_start3A_126 = arith.constant 0 : i32
        %dma_start3A_127 = tpu.memref_slice %arg2[%dma_start3A_125, %dma_start3A_126] : memref<10000x128xf32, #tpu.memory_space<hbm>> -> memref<10000x128xf32, #tpu.memory_space<hbm>>
        tpu.enqueue_indirect_dma source(%dma_start3A_127 : memref<10000x128xf32, #tpu.memory_space<hbm>>) target(%arg8 : memref<128x128xf32, #tpu.memory_space<vmem>>) offsets(%dma_start3A_124 : memref<128xi32, #tpu.memory_space<vmem>>) semaphore(%arg11 : memref<!tpu.dma_semaphore, #tpu.memory_space<semaphore_mem>>)
      } else {
      }
      %add3A_110 = arith.constant 1 : i32
      %add3A_111 = arith.addi %add3A_61, %add3A_110 : i32
      %dma_wait3A_112 = arith.constant 0 : i32
      %dma_wait3A_113 = tpu.memref_slice %arg6[%add3A_111, %dma_wait3A_112] : memref<80x128xi32, #tpu.memory_space<vmem>> -> memref<1x128xi32, #tpu.memory_space<vmem>>
      %dma_wait3A_114 = tpu.memref_squeeze %dma_wait3A_113 : memref<1x128xi32, #tpu.memory_space<vmem>> -> memref<128xi32, #tpu.memory_space<vmem>>
      %dma_wait3A_115 = arith.constant 0 : i32
      %dma_wait3A_116 = arith.constant 0 : i32
      %dma_wait3A_117 = tpu.memref_slice %arg2[%dma_wait3A_115, %dma_wait3A_116] : memref<10000x128xf32, #tpu.memory_space<hbm>> -> memref<10000x128xf32, #tpu.memory_space<hbm>>
      tpu.wait_indirect_dma semaphore(%arg12 : memref<!tpu.dma_semaphore, #tpu.memory_space<semaphore_mem>>) src(%dma_wait3A_117 : memref<10000x128xf32, #tpu.memory_space<hbm>>) dst(%arg9 : memref<128x128xf32, #tpu.memory_space<vmem>>)
      %add3A_118 = arith.constant 1 : i32
      %add3A_119 = arith.addi %sub3A_90, %add3A_118 : i32
      "tpu.region"() ({
        %run_scoped3A = tpu.sem_alloc : memref<!tpu.dma_semaphore, #tpu.memory_space<semaphore_mem>>
        %dma_start3A_120 = arith.constant 0 : i32
        %dma_start3A_121 = tpu.memref_slice %arg7[%add3A_119, %dma_start3A_120] : memref<40x128xi32, #tpu.memory_space<vmem>> -> memref<1x128xi32, #tpu.memory_space<vmem>>
        %dma_start3A_122 = tpu.memref_squeeze %dma_start3A_121 : memref<1x128xi32, #tpu.memory_space<vmem>> -> memref<128xi32, #tpu.memory_space<vmem>>
        %dma_start3A_123 = arith.constant 0 : i32
        %dma_start3A_124 = arith.constant 0 : i32
        %dma_start3A_125 = tpu.memref_slice %arg10[%dma_start3A_123, %dma_start3A_124] : memref<10000x128xf32, #tpu.memory_space<vmem_shared>> -> memref<10000x128xf32, #tpu.memory_space<vmem_shared>>
        tpu.enqueue_indirect_dma source(%arg9 : memref<128x128xf32, #tpu.memory_space<vmem>>) target(%dma_start3A_125 : memref<10000x128xf32, #tpu.memory_space<vmem_shared>>) offsets(%dma_start3A_122 : memref<128xi32, #tpu.memory_space<vmem>>) semaphore(%run_scoped3A : memref<!tpu.dma_semaphore, #tpu.memory_space<semaphore_mem>>) {add = true}
        %dma_wait3A_126 = arith.constant 0 : i32
        %dma_wait3A_127 = tpu.memref_slice %arg7[%add3A_119, %dma_wait3A_126] : memref<40x128xi32, #tpu.memory_space<vmem>> -> memref<1x128xi32, #tpu.memory_space<vmem>>
        %dma_wait3A_128 = tpu.memref_squeeze %dma_wait3A_127 : memref<1x128xi32, #tpu.memory_space<vmem>> -> memref<128xi32, #tpu.memory_space<vmem>>
        %dma_wait3A_129 = arith.constant 0 : i32
        %dma_wait3A_130 = arith.constant 0 : i32
        %dma_wait3A_131 = tpu.memref_slice %arg10[%dma_wait3A_129, %dma_wait3A_130] : memref<10000x128xf32, #tpu.memory_space<vmem_shared>> -> memref<10000x128xf32, #tpu.memory_space<vmem_shared>>
        tpu.wait_indirect_dma semaphore(%run_scoped3A : memref<!tpu.dma_semaphore, #tpu.memory_space<semaphore_mem>>) src(%arg9 : memref<128x128xf32, #tpu.memory_space<vmem>>) dst(%dma_wait3A_131 : memref<10000x128xf32, #tpu.memory_space<vmem_shared>>)
        tpu.yield
      }) : () -> ()
    }
    %barrier3A_48 = arith.constant 0 : index
    tpu.barrier barrier_id(%barrier3A_48)
    %lt3A_49 = arith.constant 15 : i32
    %lt3A_50 = arith.cmpi slt, %arg1, %lt3A_49 : i32
    %convert_element_type3A_51 = arith.extui %lt3A_50 : i1 to i32
    %cond3A_52 = arith.constant 0 : i32
    %cond3A_53 = arith.cmpi ne, %convert_element_type3A_51, %cond3A_52 : i32
    scf.if %cond3A_53 {
      "tpu.region"() ({
        %run_scoped3A = tpu.sem_alloc : memref<!tpu.dma_semaphore, #tpu.memory_space<semaphore_mem>>
        %dma_start3A_59 = arith.constant 0 : i32
        %dma_start3A_60 = tpu.memref_slice %arg5[%arg0, %multiple_of3A, %dma_start3A_59] : memref<2x10000x128xf32, #tpu.memory_space<hbm>> -> memref<1x632x128xf32, #tpu.memory_space<hbm>>
        %dma_start3A_61 = tpu.memref_squeeze %dma_start3A_60 : memref<1x632x128xf32, #tpu.memory_space<hbm>> -> memref<632x128xf32, #tpu.memory_space<hbm>>
        %dma_start3A_62 = arith.constant 0 : i32
        %dma_start3A_63 = tpu.memref_slice %arg10[%multiple_of3A, %dma_start3A_62] : memref<10000x128xf32, #tpu.memory_space<vmem_shared>> -> memref<632x128xf32, #tpu.memory_space<vmem_shared>>
        tpu.enqueue_dma source(%dma_start3A_63 : memref<632x128xf32, #tpu.memory_space<vmem_shared>>) target(%dma_start3A_61 : memref<632x128xf32, #tpu.memory_space<hbm>>) target_semaphore(%run_scoped3A : memref<!tpu.dma_semaphore, #tpu.memory_space<semaphore_mem>>)
        %dma_wait3A = arith.constant 0 : i32
        %dma_wait3A_64 = tpu.memref_slice %arg5[%arg0, %multiple_of3A, %dma_wait3A] : memref<2x10000x128xf32, #tpu.memory_space<hbm>> -> memref<1x632x128xf32, #tpu.memory_space<hbm>>
        %dma_wait3A_65 = tpu.memref_squeeze %dma_wait3A_64 : memref<1x632x128xf32, #tpu.memory_space<hbm>> -> memref<632x128xf32, #tpu.memory_space<hbm>>
        %dma_wait3A_66 = arith.constant 0 : i32
        %dma_wait3A_67 = tpu.memref_slice %arg10[%multiple_of3A, %dma_wait3A_66] : memref<10000x128xf32, #tpu.memory_space<vmem_shared>> -> memref<632x128xf32, #tpu.memory_space<vmem_shared>>
        tpu.wait_dma2 semaphore(%run_scoped3A : memref<!tpu.dma_semaphore, #tpu.memory_space<semaphore_mem>>) src(%dma_wait3A_67 : memref<632x128xf32, #tpu.memory_space<vmem_shared>>) dst(%dma_wait3A_65 : memref<632x128xf32, #tpu.memory_space<hbm>>)
        tpu.yield
      }) : () -> ()
    } else {
    }
    %eq3A_54 = arith.constant 15 : i32
    %eq3A_55 = arith.cmpi eq, %arg1, %eq3A_54 : i32
    %convert_element_type3A_56 = arith.extui %eq3A_55 : i1 to i32
    %cond3A_57 = arith.constant 0 : i32
    %cond3A_58 = arith.cmpi ne, %convert_element_type3A_56, %cond3A_57 : i32
    scf.if %cond3A_58 {
      "tpu.region"() ({
        %run_scoped3A = tpu.sem_alloc : memref<!tpu.dma_semaphore, #tpu.memory_space<semaphore_mem>>
        %dma_start3A_59 = arith.constant 9480 : i32
        %dma_start3A_60 = arith.constant 0 : i32
        %dma_start3A_61 = tpu.memref_slice %arg5[%arg0, %dma_start3A_59, %dma_start3A_60] : memref<2x10000x128xf32, #tpu.memory_space<hbm>> -> memref<1x520x128xf32, #tpu.memory_space<hbm>>
        %dma_start3A_62 = tpu.memref_squeeze %dma_start3A_61 : memref<1x520x128xf32, #tpu.memory_space<hbm>> -> memref<520x128xf32, #tpu.memory_space<hbm>>
        %dma_start3A_63 = arith.constant 9480 : i32
        %dma_start3A_64 = arith.constant 0 : i32
        %dma_start3A_65 = tpu.memref_slice %arg10[%dma_start3A_63, %dma_start3A_64] : memref<10000x128xf32, #tpu.memory_space<vmem_shared>> -> memref<520x128xf32, #tpu.memory_space<vmem_shared>>
        tpu.enqueue_dma source(%dma_start3A_65 : memref<520x128xf32, #tpu.memory_space<vmem_shared>>) target(%dma_start3A_62 : memref<520x128xf32, #tpu.memory_space<hbm>>) target_semaphore(%run_scoped3A : memref<!tpu.dma_semaphore, #tpu.memory_space<semaphore_mem>>)
        %dma_wait3A = arith.constant 9480 : i32
        %dma_wait3A_66 = arith.constant 0 : i32
        %dma_wait3A_67 = tpu.memref_slice %arg5[%arg0, %dma_wait3A, %dma_wait3A_66] : memref<2x10000x128xf32, #tpu.memory_space<hbm>> -> memref<1x520x128xf32, #tpu.memory_space<hbm>>
        %dma_wait3A_68 = tpu.memref_squeeze %dma_wait3A_67 : memref<1x520x128xf32, #tpu.memory_space<hbm>> -> memref<520x128xf32, #tpu.memory_space<hbm>>
        %dma_wait3A_69 = arith.constant 9480 : i32
        %dma_wait3A_70 = arith.constant 0 : i32
        %dma_wait3A_71 = tpu.memref_slice %arg10[%dma_wait3A_69, %dma_wait3A_70] : memref<10000x128xf32, #tpu.memory_space<vmem_shared>> -> memref<520x128xf32, #tpu.memory_space<vmem_shared>>
        tpu.wait_dma2 semaphore(%run_scoped3A : memref<!tpu.dma_semaphore, #tpu.memory_space<semaphore_mem>>) src(%dma_wait3A_71 : memref<520x128xf32, #tpu.memory_space<vmem_shared>>) dst(%dma_wait3A_68 : memref<520x128xf32, #tpu.memory_space<hbm>>)
        tpu.yield
      }) : () -> ()
    } else {
    }
    return
  }
}

#map = affine_map<(d0, d1) -> (0)>
#map1 = affine_map<(d0, d1) -> (0, 0)>
module attributes {stable_mosaic.version = 14 : i64} {
  func.func @_agg1d(%arg0: i32, %arg1: i32, %arg2: memref<10000xf32, #tpu.memory_space<hbm>>, %arg3: memref<2500x128xi32, #tpu.memory_space<hbm>>, %arg4: memref<2500x128xi32, #tpu.memory_space<hbm>>, %arg5: memref<10000xf32, #tpu.memory_space<hbm>>, %arg6: memref<2x10000xf32, #tpu.memory_space<hbm>>, %arg7: memref<80x128xi32, #tpu.memory_space<vmem>>, %arg8: memref<80x128xi32, #tpu.memory_space<vmem>>, %arg9: memref<10000xf32, #tpu.memory_space<vmem>>, %arg10: memref<80x128xf32, #tpu.memory_space<vmem>>, %arg11: memref<10000xf32, #tpu.memory_space<vmem_shared>>, %arg12: memref<!tpu.dma_semaphore, #tpu.memory_space<semaphore_mem>>) attributes {dimension_semantics = [#tpu.dimension_semantics<core_parallel>, #tpu.dimension_semantics<subcore_parallel>], iteration_bounds = array<i64: 2, 16>, scalar_prefetch = 0 : i64, scratch_operands = 6 : i64, tpu.core_type = #tpu.core_type<sc_vector_subcore>, window_params = [{transform_indices = #map}, {transform_indices = #map1}, {transform_indices = #map1}, {transform_indices = #map}, {transform_indices = #map1}]} {
    %mul3A = arith.constant 16 : i32
    %mul3A_0 = arith.muli %arg0, %mul3A : i32
    %add3A = arith.addi %mul3A_0, %arg1 : i32
    %eq3A = arith.constant 31 : i32
    %eq3A_1 = arith.cmpi eq, %add3A, %eq3A : i32
    %jit3A = arith.constant 20 : i32
    %jit3A_2 = arith.constant 80 : i32
    %select_n3A = arith.select %eq3A_1, %jit3A, %jit3A_2 : i32
    %lt3A = arith.constant 31 : i32
    %lt3A_3 = arith.cmpi slt, %add3A, %lt3A : i32
    %convert_element_type3A = arith.extui %lt3A_3 : i1 to i32
    %cond3A = arith.constant 0 : i32
    %cond3A_4 = arith.cmpi ne, %convert_element_type3A, %cond3A : i32
    scf.if %cond3A_4 {
      %mul3A_66 = arith.constant 80 : i32
      %mul3A_67 = arith.muli %add3A, %mul3A_66 : i32
      %multiple_of3A = tpu.assume_multiple %mul3A_67, 8 : i32
      "tpu.region"() ({
        %run_scoped3A = tpu.sem_alloc : memref<!tpu.dma_semaphore, #tpu.memory_space<semaphore_mem>>
        %dma_start3A = arith.constant 0 : i32
        %dma_start3A_68 = tpu.memref_slice %arg3[%multiple_of3A, %dma_start3A] : memref<2500x128xi32, #tpu.memory_space<hbm>> -> memref<80x128xi32, #tpu.memory_space<hbm>>
        %dma_start3A_69 = arith.constant 0 : i32
        %dma_start3A_70 = tpu.memref_slice %arg3[%multiple_of3A, %dma_start3A_69] : memref<2500x128xi32, #tpu.memory_space<hbm>> -> memref<80x128xi32, #tpu.memory_space<hbm>>
        tpu.enqueue_dma source(%dma_start3A_70 : memref<80x128xi32, #tpu.memory_space<hbm>>) target(%arg7 : memref<80x128xi32, #tpu.memory_space<vmem>>) target_semaphore(%run_scoped3A : memref<!tpu.dma_semaphore, #tpu.memory_space<semaphore_mem>>)
        %dma_wait3A = arith.constant 0 : i32
        %dma_wait3A_71 = tpu.memref_slice %arg3[%multiple_of3A, %dma_wait3A] : memref<2500x128xi32, #tpu.memory_space<hbm>> -> memref<80x128xi32, #tpu.memory_space<hbm>>
        %dma_wait3A_72 = arith.constant 0 : i32
        %dma_wait3A_73 = tpu.memref_slice %arg3[%multiple_of3A, %dma_wait3A_72] : memref<2500x128xi32, #tpu.memory_space<hbm>> -> memref<80x128xi32, #tpu.memory_space<hbm>>
        tpu.wait_dma2 semaphore(%run_scoped3A : memref<!tpu.dma_semaphore, #tpu.memory_space<semaphore_mem>>) src(%dma_wait3A_73 : memref<80x128xi32, #tpu.memory_space<hbm>>) dst(%arg7 : memref<80x128xi32, #tpu.memory_space<vmem>>)
        tpu.yield
      }) : () -> ()
    } else {
    }
    %eq3A_5 = arith.constant 31 : i32
    %eq3A_6 = arith.cmpi eq, %add3A, %eq3A_5 : i32
    %convert_element_type3A_7 = arith.extui %eq3A_6 : i1 to i32
    %cond3A_8 = arith.constant 0 : i32
    %cond3A_9 = arith.cmpi ne, %convert_element_type3A_7, %cond3A_8 : i32
    scf.if %cond3A_9 {
      "tpu.region"() ({
        %run_scoped3A = tpu.sem_alloc : memref<!tpu.dma_semaphore, #tpu.memory_space<semaphore_mem>>
        %dma_start3A = arith.constant 0 : i32
        %dma_start3A_66 = arith.constant 0 : i32
        %dma_start3A_67 = tpu.memref_slice %arg7[%dma_start3A, %dma_start3A_66] : memref<80x128xi32, #tpu.memory_space<vmem>> -> memref<20x128xi32, #tpu.memory_space<vmem>>
        %dma_start3A_68 = arith.constant 2480 : i32
        %dma_start3A_69 = arith.constant 0 : i32
        %dma_start3A_70 = tpu.memref_slice %arg3[%dma_start3A_68, %dma_start3A_69] : memref<2500x128xi32, #tpu.memory_space<hbm>> -> memref<20x128xi32, #tpu.memory_space<hbm>>
        %dma_start3A_71 = arith.constant 0 : i32
        %dma_start3A_72 = arith.constant 0 : i32
        %dma_start3A_73 = tpu.memref_slice %arg7[%dma_start3A_71, %dma_start3A_72] : memref<80x128xi32, #tpu.memory_space<vmem>> -> memref<20x128xi32, #tpu.memory_space<vmem>>
        %dma_start3A_74 = arith.constant 2480 : i32
        %dma_start3A_75 = arith.constant 0 : i32
        %dma_start3A_76 = tpu.memref_slice %arg3[%dma_start3A_74, %dma_start3A_75] : memref<2500x128xi32, #tpu.memory_space<hbm>> -> memref<20x128xi32, #tpu.memory_space<hbm>>
        tpu.enqueue_dma source(%dma_start3A_76 : memref<20x128xi32, #tpu.memory_space<hbm>>) target(%dma_start3A_73 : memref<20x128xi32, #tpu.memory_space<vmem>>) target_semaphore(%run_scoped3A : memref<!tpu.dma_semaphore, #tpu.memory_space<semaphore_mem>>)
        %dma_wait3A = arith.constant 0 : i32
        %dma_wait3A_77 = arith.constant 0 : i32
        %dma_wait3A_78 = tpu.memref_slice %arg7[%dma_wait3A, %dma_wait3A_77] : memref<80x128xi32, #tpu.memory_space<vmem>> -> memref<20x128xi32, #tpu.memory_space<vmem>>
        %dma_wait3A_79 = arith.constant 2480 : i32
        %dma_wait3A_80 = arith.constant 0 : i32
        %dma_wait3A_81 = tpu.memref_slice %arg3[%dma_wait3A_79, %dma_wait3A_80] : memref<2500x128xi32, #tpu.memory_space<hbm>> -> memref<20x128xi32, #tpu.memory_space<hbm>>
        %dma_wait3A_82 = arith.constant 0 : i32
        %dma_wait3A_83 = arith.constant 0 : i32
        %dma_wait3A_84 = tpu.memref_slice %arg7[%dma_wait3A_82, %dma_wait3A_83] : memref<80x128xi32, #tpu.memory_space<vmem>> -> memref<20x128xi32, #tpu.memory_space<vmem>>
        %dma_wait3A_85 = arith.constant 2480 : i32
        %dma_wait3A_86 = arith.constant 0 : i32
        %dma_wait3A_87 = tpu.memref_slice %arg3[%dma_wait3A_85, %dma_wait3A_86] : memref<2500x128xi32, #tpu.memory_space<hbm>> -> memref<20x128xi32, #tpu.memory_space<hbm>>
        tpu.wait_dma2 semaphore(%run_scoped3A : memref<!tpu.dma_semaphore, #tpu.memory_space<semaphore_mem>>) src(%dma_wait3A_87 : memref<20x128xi32, #tpu.memory_space<hbm>>) dst(%dma_wait3A_84 : memref<20x128xi32, #tpu.memory_space<vmem>>)
        tpu.yield
      }) : () -> ()
    } else {
    }
    %lt3A_10 = arith.constant 31 : i32
    %lt3A_11 = arith.cmpi slt, %add3A, %lt3A_10 : i32
    %convert_element_type3A_12 = arith.extui %lt3A_11 : i1 to i32
    %cond3A_13 = arith.constant 0 : i32
    %cond3A_14 = arith.cmpi ne, %convert_element_type3A_12, %cond3A_13 : i32
    scf.if %cond3A_14 {
      %mul3A_66 = arith.constant 80 : i32
      %mul3A_67 = arith.muli %add3A, %mul3A_66 : i32
      %multiple_of3A = tpu.assume_multiple %mul3A_67, 8 : i32
      "tpu.region"() ({
        %run_scoped3A = tpu.sem_alloc : memref<!tpu.dma_semaphore, #tpu.memory_space<semaphore_mem>>
        %dma_start3A = arith.constant 0 : i32
        %dma_start3A_68 = tpu.memref_slice %arg4[%multiple_of3A, %dma_start3A] : memref<2500x128xi32, #tpu.memory_space<hbm>> -> memref<80x128xi32, #tpu.memory_space<hbm>>
        %dma_start3A_69 = arith.constant 0 : i32
        %dma_start3A_70 = tpu.memref_slice %arg4[%multiple_of3A, %dma_start3A_69] : memref<2500x128xi32, #tpu.memory_space<hbm>> -> memref<80x128xi32, #tpu.memory_space<hbm>>
        tpu.enqueue_dma source(%dma_start3A_70 : memref<80x128xi32, #tpu.memory_space<hbm>>) target(%arg8 : memref<80x128xi32, #tpu.memory_space<vmem>>) target_semaphore(%run_scoped3A : memref<!tpu.dma_semaphore, #tpu.memory_space<semaphore_mem>>)
        %dma_wait3A = arith.constant 0 : i32
        %dma_wait3A_71 = tpu.memref_slice %arg4[%multiple_of3A, %dma_wait3A] : memref<2500x128xi32, #tpu.memory_space<hbm>> -> memref<80x128xi32, #tpu.memory_space<hbm>>
        %dma_wait3A_72 = arith.constant 0 : i32
        %dma_wait3A_73 = tpu.memref_slice %arg4[%multiple_of3A, %dma_wait3A_72] : memref<2500x128xi32, #tpu.memory_space<hbm>> -> memref<80x128xi32, #tpu.memory_space<hbm>>
        tpu.wait_dma2 semaphore(%run_scoped3A : memref<!tpu.dma_semaphore, #tpu.memory_space<semaphore_mem>>) src(%dma_wait3A_73 : memref<80x128xi32, #tpu.memory_space<hbm>>) dst(%arg8 : memref<80x128xi32, #tpu.memory_space<vmem>>)
        tpu.yield
      }) : () -> ()
    } else {
    }
    %eq3A_15 = arith.constant 31 : i32
    %eq3A_16 = arith.cmpi eq, %add3A, %eq3A_15 : i32
    %convert_element_type3A_17 = arith.extui %eq3A_16 : i1 to i32
    %cond3A_18 = arith.constant 0 : i32
    %cond3A_19 = arith.cmpi ne, %convert_element_type3A_17, %cond3A_18 : i32
    scf.if %cond3A_19 {
      "tpu.region"() ({
        %run_scoped3A = tpu.sem_alloc : memref<!tpu.dma_semaphore, #tpu.memory_space<semaphore_mem>>
        %dma_start3A = arith.constant 0 : i32
        %dma_start3A_66 = arith.constant 0 : i32
        %dma_start3A_67 = tpu.memref_slice %arg8[%dma_start3A, %dma_start3A_66] : memref<80x128xi32, #tpu.memory_space<vmem>> -> memref<20x128xi32, #tpu.memory_space<vmem>>
        %dma_start3A_68 = arith.constant 2480 : i32
        %dma_start3A_69 = arith.constant 0 : i32
        %dma_start3A_70 = tpu.memref_slice %arg4[%dma_start3A_68, %dma_start3A_69] : memref<2500x128xi32, #tpu.memory_space<hbm>> -> memref<20x128xi32, #tpu.memory_space<hbm>>
        %dma_start3A_71 = arith.constant 0 : i32
        %dma_start3A_72 = arith.constant 0 : i32
        %dma_start3A_73 = tpu.memref_slice %arg8[%dma_start3A_71, %dma_start3A_72] : memref<80x128xi32, #tpu.memory_space<vmem>> -> memref<20x128xi32, #tpu.memory_space<vmem>>
        %dma_start3A_74 = arith.constant 2480 : i32
        %dma_start3A_75 = arith.constant 0 : i32
        %dma_start3A_76 = tpu.memref_slice %arg4[%dma_start3A_74, %dma_start3A_75] : memref<2500x128xi32, #tpu.memory_space<hbm>> -> memref<20x128xi32, #tpu.memory_space<hbm>>
        tpu.enqueue_dma source(%dma_start3A_76 : memref<20x128xi32, #tpu.memory_space<hbm>>) target(%dma_start3A_73 : memref<20x128xi32, #tpu.memory_space<vmem>>) target_semaphore(%run_scoped3A : memref<!tpu.dma_semaphore, #tpu.memory_space<semaphore_mem>>)
        %dma_wait3A = arith.constant 0 : i32
        %dma_wait3A_77 = arith.constant 0 : i32
        %dma_wait3A_78 = tpu.memref_slice %arg8[%dma_wait3A, %dma_wait3A_77] : memref<80x128xi32, #tpu.memory_space<vmem>> -> memref<20x128xi32, #tpu.memory_space<vmem>>
        %dma_wait3A_79 = arith.constant 2480 : i32
        %dma_wait3A_80 = arith.constant 0 : i32
        %dma_wait3A_81 = tpu.memref_slice %arg4[%dma_wait3A_79, %dma_wait3A_80] : memref<2500x128xi32, #tpu.memory_space<hbm>> -> memref<20x128xi32, #tpu.memory_space<hbm>>
        %dma_wait3A_82 = arith.constant 0 : i32
        %dma_wait3A_83 = arith.constant 0 : i32
        %dma_wait3A_84 = tpu.memref_slice %arg8[%dma_wait3A_82, %dma_wait3A_83] : memref<80x128xi32, #tpu.memory_space<vmem>> -> memref<20x128xi32, #tpu.memory_space<vmem>>
        %dma_wait3A_85 = arith.constant 2480 : i32
        %dma_wait3A_86 = arith.constant 0 : i32
        %dma_wait3A_87 = tpu.memref_slice %arg4[%dma_wait3A_85, %dma_wait3A_86] : memref<2500x128xi32, #tpu.memory_space<hbm>> -> memref<20x128xi32, #tpu.memory_space<hbm>>
        tpu.wait_dma2 semaphore(%run_scoped3A : memref<!tpu.dma_semaphore, #tpu.memory_space<semaphore_mem>>) src(%dma_wait3A_87 : memref<20x128xi32, #tpu.memory_space<hbm>>) dst(%dma_wait3A_84 : memref<20x128xi32, #tpu.memory_space<vmem>>)
        tpu.yield
      }) : () -> ()
    } else {
    }
    "tpu.region"() ({
      %run_scoped3A = tpu.sem_alloc : memref<!tpu.dma_semaphore, #tpu.memory_space<semaphore_mem>>
      tpu.enqueue_dma source(%arg2 : memref<10000xf32, #tpu.memory_space<hbm>>) target(%arg9 : memref<10000xf32, #tpu.memory_space<vmem>>) target_semaphore(%run_scoped3A : memref<!tpu.dma_semaphore, #tpu.memory_space<semaphore_mem>>)
      tpu.wait_dma2 semaphore(%run_scoped3A : memref<!tpu.dma_semaphore, #tpu.memory_space<semaphore_mem>>) src(%arg2 : memref<10000xf32, #tpu.memory_space<hbm>>) dst(%arg9 : memref<10000xf32, #tpu.memory_space<vmem>>)
      tpu.yield
    }) : () -> ()
    %eq3A_20 = arith.constant 0 : i32
    %eq3A_21 = arith.cmpi eq, %arg1, %eq3A_20 : i32
    %convert_element_type3A_22 = arith.extui %eq3A_21 : i1 to i32
    %cond3A_23 = arith.constant 0 : i32
    %cond3A_24 = arith.cmpi ne, %convert_element_type3A_22, %cond3A_23 : i32
    scf.if %cond3A_24 {
      "tpu.region"() ({
        %run_scoped3A = tpu.sem_alloc : memref<!tpu.dma_semaphore, #tpu.memory_space<semaphore_mem>>
        tpu.enqueue_dma source(%arg5 : memref<10000xf32, #tpu.memory_space<hbm>>) target(%arg11 : memref<10000xf32, #tpu.memory_space<vmem_shared>>) target_semaphore(%run_scoped3A : memref<!tpu.dma_semaphore, #tpu.memory_space<semaphore_mem>>)
        tpu.wait_dma2 semaphore(%run_scoped3A : memref<!tpu.dma_semaphore, #tpu.memory_space<semaphore_mem>>) src(%arg5 : memref<10000xf32, #tpu.memory_space<hbm>>) dst(%arg11 : memref<10000xf32, #tpu.memory_space<vmem_shared>>)
        tpu.yield
      }) : () -> ()
    } else {
    }
    %sub3A = arith.constant 0 : i32
    %sub3A_25 = arith.subi %select_n3A, %sub3A : i32
    %sub3A_26 = arith.constant 1 : i32
    %sub3A_27 = arith.constant 1 : i32
    %sub3A_28 = arith.subi %sub3A_26, %sub3A_27 : i32
    %add3A_29 = arith.addi %sub3A_25, %sub3A_28 : i32
    %div3A = arith.constant 1 : i32
    %div3A_30 = arith.divsi %add3A_29, %div3A : i32
    %while3A = arith.constant 1 : i32
    %while3A_31 = arith.constant 0 : i32
    %while3A_32 = arith.constant 0 : i32
    %while3A_33 = arith.subi %div3A_30, %while3A_32 : i32
    %while3A_34 = arith.addi %while3A_32, %while3A_33 : i32
    %while3A_35 = arith.constant 1 : i32
    %while3A_36 = arith.divsi %while3A_33, %while3A_35 : i32
    %while3A_37 = arith.muli %while3A_36, %while3A_35 : i32
    %while3A_38 = arith.addi %while3A_32, %while3A_37 : i32
    %while3A_39 = arith.constant 1 : i32
    scf.for %while3A_66 = %while3A_32 to %while3A_38 step %while3A_39  : i32 {
      %mul3A_67 = arith.muli %while3A_66, %while3A : i32
      %add3A_68 = arith.addi %while3A_31, %mul3A_67 : i32
      %get3A = arith.index_cast %add3A_68 : i32 to index
      %get3A_69 = arith.constant 0 : index
      %get3A_70 = tpu.vector_load %arg7[%get3A, %get3A_69] {strides = array<i32>} : memref<80x128xi32, #tpu.memory_space<vmem>>, vector<16xi32>,
      %gather3A = tpu.vector_load_idx %arg9[%get3A_70] : memref<10000xf32, #tpu.memory_space<vmem>>[vector<16xi32>], vector<16xf32>,
      %swap3A = arith.index_cast %add3A_68 : i32 to index
      %swap3A_71 = arith.constant 0 : index
      %swap3A_72 = tpu.vector_load %arg10[%swap3A, %swap3A_71] {strides = array<i32>} : memref<80x128xf32, #tpu.memory_space<vmem>>, vector<16xf32>,
      tpu.vector_store %arg10[%swap3A, %swap3A_71], %gather3A {strides = array<i32>} : memref<80x128xf32, #tpu.memory_space<vmem>>, vector<16xf32>,
      %get3A_73 = arith.index_cast %add3A_68 : i32 to index
      %get3A_74 = arith.constant 16 : index
      %get3A_75 = tpu.vector_load %arg7[%get3A_73, %get3A_74] {strides = array<i32>} : memref<80x128xi32, #tpu.memory_space<vmem>>, vector<16xi32>,
      %gather3A_76 = tpu.vector_load_idx %arg9[%get3A_75] : memref<10000xf32, #tpu.memory_space<vmem>>[vector<16xi32>], vector<16xf32>,
      %swap3A_77 = arith.index_cast %add3A_68 : i32 to index
      %swap3A_78 = arith.constant 16 : index
      %swap3A_79 = tpu.vector_load %arg10[%swap3A_77, %swap3A_78] {strides = array<i32>} : memref<80x128xf32, #tpu.memory_space<vmem>>, vector<16xf32>,
      tpu.vector_store %arg10[%swap3A_77, %swap3A_78], %gather3A_76 {strides = array<i32>} : memref<80x128xf32, #tpu.memory_space<vmem>>, vector<16xf32>,
      %get3A_80 = arith.index_cast %add3A_68 : i32 to index
      %get3A_81 = arith.constant 32 : index
      %get3A_82 = tpu.vector_load %arg7[%get3A_80, %get3A_81] {strides = array<i32>} : memref<80x128xi32, #tpu.memory_space<vmem>>, vector<16xi32>,
      %gather3A_83 = tpu.vector_load_idx %arg9[%get3A_82] : memref<10000xf32, #tpu.memory_space<vmem>>[vector<16xi32>], vector<16xf32>,
      %swap3A_84 = arith.index_cast %add3A_68 : i32 to index
      %swap3A_85 = arith.constant 32 : index
      %swap3A_86 = tpu.vector_load %arg10[%swap3A_84, %swap3A_85] {strides = array<i32>} : memref<80x128xf32, #tpu.memory_space<vmem>>, vector<16xf32>,
      tpu.vector_store %arg10[%swap3A_84, %swap3A_85], %gather3A_83 {strides = array<i32>} : memref<80x128xf32, #tpu.memory_space<vmem>>, vector<16xf32>,
      %get3A_87 = arith.index_cast %add3A_68 : i32 to index
      %get3A_88 = arith.constant 48 : index
      %get3A_89 = tpu.vector_load %arg7[%get3A_87, %get3A_88] {strides = array<i32>} : memref<80x128xi32, #tpu.memory_space<vmem>>, vector<16xi32>,
      %gather3A_90 = tpu.vector_load_idx %arg9[%get3A_89] : memref<10000xf32, #tpu.memory_space<vmem>>[vector<16xi32>], vector<16xf32>,
      %swap3A_91 = arith.index_cast %add3A_68 : i32 to index
      %swap3A_92 = arith.constant 48 : index
      %swap3A_93 = tpu.vector_load %arg10[%swap3A_91, %swap3A_92] {strides = array<i32>} : memref<80x128xf32, #tpu.memory_space<vmem>>, vector<16xf32>,
      tpu.vector_store %arg10[%swap3A_91, %swap3A_92], %gather3A_90 {strides = array<i32>} : memref<80x128xf32, #tpu.memory_space<vmem>>, vector<16xf32>,
      %get3A_94 = arith.index_cast %add3A_68 : i32 to index
      %get3A_95 = arith.constant 64 : index
      %get3A_96 = tpu.vector_load %arg7[%get3A_94, %get3A_95] {strides = array<i32>} : memref<80x128xi32, #tpu.memory_space<vmem>>, vector<16xi32>,
      %gather3A_97 = tpu.vector_load_idx %arg9[%get3A_96] : memref<10000xf32, #tpu.memory_space<vmem>>[vector<16xi32>], vector<16xf32>,
      %swap3A_98 = arith.index_cast %add3A_68 : i32 to index
      %swap3A_99 = arith.constant 64 : index
      %swap3A_100 = tpu.vector_load %arg10[%swap3A_98, %swap3A_99] {strides = array<i32>} : memref<80x128xf32, #tpu.memory_space<vmem>>, vector<16xf32>,
      tpu.vector_store %arg10[%swap3A_98, %swap3A_99], %gather3A_97 {strides = array<i32>} : memref<80x128xf32, #tpu.memory_space<vmem>>, vector<16xf32>,
      %get3A_101 = arith.index_cast %add3A_68 : i32 to index
      %get3A_102 = arith.constant 80 : index
      %get3A_103 = tpu.vector_load %arg7[%get3A_101, %get3A_102] {strides = array<i32>} : memref<80x128xi32, #tpu.memory_space<vmem>>, vector<16xi32>,
      %gather3A_104 = tpu.vector_load_idx %arg9[%get3A_103] : memref<10000xf32, #tpu.memory_space<vmem>>[vector<16xi32>], vector<16xf32>,
      %swap3A_105 = arith.index_cast %add3A_68 : i32 to index
      %swap3A_106 = arith.constant 80 : index
      %swap3A_107 = tpu.vector_load %arg10[%swap3A_105, %swap3A_106] {strides = array<i32>} : memref<80x128xf32, #tpu.memory_space<vmem>>, vector<16xf32>,
      tpu.vector_store %arg10[%swap3A_105, %swap3A_106], %gather3A_104 {strides = array<i32>} : memref<80x128xf32, #tpu.memory_space<vmem>>, vector<16xf32>,
      %get3A_108 = arith.index_cast %add3A_68 : i32 to index
      %get3A_109 = arith.constant 96 : index
      %get3A_110 = tpu.vector_load %arg7[%get3A_108, %get3A_109] {strides = array<i32>} : memref<80x128xi32, #tpu.memory_space<vmem>>, vector<16xi32>,
      %gather3A_111 = tpu.vector_load_idx %arg9[%get3A_110] : memref<10000xf32, #tpu.memory_space<vmem>>[vector<16xi32>], vector<16xf32>,
      %swap3A_112 = arith.index_cast %add3A_68 : i32 to index
      %swap3A_113 = arith.constant 96 : index
      %swap3A_114 = tpu.vector_load %arg10[%swap3A_112, %swap3A_113] {strides = array<i32>} : memref<80x128xf32, #tpu.memory_space<vmem>>, vector<16xf32>,
      tpu.vector_store %arg10[%swap3A_112, %swap3A_113], %gather3A_111 {strides = array<i32>} : memref<80x128xf32, #tpu.memory_space<vmem>>, vector<16xf32>,
      %get3A_115 = arith.index_cast %add3A_68 : i32 to index
      %get3A_116 = arith.constant 112 : index
      %get3A_117 = tpu.vector_load %arg7[%get3A_115, %get3A_116] {strides = array<i32>} : memref<80x128xi32, #tpu.memory_space<vmem>>, vector<16xi32>,
      %gather3A_118 = tpu.vector_load_idx %arg9[%get3A_117] : memref<10000xf32, #tpu.memory_space<vmem>>[vector<16xi32>], vector<16xf32>,
      %swap3A_119 = arith.index_cast %add3A_68 : i32 to index
      %swap3A_120 = arith.constant 112 : index
      %swap3A_121 = tpu.vector_load %arg10[%swap3A_119, %swap3A_120] {strides = array<i32>} : memref<80x128xf32, #tpu.memory_space<vmem>>, vector<16xf32>,
      tpu.vector_store %arg10[%swap3A_119, %swap3A_120], %gather3A_118 {strides = array<i32>} : memref<80x128xf32, #tpu.memory_space<vmem>>, vector<16xf32>,
    }
    %while3A_40 = arith.constant 1 : i32
    scf.for %while3A_66 = %while3A_38 to %while3A_34 step %while3A_40  : i32 {
      %mul3A_67 = arith.muli %while3A_66, %while3A : i32
      %add3A_68 = arith.addi %while3A_31, %mul3A_67 : i32
      %get3A = arith.index_cast %add3A_68 : i32 to index
      %get3A_69 = arith.constant 0 : index
      %get3A_70 = tpu.vector_load %arg7[%get3A, %get3A_69] {strides = array<i32>} : memref<80x128xi32, #tpu.memory_space<vmem>>, vector<16xi32>,
      %gather3A = tpu.vector_load_idx %arg9[%get3A_70] : memref<10000xf32, #tpu.memory_space<vmem>>[vector<16xi32>], vector<16xf32>,
      %swap3A = arith.index_cast %add3A_68 : i32 to index
      %swap3A_71 = arith.constant 0 : index
      %swap3A_72 = tpu.vector_load %arg10[%swap3A, %swap3A_71] {strides = array<i32>} : memref<80x128xf32, #tpu.memory_space<vmem>>, vector<16xf32>,
      tpu.vector_store %arg10[%swap3A, %swap3A_71], %gather3A {strides = array<i32>} : memref<80x128xf32, #tpu.memory_space<vmem>>, vector<16xf32>,
      %get3A_73 = arith.index_cast %add3A_68 : i32 to index
      %get3A_74 = arith.constant 16 : index
      %get3A_75 = tpu.vector_load %arg7[%get3A_73, %get3A_74] {strides = array<i32>} : memref<80x128xi32, #tpu.memory_space<vmem>>, vector<16xi32>,
      %gather3A_76 = tpu.vector_load_idx %arg9[%get3A_75] : memref<10000xf32, #tpu.memory_space<vmem>>[vector<16xi32>], vector<16xf32>,
      %swap3A_77 = arith.index_cast %add3A_68 : i32 to index
      %swap3A_78 = arith.constant 16 : index
      %swap3A_79 = tpu.vector_load %arg10[%swap3A_77, %swap3A_78] {strides = array<i32>} : memref<80x128xf32, #tpu.memory_space<vmem>>, vector<16xf32>,
      tpu.vector_store %arg10[%swap3A_77, %swap3A_78], %gather3A_76 {strides = array<i32>} : memref<80x128xf32, #tpu.memory_space<vmem>>, vector<16xf32>,
      %get3A_80 = arith.index_cast %add3A_68 : i32 to index
      %get3A_81 = arith.constant 32 : index
      %get3A_82 = tpu.vector_load %arg7[%get3A_80, %get3A_81] {strides = array<i32>} : memref<80x128xi32, #tpu.memory_space<vmem>>, vector<16xi32>,
      %gather3A_83 = tpu.vector_load_idx %arg9[%get3A_82] : memref<10000xf32, #tpu.memory_space<vmem>>[vector<16xi32>], vector<16xf32>,
      %swap3A_84 = arith.index_cast %add3A_68 : i32 to index
      %swap3A_85 = arith.constant 32 : index
      %swap3A_86 = tpu.vector_load %arg10[%swap3A_84, %swap3A_85] {strides = array<i32>} : memref<80x128xf32, #tpu.memory_space<vmem>>, vector<16xf32>,
      tpu.vector_store %arg10[%swap3A_84, %swap3A_85], %gather3A_83 {strides = array<i32>} : memref<80x128xf32, #tpu.memory_space<vmem>>, vector<16xf32>,
      %get3A_87 = arith.index_cast %add3A_68 : i32 to index
      %get3A_88 = arith.constant 48 : index
      %get3A_89 = tpu.vector_load %arg7[%get3A_87, %get3A_88] {strides = array<i32>} : memref<80x128xi32, #tpu.memory_space<vmem>>, vector<16xi32>,
      %gather3A_90 = tpu.vector_load_idx %arg9[%get3A_89] : memref<10000xf32, #tpu.memory_space<vmem>>[vector<16xi32>], vector<16xf32>,
      %swap3A_91 = arith.index_cast %add3A_68 : i32 to index
      %swap3A_92 = arith.constant 48 : index
      %swap3A_93 = tpu.vector_load %arg10[%swap3A_91, %swap3A_92] {strides = array<i32>} : memref<80x128xf32, #tpu.memory_space<vmem>>, vector<16xf32>,
      tpu.vector_store %arg10[%swap3A_91, %swap3A_92], %gather3A_90 {strides = array<i32>} : memref<80x128xf32, #tpu.memory_space<vmem>>, vector<16xf32>,
      %get3A_94 = arith.index_cast %add3A_68 : i32 to index
      %get3A_95 = arith.constant 64 : index
      %get3A_96 = tpu.vector_load %arg7[%get3A_94, %get3A_95] {strides = array<i32>} : memref<80x128xi32, #tpu.memory_space<vmem>>, vector<16xi32>,
      %gather3A_97 = tpu.vector_load_idx %arg9[%get3A_96] : memref<10000xf32, #tpu.memory_space<vmem>>[vector<16xi32>], vector<16xf32>,
      %swap3A_98 = arith.index_cast %add3A_68 : i32 to index
      %swap3A_99 = arith.constant 64 : index
      %swap3A_100 = tpu.vector_load %arg10[%swap3A_98, %swap3A_99] {strides = array<i32>} : memref<80x128xf32, #tpu.memory_space<vmem>>, vector<16xf32>,
      tpu.vector_store %arg10[%swap3A_98, %swap3A_99], %gather3A_97 {strides = array<i32>} : memref<80x128xf32, #tpu.memory_space<vmem>>, vector<16xf32>,
      %get3A_101 = arith.index_cast %add3A_68 : i32 to index
      %get3A_102 = arith.constant 80 : index
      %get3A_103 = tpu.vector_load %arg7[%get3A_101, %get3A_102] {strides = array<i32>} : memref<80x128xi32, #tpu.memory_space<vmem>>, vector<16xi32>,
      %gather3A_104 = tpu.vector_load_idx %arg9[%get3A_103] : memref<10000xf32, #tpu.memory_space<vmem>>[vector<16xi32>], vector<16xf32>,
      %swap3A_105 = arith.index_cast %add3A_68 : i32 to index
      %swap3A_106 = arith.constant 80 : index
      %swap3A_107 = tpu.vector_load %arg10[%swap3A_105, %swap3A_106] {strides = array<i32>} : memref<80x128xf32, #tpu.memory_space<vmem>>, vector<16xf32>,
      tpu.vector_store %arg10[%swap3A_105, %swap3A_106], %gather3A_104 {strides = array<i32>} : memref<80x128xf32, #tpu.memory_space<vmem>>, vector<16xf32>,
      %get3A_108 = arith.index_cast %add3A_68 : i32 to index
      %get3A_109 = arith.constant 96 : index
      %get3A_110 = tpu.vector_load %arg7[%get3A_108, %get3A_109] {strides = array<i32>} : memref<80x128xi32, #tpu.memory_space<vmem>>, vector<16xi32>,
      %gather3A_111 = tpu.vector_load_idx %arg9[%get3A_110] : memref<10000xf32, #tpu.memory_space<vmem>>[vector<16xi32>], vector<16xf32>,
      %swap3A_112 = arith.index_cast %add3A_68 : i32 to index
      %swap3A_113 = arith.constant 96 : index
      %swap3A_114 = tpu.vector_load %arg10[%swap3A_112, %swap3A_113] {strides = array<i32>} : memref<80x128xf32, #tpu.memory_space<vmem>>, vector<16xf32>,
      tpu.vector_store %arg10[%swap3A_112, %swap3A_113], %gather3A_111 {strides = array<i32>} : memref<80x128xf32, #tpu.memory_space<vmem>>, vector<16xf32>,
      %get3A_115 = arith.index_cast %add3A_68 : i32 to index
      %get3A_116 = arith.constant 112 : index
      %get3A_117 = tpu.vector_load %arg7[%get3A_115, %get3A_116] {strides = array<i32>} : memref<80x128xi32, #tpu.memory_space<vmem>>, vector<16xi32>,
      %gather3A_118 = tpu.vector_load_idx %arg9[%get3A_117] : memref<10000xf32, #tpu.memory_space<vmem>>[vector<16xi32>], vector<16xf32>,
      %swap3A_119 = arith.index_cast %add3A_68 : i32 to index
      %swap3A_120 = arith.constant 112 : index
      %swap3A_121 = tpu.vector_load %arg10[%swap3A_119, %swap3A_120] {strides = array<i32>} : memref<80x128xf32, #tpu.memory_space<vmem>>, vector<16xf32>,
      tpu.vector_store %arg10[%swap3A_119, %swap3A_120], %gather3A_118 {strides = array<i32>} : memref<80x128xf32, #tpu.memory_space<vmem>>, vector<16xf32>,
    }
    %barrier3A = arith.constant 0 : index
    tpu.barrier barrier_id(%barrier3A)
    %sub3A_41 = arith.constant 0 : i32
    %sub3A_42 = arith.subi %select_n3A, %sub3A_41 : i32
    %sub3A_43 = arith.constant 4 : i32
    %sub3A_44 = arith.constant 1 : i32
    %sub3A_45 = arith.subi %sub3A_43, %sub3A_44 : i32
    %add3A_46 = arith.addi %sub3A_42, %sub3A_45 : i32
    %div3A_47 = arith.constant 4 : i32
    %div3A_48 = arith.divsi %add3A_46, %div3A_47 : i32
    %while3A_49 = arith.constant 4 : i32
    %while3A_50 = arith.constant 0 : i32
    %while3A_51 = arith.constant 0 : i32
    %while3A_52 = arith.subi %div3A_48, %while3A_51 : i32
    %while3A_53 = arith.addi %while3A_51, %while3A_52 : i32
    %while3A_54 = arith.constant 1 : i32
    %while3A_55 = arith.divsi %while3A_52, %while3A_54 : i32
    %while3A_56 = arith.muli %while3A_55, %while3A_54 : i32
    %while3A_57 = arith.addi %while3A_51, %while3A_56 : i32
    %while3A_58 = arith.constant 1 : i32
    scf.for %while3A_66 = %while3A_51 to %while3A_57 step %while3A_58  : i32 {
      %mul3A_67 = arith.muli %while3A_66, %while3A_49 : i32
      %add3A_68 = arith.addi %while3A_50, %mul3A_67 : i32
      %add3A_69 = arith.constant 0 : i32
      %add3A_70 = arith.addi %add3A_68, %add3A_69 : i32
      %add3A_71 = arith.constant 0 : i32
      %add3A_72 = arith.addi %add3A_68, %add3A_71 : i32
      %dma_start3A = arith.constant 0 : i32
      %dma_start3A_73 = tpu.memref_slice %arg10[%add3A_70, %dma_start3A] : memref<80x128xf32, #tpu.memory_space<vmem>> -> memref<1x128xf32, #tpu.memory_space<vmem>>
      %dma_start3A_74 = tpu.memref_squeeze %dma_start3A_73 : memref<1x128xf32, #tpu.memory_space<vmem>> -> memref<128xf32, #tpu.memory_space<vmem>>
      %dma_start3A_75 = arith.constant 0 : i32
      %dma_start3A_76 = tpu.memref_slice %arg8[%add3A_72, %dma_start3A_75] : memref<80x128xi32, #tpu.memory_space<vmem>> -> memref<1x128xi32, #tpu.memory_space<vmem>>
      %dma_start3A_77 = tpu.memref_squeeze %dma_start3A_76 : memref<1x128xi32, #tpu.memory_space<vmem>> -> memref<128xi32, #tpu.memory_space<vmem>>
      %dma_start3A_78 = arith.constant 0 : i32
      %dma_start3A_79 = tpu.memref_slice %arg11[%dma_start3A_78] : memref<10000xf32, #tpu.memory_space<vmem_shared>> -> memref<10000xf32, #tpu.memory_space<vmem_shared>>
      tpu.enqueue_indirect_dma source(%dma_start3A_74 : memref<128xf32, #tpu.memory_space<vmem>>) target(%dma_start3A_79 : memref<10000xf32, #tpu.memory_space<vmem_shared>>) offsets(%dma_start3A_77 : memref<128xi32, #tpu.memory_space<vmem>>) semaphore(%arg12 : memref<!tpu.dma_semaphore, #tpu.memory_space<semaphore_mem>>) {add = true}
      %add3A_80 = arith.constant 1 : i32
      %add3A_81 = arith.addi %add3A_68, %add3A_80 : i32
      %add3A_82 = arith.constant 1 : i32
      %add3A_83 = arith.addi %add3A_68, %add3A_82 : i32
      %dma_start3A_84 = arith.constant 0 : i32
      %dma_start3A_85 = tpu.memref_slice %arg10[%add3A_81, %dma_start3A_84] : memref<80x128xf32, #tpu.memory_space<vmem>> -> memref<1x128xf32, #tpu.memory_space<vmem>>
      %dma_start3A_86 = tpu.memref_squeeze %dma_start3A_85 : memref<1x128xf32, #tpu.memory_space<vmem>> -> memref<128xf32, #tpu.memory_space<vmem>>
      %dma_start3A_87 = arith.constant 0 : i32
      %dma_start3A_88 = tpu.memref_slice %arg8[%add3A_83, %dma_start3A_87] : memref<80x128xi32, #tpu.memory_space<vmem>> -> memref<1x128xi32, #tpu.memory_space<vmem>>
      %dma_start3A_89 = tpu.memref_squeeze %dma_start3A_88 : memref<1x128xi32, #tpu.memory_space<vmem>> -> memref<128xi32, #tpu.memory_space<vmem>>
      %dma_start3A_90 = arith.constant 0 : i32
      %dma_start3A_91 = tpu.memref_slice %arg11[%dma_start3A_90] : memref<10000xf32, #tpu.memory_space<vmem_shared>> -> memref<10000xf32, #tpu.memory_space<vmem_shared>>
      tpu.enqueue_indirect_dma source(%dma_start3A_86 : memref<128xf32, #tpu.memory_space<vmem>>) target(%dma_start3A_91 : memref<10000xf32, #tpu.memory_space<vmem_shared>>) offsets(%dma_start3A_89 : memref<128xi32, #tpu.memory_space<vmem>>) semaphore(%arg12 : memref<!tpu.dma_semaphore, #tpu.memory_space<semaphore_mem>>) {add = true}
      %add3A_92 = arith.constant 2 : i32
      %add3A_93 = arith.addi %add3A_68, %add3A_92 : i32
      %add3A_94 = arith.constant 2 : i32
      %add3A_95 = arith.addi %add3A_68, %add3A_94 : i32
      %dma_start3A_96 = arith.constant 0 : i32
      %dma_start3A_97 = tpu.memref_slice %arg10[%add3A_93, %dma_start3A_96] : memref<80x128xf32, #tpu.memory_space<vmem>> -> memref<1x128xf32, #tpu.memory_space<vmem>>
      %dma_start3A_98 = tpu.memref_squeeze %dma_start3A_97 : memref<1x128xf32, #tpu.memory_space<vmem>> -> memref<128xf32, #tpu.memory_space<vmem>>
      %dma_start3A_99 = arith.constant 0 : i32
      %dma_start3A_100 = tpu.memref_slice %arg8[%add3A_95, %dma_start3A_99] : memref<80x128xi32, #tpu.memory_space<vmem>> -> memref<1x128xi32, #tpu.memory_space<vmem>>
      %dma_start3A_101 = tpu.memref_squeeze %dma_start3A_100 : memref<1x128xi32, #tpu.memory_space<vmem>> -> memref<128xi32, #tpu.memory_space<vmem>>
      %dma_start3A_102 = arith.constant 0 : i32
      %dma_start3A_103 = tpu.memref_slice %arg11[%dma_start3A_102] : memref<10000xf32, #tpu.memory_space<vmem_shared>> -> memref<10000xf32, #tpu.memory_space<vmem_shared>>
      tpu.enqueue_indirect_dma source(%dma_start3A_98 : memref<128xf32, #tpu.memory_space<vmem>>) target(%dma_start3A_103 : memref<10000xf32, #tpu.memory_space<vmem_shared>>) offsets(%dma_start3A_101 : memref<128xi32, #tpu.memory_space<vmem>>) semaphore(%arg12 : memref<!tpu.dma_semaphore, #tpu.memory_space<semaphore_mem>>) {add = true}
      %add3A_104 = arith.constant 3 : i32
      %add3A_105 = arith.addi %add3A_68, %add3A_104 : i32
      %add3A_106 = arith.constant 3 : i32
      %add3A_107 = arith.addi %add3A_68, %add3A_106 : i32
      %dma_start3A_108 = arith.constant 0 : i32
      %dma_start3A_109 = tpu.memref_slice %arg10[%add3A_105, %dma_start3A_108] : memref<80x128xf32, #tpu.memory_space<vmem>> -> memref<1x128xf32, #tpu.memory_space<vmem>>
      %dma_start3A_110 = tpu.memref_squeeze %dma_start3A_109 : memref<1x128xf32, #tpu.memory_space<vmem>> -> memref<128xf32, #tpu.memory_space<vmem>>
      %dma_start3A_111 = arith.constant 0 : i32
      %dma_start3A_112 = tpu.memref_slice %arg8[%add3A_107, %dma_start3A_111] : memref<80x128xi32, #tpu.memory_space<vmem>> -> memref<1x128xi32, #tpu.memory_space<vmem>>
      %dma_start3A_113 = tpu.memref_squeeze %dma_start3A_112 : memref<1x128xi32, #tpu.memory_space<vmem>> -> memref<128xi32, #tpu.memory_space<vmem>>
      %dma_start3A_114 = arith.constant 0 : i32
      %dma_start3A_115 = tpu.memref_slice %arg11[%dma_start3A_114] : memref<10000xf32, #tpu.memory_space<vmem_shared>> -> memref<10000xf32, #tpu.memory_space<vmem_shared>>
      tpu.enqueue_indirect_dma source(%dma_start3A_110 : memref<128xf32, #tpu.memory_space<vmem>>) target(%dma_start3A_115 : memref<10000xf32, #tpu.memory_space<vmem_shared>>) offsets(%dma_start3A_113 : memref<128xi32, #tpu.memory_space<vmem>>) semaphore(%arg12 : memref<!tpu.dma_semaphore, #tpu.memory_space<semaphore_mem>>) {add = true}
      %add3A_116 = arith.constant 0 : i32
      %add3A_117 = arith.addi %add3A_68, %add3A_116 : i32
      %add3A_118 = arith.constant 0 : i32
      %add3A_119 = arith.addi %add3A_68, %add3A_118 : i32
      %dma_wait3A = arith.constant 0 : i32
      %dma_wait3A_120 = tpu.memref_slice %arg10[%add3A_117, %dma_wait3A] : memref<80x128xf32, #tpu.memory_space<vmem>> -> memref<1x128xf32, #tpu.memory_space<vmem>>
      %dma_wait3A_121 = tpu.memref_squeeze %dma_wait3A_120 : memref<1x128xf32, #tpu.memory_space<vmem>> -> memref<128xf32, #tpu.memory_space<vmem>>
      %dma_wait3A_122 = arith.constant 0 : i32
      %dma_wait3A_123 = tpu.memref_slice %arg8[%add3A_119, %dma_wait3A_122] : memref<80x128xi32, #tpu.memory_space<vmem>> -> memref<1x128xi32, #tpu.memory_space<vmem>>
      %dma_wait3A_124 = tpu.memref_squeeze %dma_wait3A_123 : memref<1x128xi32, #tpu.memory_space<vmem>> -> memref<128xi32, #tpu.memory_space<vmem>>
      %dma_wait3A_125 = arith.constant 0 : i32
      %dma_wait3A_126 = tpu.memref_slice %arg11[%dma_wait3A_125] : memref<10000xf32, #tpu.memory_space<vmem_shared>> -> memref<10000xf32, #tpu.memory_space<vmem_shared>>
      tpu.wait_indirect_dma semaphore(%arg12 : memref<!tpu.dma_semaphore, #tpu.memory_space<semaphore_mem>>) src(%dma_wait3A_121 : memref<128xf32, #tpu.memory_space<vmem>>) dst(%dma_wait3A_126 : memref<10000xf32, #tpu.memory_space<vmem_shared>>)
      %add3A_127 = arith.constant 1 : i32
      %add3A_128 = arith.addi %add3A_68, %add3A_127 : i32
      %add3A_129 = arith.constant 1 : i32
      %add3A_130 = arith.addi %add3A_68, %add3A_129 : i32
      %dma_wait3A_131 = arith.constant 0 : i32
      %dma_wait3A_132 = tpu.memref_slice %arg10[%add3A_128, %dma_wait3A_131] : memref<80x128xf32, #tpu.memory_space<vmem>> -> memref<1x128xf32, #tpu.memory_space<vmem>>
      %dma_wait3A_133 = tpu.memref_squeeze %dma_wait3A_132 : memref<1x128xf32, #tpu.memory_space<vmem>> -> memref<128xf32, #tpu.memory_space<vmem>>
      %dma_wait3A_134 = arith.constant 0 : i32
      %dma_wait3A_135 = tpu.memref_slice %arg8[%add3A_130, %dma_wait3A_134] : memref<80x128xi32, #tpu.memory_space<vmem>> -> memref<1x128xi32, #tpu.memory_space<vmem>>
      %dma_wait3A_136 = tpu.memref_squeeze %dma_wait3A_135 : memref<1x128xi32, #tpu.memory_space<vmem>> -> memref<128xi32, #tpu.memory_space<vmem>>
      %dma_wait3A_137 = arith.constant 0 : i32
      %dma_wait3A_138 = tpu.memref_slice %arg11[%dma_wait3A_137] : memref<10000xf32, #tpu.memory_space<vmem_shared>> -> memref<10000xf32, #tpu.memory_space<vmem_shared>>
      tpu.wait_indirect_dma semaphore(%arg12 : memref<!tpu.dma_semaphore, #tpu.memory_space<semaphore_mem>>) src(%dma_wait3A_133 : memref<128xf32, #tpu.memory_space<vmem>>) dst(%dma_wait3A_138 : memref<10000xf32, #tpu.memory_space<vmem_shared>>)
      %add3A_139 = arith.constant 2 : i32
      %add3A_140 = arith.addi %add3A_68, %add3A_139 : i32
      %add3A_141 = arith.constant 2 : i32
      %add3A_142 = arith.addi %add3A_68, %add3A_141 : i32
      %dma_wait3A_143 = arith.constant 0 : i32
      %dma_wait3A_144 = tpu.memref_slice %arg10[%add3A_140, %dma_wait3A_143] : memref<80x128xf32, #tpu.memory_space<vmem>> -> memref<1x128xf32, #tpu.memory_space<vmem>>
      %dma_wait3A_145 = tpu.memref_squeeze %dma_wait3A_144 : memref<1x128xf32, #tpu.memory_space<vmem>> -> memref<128xf32, #tpu.memory_space<vmem>>
      %dma_wait3A_146 = arith.constant 0 : i32
      %dma_wait3A_147 = tpu.memref_slice %arg8[%add3A_142, %dma_wait3A_146] : memref<80x128xi32, #tpu.memory_space<vmem>> -> memref<1x128xi32, #tpu.memory_space<vmem>>
      %dma_wait3A_148 = tpu.memref_squeeze %dma_wait3A_147 : memref<1x128xi32, #tpu.memory_space<vmem>> -> memref<128xi32, #tpu.memory_space<vmem>>
      %dma_wait3A_149 = arith.constant 0 : i32
      %dma_wait3A_150 = tpu.memref_slice %arg11[%dma_wait3A_149] : memref<10000xf32, #tpu.memory_space<vmem_shared>> -> memref<10000xf32, #tpu.memory_space<vmem_shared>>
      tpu.wait_indirect_dma semaphore(%arg12 : memref<!tpu.dma_semaphore, #tpu.memory_space<semaphore_mem>>) src(%dma_wait3A_145 : memref<128xf32, #tpu.memory_space<vmem>>) dst(%dma_wait3A_150 : memref<10000xf32, #tpu.memory_space<vmem_shared>>)
      %add3A_151 = arith.constant 3 : i32
      %add3A_152 = arith.addi %add3A_68, %add3A_151 : i32
      %add3A_153 = arith.constant 3 : i32
      %add3A_154 = arith.addi %add3A_68, %add3A_153 : i32
      %dma_wait3A_155 = arith.constant 0 : i32
      %dma_wait3A_156 = tpu.memref_slice %arg10[%add3A_152, %dma_wait3A_155] : memref<80x128xf32, #tpu.memory_space<vmem>> -> memref<1x128xf32, #tpu.memory_space<vmem>>
      %dma_wait3A_157 = tpu.memref_squeeze %dma_wait3A_156 : memref<1x128xf32, #tpu.memory_space<vmem>> -> memref<128xf32, #tpu.memory_space<vmem>>
      %dma_wait3A_158 = arith.constant 0 : i32
      %dma_wait3A_159 = tpu.memref_slice %arg8[%add3A_154, %dma_wait3A_158] : memref<80x128xi32, #tpu.memory_space<vmem>> -> memref<1x128xi32, #tpu.memory_space<vmem>>
      %dma_wait3A_160 = tpu.memref_squeeze %dma_wait3A_159 : memref<1x128xi32, #tpu.memory_space<vmem>> -> memref<128xi32, #tpu.memory_space<vmem>>
      %dma_wait3A_161 = arith.constant 0 : i32
      %dma_wait3A_162 = tpu.memref_slice %arg11[%dma_wait3A_161] : memref<10000xf32, #tpu.memory_space<vmem_shared>> -> memref<10000xf32, #tpu.memory_space<vmem_shared>>
      tpu.wait_indirect_dma semaphore(%arg12 : memref<!tpu.dma_semaphore, #tpu.memory_space<semaphore_mem>>) src(%dma_wait3A_157 : memref<128xf32, #tpu.memory_space<vmem>>) dst(%dma_wait3A_162 : memref<10000xf32, #tpu.memory_space<vmem_shared>>)
    }
    %while3A_59 = arith.constant 1 : i32
    scf.for %while3A_66 = %while3A_57 to %while3A_53 step %while3A_59  : i32 {
      %mul3A_67 = arith.muli %while3A_66, %while3A_49 : i32
      %add3A_68 = arith.addi %while3A_50, %mul3A_67 : i32
      %add3A_69 = arith.constant 0 : i32
      %add3A_70 = arith.addi %add3A_68, %add3A_69 : i32
      %add3A_71 = arith.constant 0 : i32
      %add3A_72 = arith.addi %add3A_68, %add3A_71 : i32
      %dma_start3A = arith.constant 0 : i32
      %dma_start3A_73 = tpu.memref_slice %arg10[%add3A_70, %dma_start3A] : memref<80x128xf32, #tpu.memory_space<vmem>> -> memref<1x128xf32, #tpu.memory_space<vmem>>
      %dma_start3A_74 = tpu.memref_squeeze %dma_start3A_73 : memref<1x128xf32, #tpu.memory_space<vmem>> -> memref<128xf32, #tpu.memory_space<vmem>>
      %dma_start3A_75 = arith.constant 0 : i32
      %dma_start3A_76 = tpu.memref_slice %arg8[%add3A_72, %dma_start3A_75] : memref<80x128xi32, #tpu.memory_space<vmem>> -> memref<1x128xi32, #tpu.memory_space<vmem>>
      %dma_start3A_77 = tpu.memref_squeeze %dma_start3A_76 : memref<1x128xi32, #tpu.memory_space<vmem>> -> memref<128xi32, #tpu.memory_space<vmem>>
      %dma_start3A_78 = arith.constant 0 : i32
      %dma_start3A_79 = tpu.memref_slice %arg11[%dma_start3A_78] : memref<10000xf32, #tpu.memory_space<vmem_shared>> -> memref<10000xf32, #tpu.memory_space<vmem_shared>>
      tpu.enqueue_indirect_dma source(%dma_start3A_74 : memref<128xf32, #tpu.memory_space<vmem>>) target(%dma_start3A_79 : memref<10000xf32, #tpu.memory_space<vmem_shared>>) offsets(%dma_start3A_77 : memref<128xi32, #tpu.memory_space<vmem>>) semaphore(%arg12 : memref<!tpu.dma_semaphore, #tpu.memory_space<semaphore_mem>>) {add = true}
      %add3A_80 = arith.constant 1 : i32
      %add3A_81 = arith.addi %add3A_68, %add3A_80 : i32
      %add3A_82 = arith.constant 1 : i32
      %add3A_83 = arith.addi %add3A_68, %add3A_82 : i32
      %dma_start3A_84 = arith.constant 0 : i32
      %dma_start3A_85 = tpu.memref_slice %arg10[%add3A_81, %dma_start3A_84] : memref<80x128xf32, #tpu.memory_space<vmem>> -> memref<1x128xf32, #tpu.memory_space<vmem>>
      %dma_start3A_86 = tpu.memref_squeeze %dma_start3A_85 : memref<1x128xf32, #tpu.memory_space<vmem>> -> memref<128xf32, #tpu.memory_space<vmem>>
      %dma_start3A_87 = arith.constant 0 : i32
      %dma_start3A_88 = tpu.memref_slice %arg8[%add3A_83, %dma_start3A_87] : memref<80x128xi32, #tpu.memory_space<vmem>> -> memref<1x128xi32, #tpu.memory_space<vmem>>
      %dma_start3A_89 = tpu.memref_squeeze %dma_start3A_88 : memref<1x128xi32, #tpu.memory_space<vmem>> -> memref<128xi32, #tpu.memory_space<vmem>>
      %dma_start3A_90 = arith.constant 0 : i32
      %dma_start3A_91 = tpu.memref_slice %arg11[%dma_start3A_90] : memref<10000xf32, #tpu.memory_space<vmem_shared>> -> memref<10000xf32, #tpu.memory_space<vmem_shared>>
      tpu.enqueue_indirect_dma source(%dma_start3A_86 : memref<128xf32, #tpu.memory_space<vmem>>) target(%dma_start3A_91 : memref<10000xf32, #tpu.memory_space<vmem_shared>>) offsets(%dma_start3A_89 : memref<128xi32, #tpu.memory_space<vmem>>) semaphore(%arg12 : memref<!tpu.dma_semaphore, #tpu.memory_space<semaphore_mem>>) {add = true}
      %add3A_92 = arith.constant 2 : i32
      %add3A_93 = arith.addi %add3A_68, %add3A_92 : i32
      %add3A_94 = arith.constant 2 : i32
      %add3A_95 = arith.addi %add3A_68, %add3A_94 : i32
      %dma_start3A_96 = arith.constant 0 : i32
      %dma_start3A_97 = tpu.memref_slice %arg10[%add3A_93, %dma_start3A_96] : memref<80x128xf32, #tpu.memory_space<vmem>> -> memref<1x128xf32, #tpu.memory_space<vmem>>
      %dma_start3A_98 = tpu.memref_squeeze %dma_start3A_97 : memref<1x128xf32, #tpu.memory_space<vmem>> -> memref<128xf32, #tpu.memory_space<vmem>>
      %dma_start3A_99 = arith.constant 0 : i32
      %dma_start3A_100 = tpu.memref_slice %arg8[%add3A_95, %dma_start3A_99] : memref<80x128xi32, #tpu.memory_space<vmem>> -> memref<1x128xi32, #tpu.memory_space<vmem>>
      %dma_start3A_101 = tpu.memref_squeeze %dma_start3A_100 : memref<1x128xi32, #tpu.memory_space<vmem>> -> memref<128xi32, #tpu.memory_space<vmem>>
      %dma_start3A_102 = arith.constant 0 : i32
      %dma_start3A_103 = tpu.memref_slice %arg11[%dma_start3A_102] : memref<10000xf32, #tpu.memory_space<vmem_shared>> -> memref<10000xf32, #tpu.memory_space<vmem_shared>>
      tpu.enqueue_indirect_dma source(%dma_start3A_98 : memref<128xf32, #tpu.memory_space<vmem>>) target(%dma_start3A_103 : memref<10000xf32, #tpu.memory_space<vmem_shared>>) offsets(%dma_start3A_101 : memref<128xi32, #tpu.memory_space<vmem>>) semaphore(%arg12 : memref<!tpu.dma_semaphore, #tpu.memory_space<semaphore_mem>>) {add = true}
      %add3A_104 = arith.constant 3 : i32
      %add3A_105 = arith.addi %add3A_68, %add3A_104 : i32
      %add3A_106 = arith.constant 3 : i32
      %add3A_107 = arith.addi %add3A_68, %add3A_106 : i32
      %dma_start3A_108 = arith.constant 0 : i32
      %dma_start3A_109 = tpu.memref_slice %arg10[%add3A_105, %dma_start3A_108] : memref<80x128xf32, #tpu.memory_space<vmem>> -> memref<1x128xf32, #tpu.memory_space<vmem>>
      %dma_start3A_110 = tpu.memref_squeeze %dma_start3A_109 : memref<1x128xf32, #tpu.memory_space<vmem>> -> memref<128xf32, #tpu.memory_space<vmem>>
      %dma_start3A_111 = arith.constant 0 : i32
      %dma_start3A_112 = tpu.memref_slice %arg8[%add3A_107, %dma_start3A_111] : memref<80x128xi32, #tpu.memory_space<vmem>> -> memref<1x128xi32, #tpu.memory_space<vmem>>
      %dma_start3A_113 = tpu.memref_squeeze %dma_start3A_112 : memref<1x128xi32, #tpu.memory_space<vmem>> -> memref<128xi32, #tpu.memory_space<vmem>>
      %dma_start3A_114 = arith.constant 0 : i32
      %dma_start3A_115 = tpu.memref_slice %arg11[%dma_start3A_114] : memref<10000xf32, #tpu.memory_space<vmem_shared>> -> memref<10000xf32, #tpu.memory_space<vmem_shared>>
      tpu.enqueue_indirect_dma source(%dma_start3A_110 : memref<128xf32, #tpu.memory_space<vmem>>) target(%dma_start3A_115 : memref<10000xf32, #tpu.memory_space<vmem_shared>>) offsets(%dma_start3A_113 : memref<128xi32, #tpu.memory_space<vmem>>) semaphore(%arg12 : memref<!tpu.dma_semaphore, #tpu.memory_space<semaphore_mem>>) {add = true}
      %add3A_116 = arith.constant 0 : i32
      %add3A_117 = arith.addi %add3A_68, %add3A_116 : i32
      %add3A_118 = arith.constant 0 : i32
      %add3A_119 = arith.addi %add3A_68, %add3A_118 : i32
      %dma_wait3A = arith.constant 0 : i32
      %dma_wait3A_120 = tpu.memref_slice %arg10[%add3A_117, %dma_wait3A] : memref<80x128xf32, #tpu.memory_space<vmem>> -> memref<1x128xf32, #tpu.memory_space<vmem>>
      %dma_wait3A_121 = tpu.memref_squeeze %dma_wait3A_120 : memref<1x128xf32, #tpu.memory_space<vmem>> -> memref<128xf32, #tpu.memory_space<vmem>>
      %dma_wait3A_122 = arith.constant 0 : i32
      %dma_wait3A_123 = tpu.memref_slice %arg8[%add3A_119, %dma_wait3A_122] : memref<80x128xi32, #tpu.memory_space<vmem>> -> memref<1x128xi32, #tpu.memory_space<vmem>>
      %dma_wait3A_124 = tpu.memref_squeeze %dma_wait3A_123 : memref<1x128xi32, #tpu.memory_space<vmem>> -> memref<128xi32, #tpu.memory_space<vmem>>
      %dma_wait3A_125 = arith.constant 0 : i32
      %dma_wait3A_126 = tpu.memref_slice %arg11[%dma_wait3A_125] : memref<10000xf32, #tpu.memory_space<vmem_shared>> -> memref<10000xf32, #tpu.memory_space<vmem_shared>>
      tpu.wait_indirect_dma semaphore(%arg12 : memref<!tpu.dma_semaphore, #tpu.memory_space<semaphore_mem>>) src(%dma_wait3A_121 : memref<128xf32, #tpu.memory_space<vmem>>) dst(%dma_wait3A_126 : memref<10000xf32, #tpu.memory_space<vmem_shared>>)
      %add3A_127 = arith.constant 1 : i32
      %add3A_128 = arith.addi %add3A_68, %add3A_127 : i32
      %add3A_129 = arith.constant 1 : i32
      %add3A_130 = arith.addi %add3A_68, %add3A_129 : i32
      %dma_wait3A_131 = arith.constant 0 : i32
      %dma_wait3A_132 = tpu.memref_slice %arg10[%add3A_128, %dma_wait3A_131] : memref<80x128xf32, #tpu.memory_space<vmem>> -> memref<1x128xf32, #tpu.memory_space<vmem>>
      %dma_wait3A_133 = tpu.memref_squeeze %dma_wait3A_132 : memref<1x128xf32, #tpu.memory_space<vmem>> -> memref<128xf32, #tpu.memory_space<vmem>>
      %dma_wait3A_134 = arith.constant 0 : i32
      %dma_wait3A_135 = tpu.memref_slice %arg8[%add3A_130, %dma_wait3A_134] : memref<80x128xi32, #tpu.memory_space<vmem>> -> memref<1x128xi32, #tpu.memory_space<vmem>>
      %dma_wait3A_136 = tpu.memref_squeeze %dma_wait3A_135 : memref<1x128xi32, #tpu.memory_space<vmem>> -> memref<128xi32, #tpu.memory_space<vmem>>
      %dma_wait3A_137 = arith.constant 0 : i32
      %dma_wait3A_138 = tpu.memref_slice %arg11[%dma_wait3A_137] : memref<10000xf32, #tpu.memory_space<vmem_shared>> -> memref<10000xf32, #tpu.memory_space<vmem_shared>>
      tpu.wait_indirect_dma semaphore(%arg12 : memref<!tpu.dma_semaphore, #tpu.memory_space<semaphore_mem>>) src(%dma_wait3A_133 : memref<128xf32, #tpu.memory_space<vmem>>) dst(%dma_wait3A_138 : memref<10000xf32, #tpu.memory_space<vmem_shared>>)
      %add3A_139 = arith.constant 2 : i32
      %add3A_140 = arith.addi %add3A_68, %add3A_139 : i32
      %add3A_141 = arith.constant 2 : i32
      %add3A_142 = arith.addi %add3A_68, %add3A_141 : i32
      %dma_wait3A_143 = arith.constant 0 : i32
      %dma_wait3A_144 = tpu.memref_slice %arg10[%add3A_140, %dma_wait3A_143] : memref<80x128xf32, #tpu.memory_space<vmem>> -> memref<1x128xf32, #tpu.memory_space<vmem>>
      %dma_wait3A_145 = tpu.memref_squeeze %dma_wait3A_144 : memref<1x128xf32, #tpu.memory_space<vmem>> -> memref<128xf32, #tpu.memory_space<vmem>>
      %dma_wait3A_146 = arith.constant 0 : i32
      %dma_wait3A_147 = tpu.memref_slice %arg8[%add3A_142, %dma_wait3A_146] : memref<80x128xi32, #tpu.memory_space<vmem>> -> memref<1x128xi32, #tpu.memory_space<vmem>>
      %dma_wait3A_148 = tpu.memref_squeeze %dma_wait3A_147 : memref<1x128xi32, #tpu.memory_space<vmem>> -> memref<128xi32, #tpu.memory_space<vmem>>
      %dma_wait3A_149 = arith.constant 0 : i32
      %dma_wait3A_150 = tpu.memref_slice %arg11[%dma_wait3A_149] : memref<10000xf32, #tpu.memory_space<vmem_shared>> -> memref<10000xf32, #tpu.memory_space<vmem_shared>>
      tpu.wait_indirect_dma semaphore(%arg12 : memref<!tpu.dma_semaphore, #tpu.memory_space<semaphore_mem>>) src(%dma_wait3A_145 : memref<128xf32, #tpu.memory_space<vmem>>) dst(%dma_wait3A_150 : memref<10000xf32, #tpu.memory_space<vmem_shared>>)
      %add3A_151 = arith.constant 3 : i32
      %add3A_152 = arith.addi %add3A_68, %add3A_151 : i32
      %add3A_153 = arith.constant 3 : i32
      %add3A_154 = arith.addi %add3A_68, %add3A_153 : i32
      %dma_wait3A_155 = arith.constant 0 : i32
      %dma_wait3A_156 = tpu.memref_slice %arg10[%add3A_152, %dma_wait3A_155] : memref<80x128xf32, #tpu.memory_space<vmem>> -> memref<1x128xf32, #tpu.memory_space<vmem>>
      %dma_wait3A_157 = tpu.memref_squeeze %dma_wait3A_156 : memref<1x128xf32, #tpu.memory_space<vmem>> -> memref<128xf32, #tpu.memory_space<vmem>>
      %dma_wait3A_158 = arith.constant 0 : i32
      %dma_wait3A_159 = tpu.memref_slice %arg8[%add3A_154, %dma_wait3A_158] : memref<80x128xi32, #tpu.memory_space<vmem>> -> memref<1x128xi32, #tpu.memory_space<vmem>>
      %dma_wait3A_160 = tpu.memref_squeeze %dma_wait3A_159 : memref<1x128xi32, #tpu.memory_space<vmem>> -> memref<128xi32, #tpu.memory_space<vmem>>
      %dma_wait3A_161 = arith.constant 0 : i32
      %dma_wait3A_162 = tpu.memref_slice %arg11[%dma_wait3A_161] : memref<10000xf32, #tpu.memory_space<vmem_shared>> -> memref<10000xf32, #tpu.memory_space<vmem_shared>>
      tpu.wait_indirect_dma semaphore(%arg12 : memref<!tpu.dma_semaphore, #tpu.memory_space<semaphore_mem>>) src(%dma_wait3A_157 : memref<128xf32, #tpu.memory_space<vmem>>) dst(%dma_wait3A_162 : memref<10000xf32, #tpu.memory_space<vmem_shared>>)
    }
    %barrier3A_60 = arith.constant 0 : index
    tpu.barrier barrier_id(%barrier3A_60)
    %eq3A_61 = arith.constant 0 : i32
    %eq3A_62 = arith.cmpi eq, %arg1, %eq3A_61 : i32
    %convert_element_type3A_63 = arith.extui %eq3A_62 : i1 to i32
    %cond3A_64 = arith.constant 0 : i32
    %cond3A_65 = arith.cmpi ne, %convert_element_type3A_63, %cond3A_64 : i32
    scf.if %cond3A_65 {
      "tpu.region"() ({
        %run_scoped3A = tpu.sem_alloc : memref<!tpu.dma_semaphore, #tpu.memory_space<semaphore_mem>>
        %dma_start3A = arith.constant 0 : i32
        %dma_start3A_66 = tpu.memref_slice %arg6[%arg0, %dma_start3A] : memref<2x10000xf32, #tpu.memory_space<hbm>> -> memref<1x10000xf32, #tpu.memory_space<hbm>>
        %dma_start3A_67 = tpu.memref_squeeze %dma_start3A_66 : memref<1x10000xf32, #tpu.memory_space<hbm>> -> memref<10000xf32, #tpu.memory_space<hbm>>
        tpu.enqueue_dma source(%arg11 : memref<10000xf32, #tpu.memory_space<vmem_shared>>) target(%dma_start3A_67 : memref<10000xf32, #tpu.memory_space<hbm>>) target_semaphore(%run_scoped3A : memref<!tpu.dma_semaphore, #tpu.memory_space<semaphore_mem>>)
        %dma_wait3A = arith.constant 0 : i32
        %dma_wait3A_68 = tpu.memref_slice %arg6[%arg0, %dma_wait3A] : memref<2x10000xf32, #tpu.memory_space<hbm>> -> memref<1x10000xf32, #tpu.memory_space<hbm>>
        %dma_wait3A_69 = tpu.memref_squeeze %dma_wait3A_68 : memref<1x10000xf32, #tpu.memory_space<hbm>> -> memref<10000xf32, #tpu.memory_space<hbm>>
        tpu.wait_dma2 semaphore(%run_scoped3A : memref<!tpu.dma_semaphore, #tpu.memory_space<semaphore_mem>>) src(%arg11 : memref<10000xf32, #tpu.memory_space<vmem_shared>>) dst(%dma_wait3A_69 : memref<10000xf32, #tpu.memory_space<hbm>>)
        tpu.yield
      }) : () -> ()
    } else {
    }
    return
  }
}

module attributes {stable_mosaic.version = 14 : i64} {
  func.func @body(%arg0: memref<10000x128xf32, #tpu.memory_space<vmem>>, %arg1: memref<128x128xf32, #tpu.memory_space<vmem>>, %arg2: memref<2x10000xf32, #tpu.memory_space<vmem>>, %arg3: memref<10000x128xf32, #tpu.memory_space<vmem>>) attributes {dimension_semantics = [], scalar_prefetch = 0 : i64, scratch_operands = 0 : i64, tpu.core_type = #tpu.core_type<tc>} {
    %get3A = arith.constant 0 : index
    %get3A_0 = arith.constant 0 : index
    %get3A_1 = vector.load %arg2[%get3A, %get3A_0] : memref<2x10000xf32, #tpu.memory_space<vmem>>, vector<1x10000xf32>
    %get3A_2 = vector.shape_cast %get3A_1 : vector<1x10000xf32> to vector<10000xf32>
    %get3A_3 = arith.constant 1 : index
    %get3A_4 = arith.constant 0 : index
    %get3A_5 = vector.load %arg2[%get3A_3, %get3A_4] : memref<2x10000xf32, #tpu.memory_space<vmem>>, vector<1x10000xf32>
    %get3A_6 = vector.shape_cast %get3A_5 : vector<1x10000xf32> to vector<10000xf32>
    %add3A = arith.addf %get3A_2, %get3A_6 : vector<10000xf32>
    %add3A_7 = arith.constant 1.000000e+00 : f32
    %add3A_8 = vector.broadcast %add3A_7 : f32 to vector<10000xf32>
    %add3A_9 = arith.addf %add3A, %add3A_8 : vector<10000xf32>
    %rsqrt3A = math.rsqrt %add3A_9 : vector<10000xf32>
    %reshape3A = vector.shape_cast %rsqrt3A : vector<10000xf32> to vector<10000x1xf32>
    %get3A_10 = arith.constant 0 : index
    %get3A_11 = arith.constant 0 : index
    %get3A_12 = vector.load %arg0[%get3A_10, %get3A_11] : memref<10000x128xf32, #tpu.memory_space<vmem>>, vector<10000x128xf32>
    %get3A_13 = arith.constant 0 : index
    %get3A_14 = arith.constant 0 : index
    %get3A_15 = vector.load %arg1[%get3A_13, %get3A_14] : memref<128x128xf32, #tpu.memory_space<vmem>>, vector<128x128xf32>
    %dot_general3A = arith.constant dense<0.000000e+00> : vector<10000x128xf32>
    %dot_general3A_16 = tpu.matmul %get3A_12, %get3A_15, %dot_general3A {dimension_numbers = #tpu.dot_dimension_numbers<[1], [0], [0], [1], [0, 0, 1, 1], [], []>, transpose_lhs_hint = false} : vector<10000x128xf32>, vector<128x128xf32>, vector<10000x128xf32> -> vector<10000x128xf32>
    %mul3A = vector.broadcast %reshape3A : vector<10000x1xf32> to vector<10000x128xf32>
    %mul3A_17 = arith.mulf %dot_general3A_16, %mul3A : vector<10000x128xf32>
    %swap3A = arith.constant 0 : index
    %swap3A_18 = arith.constant 0 : index
    %swap3A_19 = vector.load %arg3[%swap3A, %swap3A_18] : memref<10000x128xf32, #tpu.memory_space<vmem>>, vector<10000x128xf32>
    tpu.vector_store %arg3[%swap3A, %swap3A_18], %mul3A_17 {strides = array<i32>} : memref<10000x128xf32, #tpu.memory_space<vmem>>, vector<10000x128xf32>,
    return
  }
}

module attributes {stable_mosaic.version = 14 : i64} {
  func.func @body(%arg0: memref<2x10000x128xf32, #tpu.memory_space<vmem>>, %arg1: memref<10000x128xf32, #tpu.memory_space<vmem>>, %arg2: memref<2x10000xf32, #tpu.memory_space<vmem>>, %arg3: memref<128xf32, #tpu.memory_space<vmem>>, %arg4: memref<128x1xf32, #tpu.memory_space<vmem>>, %arg5: memref<10000xf32, #tpu.memory_space<vmem>>) attributes {dimension_semantics = [], scalar_prefetch = 0 : i64, scratch_operands = 0 : i64, tpu.core_type = #tpu.core_type<tc>} {
    %get3A = arith.constant 0 : index
    %get3A_0 = arith.constant 0 : index
    %get3A_1 = vector.load %arg2[%get3A, %get3A_0] : memref<2x10000xf32, #tpu.memory_space<vmem>>, vector<1x10000xf32>
    %get3A_2 = vector.shape_cast %get3A_1 : vector<1x10000xf32> to vector<10000xf32>
    %get3A_3 = arith.constant 1 : index
    %get3A_4 = arith.constant 0 : index
    %get3A_5 = vector.load %arg2[%get3A_3, %get3A_4] : memref<2x10000xf32, #tpu.memory_space<vmem>>, vector<1x10000xf32>
    %get3A_6 = vector.shape_cast %get3A_5 : vector<1x10000xf32> to vector<10000xf32>
    %add3A = arith.addf %get3A_2, %get3A_6 : vector<10000xf32>
    %add3A_7 = arith.constant 1.000000e+00 : f32
    %add3A_8 = vector.broadcast %add3A_7 : f32 to vector<10000xf32>
    %add3A_9 = arith.addf %add3A, %add3A_8 : vector<10000xf32>
    %rsqrt3A = math.rsqrt %add3A_9 : vector<10000xf32>
    %reshape3A = vector.shape_cast %rsqrt3A : vector<10000xf32> to vector<10000x1xf32>
    %get3A_10 = arith.constant 0 : index
    %get3A_11 = arith.constant 0 : index
    %get3A_12 = arith.constant 0 : index
    %get3A_13 = vector.load %arg0[%get3A_10, %get3A_11, %get3A_12] : memref<2x10000x128xf32, #tpu.memory_space<vmem>>, vector<1x10000x128xf32>
    %get3A_14 = vector.shape_cast %get3A_13 : vector<1x10000x128xf32> to vector<10000x128xf32>
    %get3A_15 = arith.constant 1 : index
    %get3A_16 = arith.constant 0 : index
    %get3A_17 = arith.constant 0 : index
    %get3A_18 = vector.load %arg0[%get3A_15, %get3A_16, %get3A_17] : memref<2x10000x128xf32, #tpu.memory_space<vmem>>, vector<1x10000x128xf32>
    %get3A_19 = vector.shape_cast %get3A_18 : vector<1x10000x128xf32> to vector<10000x128xf32>
    %add3A_20 = arith.addf %get3A_14, %get3A_19 : vector<10000x128xf32>
    %get3A_21 = arith.constant 0 : index
    %get3A_22 = arith.constant 0 : index
    %get3A_23 = vector.load %arg1[%get3A_21, %get3A_22] : memref<10000x128xf32, #tpu.memory_space<vmem>>, vector<10000x128xf32>
    %add3A_24 = arith.addf %add3A_20, %get3A_23 : vector<10000x128xf32>
    %mul3A = vector.broadcast %reshape3A : vector<10000x1xf32> to vector<10000x128xf32>
    %mul3A_25 = arith.mulf %add3A_24, %mul3A : vector<10000x128xf32>
    %get3A_26 = arith.constant 0 : index
    %get3A_27 = vector.load %arg3[%get3A_26] : memref<128xf32, #tpu.memory_space<vmem>>, vector<128xf32>
    %broadcast_in_dim3A = vector.shape_cast %get3A_27 : vector<128xf32> to vector<1x128xf32>
    %add3A_28 = vector.broadcast %broadcast_in_dim3A : vector<1x128xf32> to vector<10000x128xf32>
    %add3A_29 = arith.addf %mul3A_25, %add3A_28 : vector<10000x128xf32>
    %max3A = arith.constant 0.000000e+00 : f32
    %max3A_30 = vector.broadcast %max3A : f32 to vector<10000x128xf32>
    %max3A_31 = arith.maximumf %add3A_29, %max3A_30 : vector<10000x128xf32>
    %get3A_32 = arith.constant 0 : index
    %get3A_33 = arith.constant 0 : index
    %get3A_34 = vector.load %arg4[%get3A_32, %get3A_33] : memref<128x1xf32, #tpu.memory_space<vmem>>, vector<128x1xf32>
    %reshape3A_35 = vector.shape_cast %get3A_34 : vector<128x1xf32> to vector<1x128xf32>
    %mul3A_36 = vector.broadcast %reshape3A_35 : vector<1x128xf32> to vector<10000x128xf32>
    %mul3A_37 = arith.mulf %max3A_31, %mul3A_36 : vector<10000x128xf32>
    %reduce_sum3A = arith.constant dense<0.000000e+00> : vector<10000xf32>
    %reduce_sum3A_38 = vector.multi_reduction <add>, %mul3A_37, %reduce_sum3A [1] : vector<10000x128xf32> to vector<10000xf32>
    %broadcast_in_dim3A_39 = vector.shape_cast %reduce_sum3A_38 : vector<10000xf32> to vector<10000x1xf32>
    %mul3A_40 = arith.mulf %broadcast_in_dim3A_39, %reshape3A : vector<10000x1xf32>
    %reshape3A_41 = vector.shape_cast %mul3A_40 : vector<10000x1xf32> to vector<10000xf32>
    %swap3A = arith.constant 0 : index
    %swap3A_42 = vector.load %arg5[%swap3A] : memref<10000xf32, #tpu.memory_space<vmem>>, vector<10000xf32>
    tpu.vector_store %arg5[%swap3A], %reshape3A_41 {strides = array<i32>} : memref<10000xf32, #tpu.memory_space<vmem>>, vector<10000xf32>,
    return
  }
}

module attributes {stable_mosaic.version = 14 : i64} {
  func.func @body(%arg0: memref<2x10000xf32, #tpu.memory_space<vmem>>, %arg1: memref<10000xf32, #tpu.memory_space<vmem>>, %arg2: memref<2x10000xf32, #tpu.memory_space<vmem>>, %arg3: memref<1xf32, #tpu.memory_space<vmem>>, %arg4: memref<10000x1xf32, #tpu.memory_space<vmem>>) attributes {dimension_semantics = [], scalar_prefetch = 0 : i64, scratch_operands = 0 : i64, tpu.core_type = #tpu.core_type<tc>} {
    %get3A = arith.constant 0 : index
    %get3A_0 = arith.constant 0 : index
    %get3A_1 = vector.load %arg2[%get3A, %get3A_0] : memref<2x10000xf32, #tpu.memory_space<vmem>>, vector<1x10000xf32>
    %get3A_2 = vector.shape_cast %get3A_1 : vector<1x10000xf32> to vector<10000xf32>
    %get3A_3 = arith.constant 1 : index
    %get3A_4 = arith.constant 0 : index
    %get3A_5 = vector.load %arg2[%get3A_3, %get3A_4] : memref<2x10000xf32, #tpu.memory_space<vmem>>, vector<1x10000xf32>
    %get3A_6 = vector.shape_cast %get3A_5 : vector<1x10000xf32> to vector<10000xf32>
    %add3A = arith.addf %get3A_2, %get3A_6 : vector<10000xf32>
    %add3A_7 = arith.constant 1.000000e+00 : f32
    %add3A_8 = vector.broadcast %add3A_7 : f32 to vector<10000xf32>
    %add3A_9 = arith.addf %add3A, %add3A_8 : vector<10000xf32>
    %rsqrt3A = math.rsqrt %add3A_9 : vector<10000xf32>
    %get3A_10 = arith.constant 0 : index
    %get3A_11 = arith.constant 0 : index
    %get3A_12 = vector.load %arg0[%get3A_10, %get3A_11] : memref<2x10000xf32, #tpu.memory_space<vmem>>, vector<1x10000xf32>
    %get3A_13 = vector.shape_cast %get3A_12 : vector<1x10000xf32> to vector<10000xf32>
    %get3A_14 = arith.constant 1 : index
    %get3A_15 = arith.constant 0 : index
    %get3A_16 = vector.load %arg0[%get3A_14, %get3A_15] : memref<2x10000xf32, #tpu.memory_space<vmem>>, vector<1x10000xf32>
    %get3A_17 = vector.shape_cast %get3A_16 : vector<1x10000xf32> to vector<10000xf32>
    %add3A_18 = arith.addf %get3A_13, %get3A_17 : vector<10000xf32>
    %get3A_19 = arith.constant 0 : index
    %get3A_20 = vector.load %arg1[%get3A_19] : memref<10000xf32, #tpu.memory_space<vmem>>, vector<10000xf32>
    %add3A_21 = arith.addf %add3A_18, %get3A_20 : vector<10000xf32>
    %mul3A = arith.mulf %add3A_21, %rsqrt3A : vector<10000xf32>
    %get3A_22 = arith.constant 0 : index
    %get3A_23 = vector.load %arg3[%get3A_22] : memref<1xf32, #tpu.memory_space<vmem>>, vector<1xf32>
    %add3A_24 = vector.broadcast %get3A_23 : vector<1xf32> to vector<10000xf32>
    %add3A_25 = arith.addf %mul3A, %add3A_24 : vector<10000xf32>
    %logistic3A = arith.negf %add3A_25 : vector<10000xf32>
    %logistic3A_26 = math.exp %logistic3A : vector<10000xf32>
    %logistic3A_27 = arith.constant 1.000000e+00 : f32
    %logistic3A_28 = vector.broadcast %logistic3A_27 : f32 to vector<10000xf32>
    %logistic3A_29 = arith.addf %logistic3A_28, %logistic3A_26 : vector<10000xf32>
    %logistic3A_30 = arith.divf %logistic3A_28, %logistic3A_29 : vector<10000xf32>
    %reshape3A = vector.shape_cast %logistic3A_30 : vector<10000xf32> to vector<10000x1xf32>
    %swap3A = arith.constant 0 : index
    %swap3A_31 = arith.constant 0 : index
    %swap3A_32 = vector.load %arg4[%swap3A, %swap3A_31] : memref<10000x1xf32, #tpu.memory_space<vmem>>, vector<10000x1xf32>
    tpu.vector_store %arg4[%swap3A, %swap3A_31], %reshape3A {strides = array<i32>} : memref<10000x1xf32, #tpu.memory_space<vmem>>, vector<10000x1xf32>,
    return
  }
}

</mosaic_0001>

<sc_bundles>
// kernel: kernel.11.cloned.1.call-start
scs
__scs_entry_jumppad:
0x0: {  	(pc) =	sbr.rel $0x88, $3  }
0x1: {  	(tag) =	ssettag $0x0;
	lr =	simm.s32 $0x1  }
0x2: {  	[smem:$0x3F9B] =	sst lr;
	_ =	strace $0xD0000000  }
0x3: {  	_ = 	snop  }
0x4: {  	_ = 	snop  }
0x5: {  	_ = 	snop  }
0x6: {  	_ = 	snop  }
0x7: {  	_ = 	snop  }
__scs_overlays_trampoline_lowered:
0x8: {  	[smem:$0x3FAA] =	sst s0  }
0x9: {  	[smem:$0x3FAB] =	sst s1  }
0xa: {  	[smem:$0x3FAC] =	sst s2  }
0xb: {  	[smem:$0x3FAD] =	sst s3  }
0xc: {  	[smem:$0x3FAE] =	sst s4  }
0xd: {  	[smem:$0x3FAF] =	sst s5  }
0xe: {  	[smem:$0x3FB0] =	sst s6  }
0xf: {  	[smem:$0x3FB1] =	sst s7  }
0x10: {  	[smem:$0x3FB2] =	sst s8  }
0x11: {  	[smem:$0x3FB3] =	sst s9;
	s0 =	simm.s32 @!p0 $0x0  }
0x12: {  	s1 =	sld [smem:$0x3F99];
	s0 =	simm.s32 @p0 $0x1  }
0x13: {  	[smem:$0x3FB4] =	sst s0;
	s0 =	simm.s32 @!p1 $0x0  }
0x14: {  	s2 =	sld [smem:$0x3F98];
	s0 =	simm.s32 @p1 $0x1  }
0x15: {  	[smem:$0x3FB5] =	sst s0;
	s0 =	simm.s32 @!p2 $0x0  }
0x16: {  	s3 =	sld [smem:$0x3FDB];
	s0 =	simm.s32 @p2 $0x1  }
0x17: {  	s4 =	simm.s32 $0x1BF5;
	[smem:$0x3FB7] =	sst s0  }
0x18: {  	s0 =	sld [smem:$0x3F9A];
	_ =	swait.ge [sflag:s4], $0x0  }
0x19: {  	s7 =	sld [smem:$0x3F9B]  }
0x1a: {  	s8 =	sadd.s32 $0xFFFFE003, lr  }
0x1b: {  	s9 =	sadd.s32 $0xFFFFFEF7, lr;
	s5 =	simm.s32 $0xFFFFFFFF;
	p2 =	slt.u32 s8, $0xFFFFF086  }
0x1c: {  	p1 =	slt.u32 s9, $0xF7A;
	s5 =	simm.s32 @!p2 $0x0  }
0x1d: {  	s5 =	simm.s32 @p1 $0x1;
	p0 =	seq.s32 s7, s2  }
0x1e: {  	s7 =	smul.u32 @!p0 $0xF7A, s2;
	p2 =	seq.s32 @!p0 s5, $0x0  }
0x1f: {  	s9 =	smul.u32 $0xF7A, s1;
	s8 =	simm.s32 @!p0 $0x1BF5;
	p2 =	por !p2, p0  }
0x20: {  	[sflag:s8] =	ssyncset.s32 @!p0 $0xFFFFF086;
	s6 =	sadd.s32 @!p0 s3, s7;
	s7 =	simm.s32 @!p0 $0x108  }
0x21: {  	s3 =	sadd.s32 s3, s9;
	s6 =	sadd.s32 @!p0 $0x88, s6;
	s7 =	simm.s32 @p2 $0x1082  }
0x22: {  	[simem:s7], [sflag:s8] =	dma.local @!p0 [hbm:s6], $0xF7A  }
0x23: {  	s9 =	sor.u32 $0xD0000000, s2;
	s6 =	simm.s32 $0x108;
	_ =	swait.ge @!p0 [sflag:s8], $0x0  }
0x24: {  	s3 =	sadd.s32 $0x88, s3;
	s6 =	simm.s32 @!p1 $0x1082;
	[sflag:s4] =	ssyncset.s32 $0xFFFFF086  }
0x25: {  	[simem:s6], [sflag:s4] =	dma.local [hbm:s3], $0xF7A  }
0x26: {  	[smem:$0x3F9B] =	sst s1;
	(tag) =	ssettag s2;
	_ =	strace s9  }
0x27: {  	s1 =	sld [smem:$0x3FAB]  }
0x28: {  	s2 =	sld [smem:$0x3FAC]  }
0x29: {  	s4 =	sld [smem:$0x3FAE]  }
0x2a: {  	p0 =	seq.s32 s5, $0x0;
	s5 =	sld [smem:$0x3FAF]  }
0x2b: {  	s6 =	sld [smem:$0x3FB0]  }
0x2c: {  	s7 =	sld [smem:$0x3FB1]  }
0x2d: {  	s3 =	simm.s32 $0x108;
	s8 =	sld [smem:$0x3FB2]  }
0x2e: {  	s3 =	simm.s32 @!p0 $0x1082;
	s9 =	sld [smem:$0x3FB3]  }
0x2f: {  	lr =	sadd.s32 s0, s3;
	s0 =	sld [smem:$0x3FAA]  }
0x30: {  	s3 =	sld [smem:$0x3FAD]  }
0x31: {  	[smem:$0x3FB6] =	sst s10  }
0x32: {  	s10 =	sld [smem:$0x3FB4];
	_ =	sdelay $0x3  }
0x33: {  	p0 =	seq.s32 s10, $0x1;
	s10 =	sld [smem:$0x3FB6];
	_ =	sdelay $0x3  }
0x34: {  	[smem:$0x3FB6] =	sst s10  }
0x35: {  	s10 =	sld [smem:$0x3FB5];
	_ =	sdelay $0x3  }
0x36: {  	p1 =	seq.s32 s10, $0x1;
	s10 =	sld [smem:$0x3FB6];
	_ =	sdelay $0x3  }
0x37: {  	[smem:$0x3FB6] =	sst s10  }
0x38: {  	s10 =	sld [smem:$0x3FB7]  }
0x39: {  	_ = 	snop;
	(pc) =	sbr.ind lr, $3  }
0x3a: {  	_ = 	snop  }
0x3b: {  	_ = 	snop  }
0x3c: {  	p2 =	seq.s32 s10, $0x1;
	s10 =	sld [smem:$0x3FB6]  }
0x3d: {  	_ =	shalt  }
0x3e: {  	_ =	shalt  }
0x3f: {  	_ =	shalt  }
0x40: {  	_ =	shalt  }
0x41: {  	_ =	shalt  }
0x42: {  	_ =	shalt  }
0x43: {  	_ =	shalt  }
0x44: {  	_ =	shalt  }
0x45: {  	_ =	shalt  }
0x46: {  	_ =	shalt  }
0x47: {  	_ =	shalt  }
0x48: {  	_ =	shalt  }
0x49: {  	_ =	shalt  }
0x4a: {  	_ =	shalt  }
0x4b: {  	_ =	shalt  }
0x4c: {  	_ =	shalt  }
0x4d: {  	_ =	shalt  }
0x4e: {  	_ =	shalt  }
0x4f: {  	_ =	shalt  }
0x50: {  	_ =	shalt  }
0x51: {  	_ =	shalt  }
0x52: {  	_ =	shalt  }
0x53: {  	_ =	shalt  }
0x54: {  	_ =	shalt  }
0x55: {  	_ =	shalt  }
0x56: {  	_ =	shalt  }
0x57: {  	_ =	shalt  }
0x58: {  	_ =	shalt  }
0x59: {  	_ =	shalt  }
0x5a: {  	_ =	shalt  }
0x5b: {  	_ =	shalt  }
0x5c: {  	_ =	shalt  }
0x5d: {  	_ =	shalt  }
0x5e: {  	_ =	shalt  }
0x5f: {  	_ =	shalt  }
0x60: {  	_ =	shalt  }
0x61: {  	_ =	shalt  }
0x62: {  	_ =	shalt  }
0x63: {  	_ =	shalt  }
0x64: {  	_ =	shalt  }
0x65: {  	_ =	shalt  }
0x66: {  	_ =	shalt  }
0x67: {  	_ =	shalt  }
0x68: {  	_ =	shalt  }
0x69: {  	_ =	shalt  }
0x6a: {  	_ =	shalt  }
0x6b: {  	_ =	shalt  }
0x6c: {  	_ =	shalt  }
0x6d: {  	_ =	shalt  }
0x6e: {  	_ =	shalt  }
0x6f: {  	_ =	shalt  }
0x70: {  	_ =	shalt  }
0x71: {  	_ =	shalt  }
0x72: {  	_ =	shalt  }
0x73: {  	_ =	shalt  }
0x74: {  	_ =	shalt  }
0x75: {  	_ =	shalt  }
0x76: {  	_ =	shalt  }
0x77: {  	_ =	shalt  }
0x78: {  	_ =	shalt  }
0x79: {  	_ =	shalt  }
0x7a: {  	_ =	shalt  }
0x7b: {  	_ =	shalt  }
0x7c: {  	_ =	shalt  }
0x7d: {  	_ =	shalt  }
0x7e: {  	_ =	shalt  }
0x7f: {  	_ =	shalt  }
0x80: {  	_ =	shalt  }
0x81: {  	_ =	shalt  }
0x82: {  	_ =	shalt  }
0x83: {  	_ =	shalt  }
0x84: {  	_ =	shalt  }
0x85: {  	_ =	shalt  }
0x86: {  	_ =	shalt  }
0x87: {  	_ =	shalt  }
.Lfunc_end0:
.L_simem_size_0:
called_computation.1_lowered:
.L_overlay_start_0:
0x88: {  	s2 =	sld [smem:$0x3FD9]  }
0x89: {  	s3 =	sld [smem:$0x3FFE];
	_ =	sdelay $0x1  }
0x8a: {  	s1 =	srdreg.scid  }
0x8b: {  	s0 =	sand.u32 $0x1, s1  }
0x8c: {  	s16 =	sshll.u32 s0, $0xA;
	s2 =	sadd.s32 s3, s2  }
0x8d: {  	s2 =	sadd.s32 s2, s16  }
0x8e: {  	[smem:$0x3FC2] =	sst s2  }
0x8f: {  	_ = 	snop  }
0x90: {  	(tm) =	ssettm $0x1  }
0x91: {  	s17 =	sld [smem:$0x3FFB];
	_ =	sdelay $0x3  }
0x92: {  	_ =	strace s17  }
0x93: {  	s2 =	sld [smem:$0x3FFC];
	_ =	sdelay $0x3  }
0x94: {  	_ =	strace s2  }
0x95: {  	s2 =	sld [smem:$0x3FFD];
	_ =	sdelay $0x3  }
0x96: {  	_ =	strace s2  }
0x97: {  	_ =	strace $0x8FFFFFFF  }
0x98: {  	s18 =	sld [smem:$0x3FDB];
	_ =	sdelay $0x1  }
0x99: {  	s19 =	simm.s32 $_scs_section_size  }
0x9a: {  	s4 =	simm.s32 $_size__tile_overlayer_lowered;
	s5 =	simm.s32 $_tile_overlayer_lowered  }
0x9b: {  	s22 =	simm.s32 $0x1BFF;
	s21 =	sshll.u32 s5, $0x1;
	s2 =	sadd.s32 s19, s18  }
0x9c: {  	s6 =	simm.s32 $0x0;
	s20 =	sshll.u32 s4, $0x1;
	s4 =	sadd.s32 s21, s2  }
0x9d: {  	[timem:s6], [sflag:s22] =	dma.local [hbm:s4], s20  }
0x9e: {  	_ =	swait.ge [sflag:s22], s20  }
0x9f: {  	s3 =	ssub.s32 $0x0, s20;
	[sflag:s22] =	ssyncset.done $0x0  }
0xa0: {  	[sflag:s22] =	ssyncadd.s32 s3;
	_ =	sdelay $0x1  }
0xa1: {  	s23 =	simm.s32 $0x1B8B  }
0xa2: {  	_ =	swait.ge [sflag:s23], $0x1  }
0xa3: {  	[sflag:s23] =	ssyncset.done $0x0  }
0xa4: {  	s25 =	simm.s32 $0x1B8E;
	s24 =	sld [smem:$0x3FFE];
	[sflag:s23] =	ssyncadd.s32 $0xFFFFFFFF  }
0xa5: {  	s26 =	simm.s32 $execute0_lowered;
	[smem:$0x3FD2] =	sst s25  }
0xa6: {  	s4 =	sshll.u32 s26, $0x1;
	_ =	strace $0x80000049;
	[dreg:$0x1] =	wrdreg $0xFFFFFFFF  }
0xa7: {  	s28 =	simm.s32 $_size_execute0_lowered;
	s2 =	sadd.s32 s2, s4;
	[dreg:$0x0] =	wrdreg $0x0  }
0xa8: {  	s4 =	sshll.u32 s28, $0x1;
	[dreg:$0x2] =	wrdreg s2  }
0xa9: {  	[dreg:$0x3] =	wrdreg s4  }
0xaa: {  	[dreg:$0x4] =	wrdreg $0xC0  }
0xab: {  	_ =	task [dreg:s6], $0x5FFFF  }
0xac: {  	[dreg:$0x1] =	wrdreg $0xFFFFFFFF  }
0xad: {  	[dreg:$0x0] =	wrdreg $0x60  }
0xae: {  	[dreg:$0x2] =	wrdreg s24  }
0xaf: {  	[dreg:$0x3] =	wrdreg $0xBC000  }
0xb0: {  	[dreg:$0x4] =	wrdreg $0x9  }
0xb1: {  	_ =	task.clear_ibuf [dreg:s6], $0x5FFFF;
	_ =	strace $0x90000049  }
0xb2: {  	s29 =	simm.s32 $0x9;
	_ =	strace $0x8000004B  }
0xb3: {  	_ =	swait.ge [sflag:s29], $0x1  }
0xb4: {  	[sflag:s29] =	ssyncadd.s32 $0xFFFFFFFF  }
0xb5: {  	_ =	strace $0x9000004B  }
0xb6: {  	_ =	sfence  }
0xb7: {  	s30 =	sld [smem:$0x0];
	_ =	sdelay $0x2  }
0xb8: {  	s31 =	sshll.u32 s1, $0xD;
	s1 =	sshrl.u32 s1, $0x2  }
0xb9: {  	s3 =	sand.u32 $0x4000, s31;
	s1 =	sadd.s32 s1, s30  }
0xba: {  	s0 =	sor.u32 s3, s0;
	s1 =	sshll.u32 s1, $0x11  }
0xbb: {  	s0 =	sor.u32 s1, s0  }
0xbc: {  	s0 =	sadd.s32 $0x8F2B, s0  }
0xbd: {  	[sflag:s0] =	ssyncadd.remote.s32 $0x1  }
0xbe: {  	_ =	sfence.sel $0xFFFF  }
0xbf: {  	[dreg:$0x0] =	wrdreg $0xFFFFFFFF;
	(pc) =	sbr.abs _section_cstart, $3  }
0xc0: {  	[dreg:$0x1] =	wrdreg $0xFFFFFFFF  }
0xc1: {  	_ =	task.clear_ibuf [dreg:s6], $0x2FFFF;
	_ =	strace $0x9FFFFFFF  }
0xc2: {  	(tm) =	ssettm $0x7FFFFFFF  }
0xc3: {  	_ =	shalt  }
tec
execute0_lowered:
.L_overlay_start_1:
0x0: {  	(tag) =	ssettag $0x1  }
0x1: {  	s0 =	srdreg.scid  }
0x2: {  	s1 =	rddreg [dreg:$0x0];
	s12 =	stileid.u32  }
0x3: {  	s2 =	rddreg [dreg:$0x1];
	s4 =	simm.s32 $0x0;
	s28 =	simm.s32 $0x1  }
0x4: {  	s29 =	simm.s32 $0x3;
	s30 =	simm.s32 $0x2;
	s0 =	sand.u32 $0x1, s0  }
0x5: {  	[smem:$0x7FF] =	sst s4;
	s5 =	sadd.s32 $0x16800, s1;
	s10 =	smul.u32 $0x4F000, s12  }
0x6: {  	s20 =	sadd.s32 $0x3DA00, s1;
	s16 =	sadd.s32 $0xC100, s1;
	s24 =	smul.u32 $0x13C00, s12  }
0x7: {  	s26 =	smul.u32 $0x500, s12;
	p1 =	seq.s32 s12, $0xF;
	s3 =	sshll.u32 s0, $0x4  }
0x8: {  	s7 =	smul.u32 $0x5000, s0;
	_ =	strace $0x8000004A;
	s9 =	ssub.s32 $0x2, s0  }
0x9: {  	[dreg:$0x6] =	wrdreg s16;
	s16 =	sadd.s32 $0x12C000, s2;
	s0 =	smul.u32 $0x138800, s0  }
0xa: {  	s3 =	sor.u32 s12, s3;
	s11 =	sshrl.u32 s9, $0x1;
	s15 =	sshrl.u32 s10, $0x2  }
0xb: {  	s6 =	smul.u32 $0x500, s3;
	s7 =	sadd.s32 s7, s1;
	p0 =	seq.s32 s3, $0x1F  }
0xc: {  	s22 =	ssub.s32 s9, s11;
	s9 =	sadd.s32 s15, s2;
	s15 =	sadd.s32 $0x128400, s2  }
0xd: {  	s25 =	sadd.s32 s24, s0;
	s0 =	sshrl.u32 s0, $0x3;
	s24 =	simm.s32 $0x3C00  }
0xe: {  	s17 =	sadd.s32 $0x3C00, s9;
	s18 =	sadd.s32 $0x7800, s9;
	s19 =	sadd.s32 $0xB400, s9  }
0xf: {  	s21 =	sadd.s32 $0xF000, s9;
	s14 =	sadd.s32 $0x12C00, s9;
	s0 =	sadd.s32 s20, s0  }
0x10: {  	s31 =	sadd.s32 s26, s7;
	s22 =	smax.u32 s22, $0x1;
	[dreg:$0x7] =	wrdreg s17  }
0x11: {  	s26 =	simm.s32 $0x7C00;
	s8 =	sadd.s32 s6, s1;
	[dreg:$0x8] =	wrdreg s18  }
0x12: {  	s6 =	simm.s32 $0x14;
	[dreg:$0x9] =	wrdreg s19;
	s1 =	sadd.s32 $0x15F00, s1  }
0x13: {  	[dreg:$0xa] =	wrdreg s21;
	s17 =	sadd.s32 $0x12FC00, s2;
	s18 =	sadd.s32 $0x133800, s2  }
0x14: {  	s19 =	sadd.s32 $0x137400, s2;
	s21 =	sadd.s32 $0x25080, s0;
	s7 =	sadd.s32 $0xC400, s31  }
0x15: {  	s6 =	simm.s32 @!p0 $0x50;
	s8 =	sadd.s32 $0x2600, s8;
	[dreg:$0x3] =	wrdreg s1  }
0x16: {  	s1 =	sshrl.u32 s25, $0x3;
	[dreg:$0x5] =	wrdreg s8;
	s23 =	sshrl.u32 s6, $0x1  }
0x17: {  	v0 =	vimm.f32 $0.0e+00;
	s25 =	simm.s32 $0x80;
	s20 =	sadd.s32 s20, s1;
	[dreg:$0x4] =	wrdreg s23  }
.LBB2_1:
0x18: {  	s0 =	simm.s32 @p0 $0x0;
	s1 =	rddreg [dreg:$0x6]  }
0x19: {  	[tilespmem:s0], [sflag:$0x3] =	stream.linear.gather @p0 [hbm4b:s1+s0], $0xA00, $0x38;
	[tilespmem:$0x1F480] =	vst v63  }
0x1a: {  	s0 =	simm.s32 @p0 $0x3  }
0x1b: {  	_ =	swait.ge @p0 [sflag:s0], $0xA00  }
0x1c: {  	[sflag:s0] =	ssyncset.done @p0 $0x0  }
0x1d: {  	s1 =	rddreg [dreg:$0x5];
	[sflag:s0] =	ssyncadd.s32 @p0 $0xFFFFF600;
	s0 =	simm.s32 @!p0 $0x0  }
0x1e: {  	[tilespmem:s0], [sflag:$0x3] =	stream.linear.gather @!p0 [hbm4b:s1+s0], $0x2800, $0x38;
	[tilespmem:$0x1F480] =	vst v63  }
0x1f: {  	s0 =	simm.s32 @!p0 $0x3  }
0x20: {  	_ =	swait.ge @!p0 [sflag:s0], $0x2800  }
0x21: {  	[sflag:s0] =	ssyncset.done @!p0 $0x0  }
0x22: {  	s1 =	simm.s32 $0x200;
	[sflag:s0] =	ssyncadd.s32 @!p0 $0xFFFFD800;
	s0 =	simm.s32 $0x0  }
.LBB2_2:
0x23: {  	p2 =	sne.s32 s1, $0xFE00;
	[tilespmem:s0+$0x3C70] =	vst v0  }
0x24: {  	[tilespmem:s0+$0x3C00] =	vst v0  }
0x25: {  	[tilespmem:s0+$0x3C10] =	vst v0  }
.Ltmp0:
0x26: {  	[tilespmem:s0+$0x3C20] =	vst v0;
	(pc) =	sbr.rel @p2 .LBB2_2-.Ltmp0, $4  }
0x27: {  	[tilespmem:s0+$0x3C30] =	vst v0  }
0x28: {  	[tilespmem:s0+$0x3C40] =	vst v0  }
0x29: {  	[tilespmem:s0+$0x3C50] =	vst v0  }
0x2a: {  	[tilespmem:s0+$0x3C60] =	vst v0;
	s0 =	sshra.s32 s1, $0x2;
	s1 =	sadd.s32 $0x200, s1  }
0x2b: {  	[tilespmem:s0+$0x3C70] =	vst v0  }
0x2c: {  	[tilespmem:s0+$0x3C00] =	vst v0  }
0x2d: {  	[tilespmem:s0+$0x3C10] =	vst v0  }
0x2e: {  	[tilespmem:s0+$0x3C20] =	vst v0  }
0x2f: {  	[tilespmem:s0+$0x3C30] =	vst v0  }
0x30: {  	[tilespmem:s0+$0x3C40] =	vst v0  }
0x31: {  	[tilespmem:s0+$0x3C50] =	vst v0  }
0x32: {  	[tilespmem:s0+$0x3C60] =	vst v0;
	s0 =	simm.s32 @p1 $0x3C00;
	s1 =	simm.s32 @p1 $0x3  }
0x33: {  	[spmem:s15] =	stream.linear.scatter @p1 [tilespmem:s0], [sflag:$0x3], $0x3C00, $0x38;
	[tilespmem:$0x1F480] =	vst v63  }
0x34: {  	_ =	swait.ge @p1 [sflag:s1], $0x3C00  }
0x35: {  	[sflag:s1] =	ssyncset.done @p1 $0x0  }
0x36: {  	[sflag:s1] =	ssyncadd.s32 @p1 $0xFFFFC400  }
0x37: {  	[spmem:s16] =	stream.linear.scatter @p1 [tilespmem:s0], [sflag:$0x3], $0x3C00, $0x38;
	[tilespmem:$0x1F480] =	vst v63  }
0x38: {  	_ =	swait.ge @p1 [sflag:s1], $0x3C00  }
0x39: {  	[sflag:s1] =	ssyncset.done @p1 $0x0  }
0x3a: {  	[sflag:s1] =	ssyncadd.s32 @p1 $0xFFFFC400  }
0x3b: {  	[spmem:s17] =	stream.linear.scatter @p1 [tilespmem:s0], [sflag:$0x3], $0x3C00, $0x38;
	[tilespmem:$0x1F480] =	vst v63  }
0x3c: {  	_ =	swait.ge @p1 [sflag:s1], $0x3C00  }
0x3d: {  	[sflag:s1] =	ssyncset.done @p1 $0x0  }
0x3e: {  	[sflag:s1] =	ssyncadd.s32 @p1 $0xFFFFC400  }
0x3f: {  	[spmem:s18] =	stream.linear.scatter @p1 [tilespmem:s0], [sflag:$0x3], $0x3C00, $0x38;
	[tilespmem:$0x1F480] =	vst v63  }
0x40: {  	_ =	swait.ge @p1 [sflag:s1], $0x3C00  }
0x41: {  	[sflag:s1] =	ssyncset.done @p1 $0x0  }
0x42: {  	[sflag:s1] =	ssyncadd.s32 @p1 $0xFFFFC400  }
0x43: {  	[spmem:s19] =	stream.linear.scatter @p1 [tilespmem:s0], [sflag:$0x3], $0x1400, $0x38;
	[tilespmem:$0x1F480] =	vst v63  }
0x44: {  	_ =	swait.ge @p1 [sflag:s1], $0x1400  }
0x45: {  	[sflag:s1] =	ssyncset.done @p1 $0x0  }
0x46: {  	s0 =	simm.s32 @!p1 $0x3C00;
	[sflag:s1] =	ssyncadd.s32 @p1 $0xFFFFEC00;
	s1 =	simm.s32 @!p1 $0x3  }
0x47: {  	[spmem:s9] =	stream.linear.scatter @!p1 [tilespmem:s0], [sflag:$0x3], $0x3C00, $0x38;
	[tilespmem:$0x1F480] =	vst v63  }
0x48: {  	_ =	swait.ge @!p1 [sflag:s1], $0x3C00  }
0x49: {  	[sflag:s1] =	ssyncset.done @!p1 $0x0  }
0x4a: {  	s8 =	rddreg [dreg:$0x7];
	[sflag:s1] =	ssyncadd.s32 @!p1 $0xFFFFC400  }
0x4b: {  	[spmem:s8] =	stream.linear.scatter @!p1 [tilespmem:s0], [sflag:$0x3], $0x3C00, $0x38;
	[tilespmem:$0x1F480] =	vst v63  }
0x4c: {  	_ =	swait.ge @!p1 [sflag:s1], $0x3C00  }
0x4d: {  	[sflag:s1] =	ssyncset.done @!p1 $0x0  }
0x4e: {  	s8 =	rddreg [dreg:$0x8];
	[sflag:s1] =	ssyncadd.s32 @!p1 $0xFFFFC400  }
0x4f: {  	[spmem:s8] =	stream.linear.scatter @!p1 [tilespmem:s0], [sflag:$0x3], $0x3C00, $0x38;
	[tilespmem:$0x1F480] =	vst v63  }
0x50: {  	_ =	swait.ge @!p1 [sflag:s1], $0x3C00  }
0x51: {  	[sflag:s1] =	ssyncset.done @!p1 $0x0  }
0x52: {  	s8 =	rddreg [dreg:$0x9];
	[sflag:s1] =	ssyncadd.s32 @!p1 $0xFFFFC400  }
0x53: {  	[spmem:s8] =	stream.linear.scatter @!p1 [tilespmem:s0], [sflag:$0x3], $0x3C00, $0x38;
	[tilespmem:$0x1F480] =	vst v63  }
0x54: {  	_ =	swait.ge @!p1 [sflag:s1], $0x3C00  }
0x55: {  	[sflag:s1] =	ssyncset.done @!p1 $0x0  }
0x56: {  	s8 =	rddreg [dreg:$0xa];
	[sflag:s1] =	ssyncadd.s32 @!p1 $0xFFFFC400  }
0x57: {  	[spmem:s8] =	stream.linear.scatter @!p1 [tilespmem:s0], [sflag:$0x3], $0x3C00, $0x38;
	[tilespmem:$0x1F480] =	vst v63  }
0x58: {  	_ =	swait.ge @!p1 [sflag:s1], $0x3C00  }
0x59: {  	[sflag:s1] =	ssyncset.done @!p1 $0x0  }
0x5a: {  	[sflag:s1] =	ssyncadd.s32 @!p1 $0xFFFFC400  }
0x5b: {  	[spmem:s14] =	stream.linear.scatter @!p1 [tilespmem:s0], [sflag:$0x3], $0x1000, $0x38;
	[tilespmem:$0x1F480] =	vst v63  }
0x5c: {  	_ =	swait.ge @!p1 [sflag:s1], $0x1000  }
0x5d: {  	s31 =	simm.s32 $0x80;
	[sflag:s1] =	ssyncset.done @!p1 $0x0  }
0x5e: {  	s23 =	smov.u32 s7;
	[sflag:s1] =	ssyncadd.s32 @!p1 $0xFFFFF000;
	s1 =	simm.s32 $0x0  }
0x5f: {  	[tilespmem:s24], [sflag:$0x1] =	stream.indirect.gather [hbm4b:s5+s31], $0x80, s1, s31, $0xb8;
	[tilespmem:$0x1F480] =	vst v63  }
0x60: {  	s8 =	simm.s32 $0x0;
	s0 =	simm.s32 $0x2800;
	[bflag:$0x0] =	sbarrier.arrive $0xFFFF  }
.LBB2_4:
0x61: {  	s10 =	smulhi.u32 $0xCCCCCCCD, s8;
	_ =	sdelay $0x1  }
0x62: {  	s10 =	sshrl.u32 s10, $0x4  }
0x63: {  	s11 =	smul.u32 $0x28, s10;
	_ =	sdelay $0x1  }
0x64: {  	p2 =	sne.s32 s1, s11  }
0x65: {  	p3 =	seq.s32 @!p2 s3, $0x1F  }
0x66: {  	p4 =	por !p3, p2  }
0x67: {  	s11 =	rddreg [dreg:$0x3];
	s12 =	simm.s32 @!p4 $0x0;
	s13 =	simm.s32 @!p4 $0x2800  }
0x68: {  	[tilespmem:s13], [sflag:$0x3] =	stream.linear.gather @!p4 [hbm4b:s11+s12], $0xA00, $0x38;
	[tilespmem:$0x1F480] =	vst v63  }
0x69: {  	s11 =	simm.s32 @!p4 $0x3  }
0x6a: {  	_ =	swait.ge @!p4 [sflag:s11], $0xA00  }
0x6b: {  	p2 =	por p3, p2;
	[sflag:s11] =	ssyncset.done @!p4 $0x0  }
0x6c: {  	s12 =	simm.s32 @!p2 $0x2800;
	[sflag:s11] =	ssyncadd.s32 @!p4 $0xFFFFF600;
	s11 =	simm.s32 @!p2 $0x0  }
0x6d: {  	[tilespmem:s12], [sflag:$0x3] =	stream.linear.gather @!p2 [hbm4b:s23+s11], $0x1400, $0x38;
	[tilespmem:$0x1F480] =	vst v63  }
0x6e: {  	s11 =	simm.s32 @!p2 $0x3  }
0x6f: {  	_ =	swait.ge @!p2 [sflag:s11], $0x1400  }
0x70: {  	[sflag:s11] =	ssyncset.done @!p2 $0x0  }
0x71: {  	s10 =	smul.u32 $0xFFFFB000, s10;
	[sflag:s11] =	ssyncadd.s32 @!p2 $0xFFFFEC00  }
0x72: {  	[tilespmem:s26], [sflag:$0x2] =	stream.indirect.gather [hbm4b:s5+s25], $0x80, s31, s25, $0xb8;
	[tilespmem:$0x1F480] =	vst v63  }
0x73: {  	_ =	swait.ge [sflag:s28], $0x4000  }
0x74: {  	s10 =	sshra.s32 s10, $0x2;
	[sflag:s28] =	ssyncset.done $0x0  }
0x75: {  	s1 =	sadd.s32 $0x2, s1;
	s10 =	sadd.s32 s10, s0;
	[sflag:s28] =	ssyncadd.s32 $0xFFFFC000  }
0x76: {  	[spmem:s2] =	stream.indirect.scatter.add.f32 [tilespmem:s24], [sflag:$0x3], $0x80, s10, s25, $0xb8;
	[tilespmem:$0x1F480] =	vst v63  }
0x77: {  	p2 =	sge.u32 s1, s6;
	_ =	swait.ge [sflag:s29], $0x4000  }
0x78: {  	s11 =	sadd.s32 @!p2 $0x80, s31;
	[sflag:s29] =	ssyncset.done $0x0  }
0x79: {  	s12 =	simm.s32 @!p2 $0x80;
	s13 =	simm.s32 @!p2 $0x3C00;
	[sflag:s29] =	ssyncadd.s32 $0xFFFFC000  }
0x7a: {  	[tilespmem:s13], [sflag:$0x1] =	stream.indirect.gather @!p2 [hbm4b:s5+s12], $0x80, s11, s12, $0xb8;
	[tilespmem:$0x1F480] =	vst v63  }
0x7b: {  	_ =	swait.ge [sflag:s30], $0x4000  }
0x7c: {  	[sflag:s30] =	ssyncset.done $0x0  }
0x7d: {  	s10 =	sadd.s32 $0x80, s10;
	[sflag:s30] =	ssyncadd.s32 $0xFFFFC000  }
0x7e: {  	[spmem:s2] =	stream.indirect.scatter.add.f32 [tilespmem:s26], [sflag:$0x3], $0x80, s10, s25, $0xb8;
	[tilespmem:$0x1F480] =	vst v63  }
0x7f: {  	_ =	swait.ge [sflag:s29], $0x4000  }
0x80: {  	s8 =	sadd.s32 $0x1, s8;
	s13 =	rddreg [dreg:$0x4]  }
0x81: {  	p2 =	sne.s32 s13, s8  }
.Ltmp1:
0x82: {  	_ = 	snop;
	(pc) =	sbr.rel @p2 .LBB2_4-.Ltmp1, $3  }
0x83: {  	_ =	sdelay $0x1  }
0x84: {  	s0 =	sadd.s32 $0x100, s0;
	[sflag:s29] =	ssyncset.done $0x0  }
0x85: {  	s23 =	sadd.s32 $0x20, s23;
	s31 =	sadd.s32 $0x100, s31;
	[sflag:s29] =	ssyncadd.s32 $0xFFFFC000  }
0x86: {  	[bflag:$0x0] =	sbarrier.arrive $0xFFFF;
	s0 =	sshrl.u32 @p1 s15, $0x3;
	s1 =	simm.s32 @p1 $0x1FC3  }
0x87: {  	[hbm:s21], [sflag:s1] =	dma.local @p1 [spmem:s0], $0x2080  }
0x88: {  	s0 =	simm.s32 @p1 $0x3  }
0x89: {  	s4 =	sadd.s32 $0x1, s4;
	s1 =	stileid.u32;
	_ =	swait.ge @p1 [sflag:s0], $0x2080  }
0x8a: {  	p2 =	sne.s32 s4, s22;
	s1 =	sshll.u32 @!p1 s1, $0x6;
	[sflag:s0] =	ssyncset.done @p1 $0x0  }
0x8b: {  	[sflag:s0] =	ssyncadd.s32 @p1 $0xFFFFDF80;
	s0 =	sor.u32 @!p1 $0x1C03, s1;
	s1 =	sshrl.u32 @!p1 s9, $0x3  }
0x8c: {  	[hbm:s20], [sflag:s0] =	dma.local @!p1 [spmem:s1], $0x2780  }
.Ltmp2:
0x8d: {  	_ = 	snop;
	(pc) =	sbr.rel @p2 .LBB2_1-.Ltmp2, $4  }
0x8e: {  	s0 =	simm.s32 @!p1 $0x3  }
0x8f: {  	_ =	swait.ge @!p1 [sflag:s0], $0x2780  }
0x90: {  	[sflag:s0] =	ssyncset.done @!p1 $0x0  }
0x91: {  	[sflag:s0] =	ssyncadd.s32 @!p1 $0xFFFFD880  }
0x92: {  	_ =	sfence.sel $0x180000  }
0x93: {  	[bflag:$0x0] =	sbarrier.arrive $0xFFFF  }
0x94: {  	_ =	strace $0x9000004A  }
0x95: {  	s0 =	stileid.u32;
	[bflag:$0x2] =	sbarrier.arrive $0xFFFF  }
0x96: {  	p0 =	sne.s32 s0, $0x0;
	s0 =	rddreg [dreg:$0x2]  }
0x97: {  	s0 =	sadd.s32 @!p0 $0x100000, s0  }
0x98: {  	[sflag:s0] =	ssyncadd.tile.s32 @!p0 $0x1;
	_ =	shalt  }
.Lfunc_end2:
_tile_overlayer_lowered:
.L_overlay_start_2:
0x99: {  	(tag) =	ssettag $0x2  }
0x9a: {  	s0 =	rddreg [dreg:$0x0];
	s2 =	stileid.u32  }
0x9b: {  	s1 =	rddreg [dreg:$0x1];
	p0 =	sne.s32 s2, $0x0  }
0x9c: {  	s3 =	rddreg [dreg:$0x2];
	[bflag:$0x3] =	sbarrier.arrive $0xFFFF;
	s2 =	simm.s32 @!p0 $0x1C03  }
0x9d: {  	[timem:s3], [sflag:s2] =	dma.local @!p0 [hbm:s0], s1  }
0x9e: {  	s0 =	simm.s32 @!p0 $0x3  }
0x9f: {  	_ =	swait.ge @!p0 [sflag:s0], s1  }
0xa0: {  	s1 =	ssub.s32 @!p0 $0x0, s1;
	[sflag:s0] =	ssyncset.done @!p0 $0x0  }
0xa1: {  	[sflag:s0] =	ssyncadd.s32 @!p0 s1  }
0xa2: {  	[bflag:$0x3] =	sbarrier.arrive $0xFFFF  }
0xa3: {  	_ =	shalt  }

// kernel: kernel.14.cloned.1.call-start
scs
__scs_entry_jumppad:
0x0: {  	(pc) =	sbr.rel $0x88, $3  }
0x1: {  	(tag) =	ssettag $0x0;
	lr =	simm.s32 $0x1  }
0x2: {  	[smem:$0x3F9B] =	sst lr;
	_ =	strace $0xD0000000  }
0x3: {  	_ = 	snop  }
0x4: {  	_ = 	snop  }
0x5: {  	_ = 	snop  }
0x6: {  	_ = 	snop  }
0x7: {  	_ = 	snop  }
__scs_overlays_trampoline_lowered:
0x8: {  	[smem:$0x3FAA] =	sst s0  }
0x9: {  	[smem:$0x3FAB] =	sst s1  }
0xa: {  	[smem:$0x3FAC] =	sst s2  }
0xb: {  	[smem:$0x3FAD] =	sst s3  }
0xc: {  	[smem:$0x3FAE] =	sst s4  }
0xd: {  	[smem:$0x3FAF] =	sst s5  }
0xe: {  	[smem:$0x3FB0] =	sst s6  }
0xf: {  	[smem:$0x3FB1] =	sst s7  }
0x10: {  	[smem:$0x3FB2] =	sst s8  }
0x11: {  	[smem:$0x3FB3] =	sst s9;
	s0 =	simm.s32 @!p0 $0x0  }
0x12: {  	s1 =	sld [smem:$0x3F99];
	s0 =	simm.s32 @p0 $0x1  }
0x13: {  	[smem:$0x3FB4] =	sst s0;
	s0 =	simm.s32 @!p1 $0x0  }
0x14: {  	s2 =	sld [smem:$0x3F98];
	s0 =	simm.s32 @p1 $0x1  }
0x15: {  	[smem:$0x3FB5] =	sst s0;
	s0 =	simm.s32 @!p2 $0x0  }
0x16: {  	s3 =	sld [smem:$0x3FDB];
	s0 =	simm.s32 @p2 $0x1  }
0x17: {  	s4 =	simm.s32 $0x1BF5;
	[smem:$0x3FB7] =	sst s0  }
0x18: {  	s0 =	sld [smem:$0x3F9A];
	_ =	swait.ge [sflag:s4], $0x0  }
0x19: {  	s7 =	sld [smem:$0x3F9B]  }
0x1a: {  	s8 =	sadd.s32 $0xFFFFE003, lr  }
0x1b: {  	s9 =	sadd.s32 $0xFFFFFEF7, lr;
	s5 =	simm.s32 $0xFFFFFFFF;
	p2 =	slt.u32 s8, $0xFFFFF086  }
0x1c: {  	p1 =	slt.u32 s9, $0xF7A;
	s5 =	simm.s32 @!p2 $0x0  }
0x1d: {  	s5 =	simm.s32 @p1 $0x1;
	p0 =	seq.s32 s7, s2  }
0x1e: {  	s7 =	smul.u32 @!p0 $0xF7A, s2;
	p2 =	seq.s32 @!p0 s5, $0x0  }
0x1f: {  	s9 =	smul.u32 $0xF7A, s1;
	s8 =	simm.s32 @!p0 $0x1BF5;
	p2 =	por !p2, p0  }
0x20: {  	[sflag:s8] =	ssyncset.s32 @!p0 $0xFFFFF086;
	s6 =	sadd.s32 @!p0 s3, s7;
	s7 =	simm.s32 @!p0 $0x108  }
0x21: {  	s3 =	sadd.s32 s3, s9;
	s6 =	sadd.s32 @!p0 $0x88, s6;
	s7 =	simm.s32 @p2 $0x1082  }
0x22: {  	[simem:s7], [sflag:s8] =	dma.local @!p0 [hbm:s6], $0xF7A  }
0x23: {  	s9 =	sor.u32 $0xD0000000, s2;
	s6 =	simm.s32 $0x108;
	_ =	swait.ge @!p0 [sflag:s8], $0x0  }
0x24: {  	s3 =	sadd.s32 $0x88, s3;
	s6 =	simm.s32 @!p1 $0x1082;
	[sflag:s4] =	ssyncset.s32 $0xFFFFF086  }
0x25: {  	[simem:s6], [sflag:s4] =	dma.local [hbm:s3], $0xF7A  }
0x26: {  	[smem:$0x3F9B] =	sst s1;
	(tag) =	ssettag s2;
	_ =	strace s9  }
0x27: {  	s1 =	sld [smem:$0x3FAB]  }
0x28: {  	s2 =	sld [smem:$0x3FAC]  }
0x29: {  	s4 =	sld [smem:$0x3FAE]  }
0x2a: {  	p0 =	seq.s32 s5, $0x0;
	s5 =	sld [smem:$0x3FAF]  }
0x2b: {  	s6 =	sld [smem:$0x3FB0]  }
0x2c: {  	s7 =	sld [smem:$0x3FB1]  }
0x2d: {  	s3 =	simm.s32 $0x108;
	s8 =	sld [smem:$0x3FB2]  }
0x2e: {  	s3 =	simm.s32 @!p0 $0x1082;
	s9 =	sld [smem:$0x3FB3]  }
0x2f: {  	lr =	sadd.s32 s0, s3;
	s0 =	sld [smem:$0x3FAA]  }
0x30: {  	s3 =	sld [smem:$0x3FAD]  }
0x31: {  	[smem:$0x3FB6] =	sst s10  }
0x32: {  	s10 =	sld [smem:$0x3FB4];
	_ =	sdelay $0x3  }
0x33: {  	p0 =	seq.s32 s10, $0x1;
	s10 =	sld [smem:$0x3FB6];
	_ =	sdelay $0x3  }
0x34: {  	[smem:$0x3FB6] =	sst s10  }
0x35: {  	s10 =	sld [smem:$0x3FB5];
	_ =	sdelay $0x3  }
0x36: {  	p1 =	seq.s32 s10, $0x1;
	s10 =	sld [smem:$0x3FB6];
	_ =	sdelay $0x3  }
0x37: {  	[smem:$0x3FB6] =	sst s10  }
0x38: {  	s10 =	sld [smem:$0x3FB7]  }
0x39: {  	_ = 	snop;
	(pc) =	sbr.ind lr, $3  }
0x3a: {  	_ = 	snop  }
0x3b: {  	_ = 	snop  }
0x3c: {  	p2 =	seq.s32 s10, $0x1;
	s10 =	sld [smem:$0x3FB6]  }
0x3d: {  	_ =	shalt  }
0x3e: {  	_ =	shalt  }
0x3f: {  	_ =	shalt  }
0x40: {  	_ =	shalt  }
0x41: {  	_ =	shalt  }
0x42: {  	_ =	shalt  }
0x43: {  	_ =	shalt  }
0x44: {  	_ =	shalt  }
0x45: {  	_ =	shalt  }
0x46: {  	_ =	shalt  }
0x47: {  	_ =	shalt  }
0x48: {  	_ =	shalt  }
0x49: {  	_ =	shalt  }
0x4a: {  	_ =	shalt  }
0x4b: {  	_ =	shalt  }
0x4c: {  	_ =	shalt  }
0x4d: {  	_ =	shalt  }
0x4e: {  	_ =	shalt  }
0x4f: {  	_ =	shalt  }
0x50: {  	_ =	shalt  }
0x51: {  	_ =	shalt  }
0x52: {  	_ =	shalt  }
0x53: {  	_ =	shalt  }
0x54: {  	_ =	shalt  }
0x55: {  	_ =	shalt  }
0x56: {  	_ =	shalt  }
0x57: {  	_ =	shalt  }
0x58: {  	_ =	shalt  }
0x59: {  	_ =	shalt  }
0x5a: {  	_ =	shalt  }
0x5b: {  	_ =	shalt  }
0x5c: {  	_ =	shalt  }
0x5d: {  	_ =	shalt  }
0x5e: {  	_ =	shalt  }
0x5f: {  	_ =	shalt  }
0x60: {  	_ =	shalt  }
0x61: {  	_ =	shalt  }
0x62: {  	_ =	shalt  }
0x63: {  	_ =	shalt  }
0x64: {  	_ =	shalt  }
0x65: {  	_ =	shalt  }
0x66: {  	_ =	shalt  }
0x67: {  	_ =	shalt  }
0x68: {  	_ =	shalt  }
0x69: {  	_ =	shalt  }
0x6a: {  	_ =	shalt  }
0x6b: {  	_ =	shalt  }
0x6c: {  	_ =	shalt  }
0x6d: {  	_ =	shalt  }
0x6e: {  	_ =	shalt  }
0x6f: {  	_ =	shalt  }
0x70: {  	_ =	shalt  }
0x71: {  	_ =	shalt  }
0x72: {  	_ =	shalt  }
0x73: {  	_ =	shalt  }
0x74: {  	_ =	shalt  }
0x75: {  	_ =	shalt  }
0x76: {  	_ =	shalt  }
0x77: {  	_ =	shalt  }
0x78: {  	_ =	shalt  }
0x79: {  	_ =	shalt  }
0x7a: {  	_ =	shalt  }
0x7b: {  	_ =	shalt  }
0x7c: {  	_ =	shalt  }
0x7d: {  	_ =	shalt  }
0x7e: {  	_ =	shalt  }
0x7f: {  	_ =	shalt  }
0x80: {  	_ =	shalt  }
0x81: {  	_ =	shalt  }
0x82: {  	_ =	shalt  }
0x83: {  	_ =	shalt  }
0x84: {  	_ =	shalt  }
0x85: {  	_ =	shalt  }
0x86: {  	_ =	shalt  }
0x87: {  	_ =	shalt  }
.Lfunc_end0:
.L_simem_size_0:
called_computation.2_lowered:
.L_overlay_start_0:
0x88: {  	s2 =	sld [smem:$0x3FD9]  }
0x89: {  	s3 =	sld [smem:$0x3FFE];
	_ =	sdelay $0x1  }
0x8a: {  	s1 =	srdreg.scid  }
0x8b: {  	s0 =	sand.u32 $0x1, s1  }
0x8c: {  	s16 =	sshll.u32 s0, $0xA;
	s2 =	sadd.s32 s3, s2  }
0x8d: {  	s2 =	sadd.s32 s2, s16  }
0x8e: {  	[smem:$0x3FC2] =	sst s2  }
0x8f: {  	_ = 	snop  }
0x90: {  	(tm) =	ssettm $0x1  }
0x91: {  	s17 =	sld [smem:$0x3FFB];
	_ =	sdelay $0x3  }
0x92: {  	_ =	strace s17  }
0x93: {  	s2 =	sld [smem:$0x3FFC];
	_ =	sdelay $0x3  }
0x94: {  	_ =	strace s2  }
0x95: {  	s2 =	sld [smem:$0x3FFD];
	_ =	sdelay $0x3  }
0x96: {  	_ =	strace s2  }
0x97: {  	_ =	strace $0x8FFFFFFF  }
0x98: {  	s18 =	sld [smem:$0x3FDB];
	_ =	sdelay $0x1  }
0x99: {  	s19 =	simm.s32 $_scs_section_size  }
0x9a: {  	s4 =	simm.s32 $_size__tile_overlayer_lowered;
	s5 =	simm.s32 $_tile_overlayer_lowered  }
0x9b: {  	s22 =	simm.s32 $0x1BFF;
	s21 =	sshll.u32 s5, $0x1;
	s2 =	sadd.s32 s19, s18  }
0x9c: {  	s6 =	simm.s32 $0x0;
	s20 =	sshll.u32 s4, $0x1;
	s4 =	sadd.s32 s21, s2  }
0x9d: {  	[timem:s6], [sflag:s22] =	dma.local [hbm:s4], s20  }
0x9e: {  	_ =	swait.ge [sflag:s22], s20  }
0x9f: {  	s3 =	ssub.s32 $0x0, s20;
	[sflag:s22] =	ssyncset.done $0x0  }
0xa0: {  	[sflag:s22] =	ssyncadd.s32 s3;
	_ =	sdelay $0x1  }
0xa1: {  	s23 =	simm.s32 $0x1B8B  }
0xa2: {  	_ =	swait.ge [sflag:s23], $0x1  }
0xa3: {  	[sflag:s23] =	ssyncset.done $0x0  }
0xa4: {  	s25 =	simm.s32 $0x1B8E;
	s24 =	sld [smem:$0x3FFE];
	[sflag:s23] =	ssyncadd.s32 $0xFFFFFFFF  }
0xa5: {  	s26 =	simm.s32 $execute0_lowered;
	[smem:$0x3FD2] =	sst s25  }
0xa6: {  	s4 =	sshll.u32 s26, $0x1;
	_ =	strace $0x8000004C;
	[dreg:$0x1] =	wrdreg $0xFFFFFFFF  }
0xa7: {  	s28 =	simm.s32 $_size_execute0_lowered;
	s2 =	sadd.s32 s2, s4;
	[dreg:$0x0] =	wrdreg $0x0  }
0xa8: {  	s4 =	sshll.u32 s28, $0x1;
	[dreg:$0x2] =	wrdreg s2  }
0xa9: {  	[dreg:$0x3] =	wrdreg s4  }
0xaa: {  	[dreg:$0x4] =	wrdreg $0xC0  }
0xab: {  	_ =	task [dreg:s6], $0x5FFFF  }
0xac: {  	[dreg:$0x1] =	wrdreg $0xFFFFFFFF  }
0xad: {  	[dreg:$0x0] =	wrdreg $0x60  }
0xae: {  	[dreg:$0x2] =	wrdreg s24  }
0xaf: {  	[dreg:$0x3] =	wrdreg $0x9F800  }
0xb0: {  	[dreg:$0x4] =	wrdreg $0x9  }
0xb1: {  	_ =	task.clear_ibuf [dreg:s6], $0x5FFFF;
	_ =	strace $0x9000004C  }
0xb2: {  	s29 =	simm.s32 $0x9;
	_ =	strace $0x8000004E  }
0xb3: {  	_ =	swait.ge [sflag:s29], $0x1  }
0xb4: {  	[sflag:s29] =	ssyncadd.s32 $0xFFFFFFFF  }
0xb5: {  	_ =	strace $0x9000004E  }
0xb6: {  	_ =	sfence  }
0xb7: {  	s30 =	sld [smem:$0x0];
	_ =	sdelay $0x2  }
0xb8: {  	s31 =	sshll.u32 s1, $0xD;
	s1 =	sshrl.u32 s1, $0x2  }
0xb9: {  	s3 =	sand.u32 $0x4000, s31;
	s1 =	sadd.s32 s1, s30  }
0xba: {  	s0 =	sor.u32 s3, s0;
	s1 =	sshll.u32 s1, $0x11  }
0xbb: {  	s0 =	sor.u32 s1, s0  }
0xbc: {  	s0 =	sadd.s32 $0x8F2B, s0  }
0xbd: {  	[sflag:s0] =	ssyncadd.remote.s32 $0x1  }
0xbe: {  	_ =	sfence.sel $0xFFFF  }
0xbf: {  	[dreg:$0x0] =	wrdreg $0xFFFFFFFF;
	(pc) =	sbr.abs _section_cstart, $3  }
0xc0: {  	[dreg:$0x1] =	wrdreg $0xFFFFFFFF  }
0xc1: {  	_ =	task.clear_ibuf [dreg:s6], $0x2FFFF;
	_ =	strace $0x9FFFFFFF  }
0xc2: {  	(tm) =	ssettm $0x7FFFFFFF  }
0xc3: {  	_ =	shalt  }
tec
execute0_lowered:
.L_overlay_start_1:
0x0: {  	(tag) =	ssettag $0x1  }
0x1: {  	s9 =	rddreg [dreg:$0x0]  }
0x2: {  	s0 =	srdreg.scid;
	s1 =	rddreg [dreg:$0x1]  }
0x3: {  	s13 =	stileid.u32;
	s2 =	simm.s32 $0x0;
	s14 =	simm.s32 $0x2  }
0x4: {  	s16 =	simm.s32 $0x80;
	s4 =	sand.u32 $0x1, s0;
	s0 =	rddreg [dreg:$0x2]  }
0x5: {  	s17 =	simm.s32 $0x1;
	s18 =	simm.s32 $0x0;
	[smem:$0x7FF] =	sst s2  }
0x6: {  	s3 =	sadd.s32 $0x16800, s9;
	p1 =	sne.s32 s13, $0x0;
	s5 =	sshll.u32 s4, $0x4  }
0x7: {  	_ =	strace $0x8000004D;
	s8 =	ssub.s32 $0x2, s4;
	s4 =	sadd.s32 $0x16200, s9  }
0x8: {  	s15 =	sshrl.u32 @!p1 s1, $0x3;
	s6 =	sor.u32 s13, s5;
	s10 =	sadd.s32 s5, s9  }
0x9: {  	s31 =	sshrl.u32 s8, $0x1;
	s5 =	simm.s32 $0x14;
	s13 =	simm.s32 $0x5000  }
0xa: {  	s7 =	smul.u32 $0x500, s6;
	s11 =	ssub.s32 s8, s31;
	p0 =	seq.s32 s6, $0x1F  }
0xb: {  	s8 =	sadd.s32 $0xC100, s9;
	s10 =	sadd.s32 $0x16E00, s10;
	s5 =	simm.s32 @!p0 $0x50  }
0xc: {  	s11 =	smax.u32 s11, $0x1;
	s7 =	sadd.s32 s7, s9;
	s9 =	sadd.s32 $0x15F00, s9  }
0xd: {  	s12 =	sshll.u32 s5, $0x9;
	s6 =	sadd.s32 $0x2600, s7;
	s7 =	sadd.s32 $0xC400, s7  }
.LBB2_1:
0xe: {  	s19 =	simm.s32 @p0 $0x0;
	s20 =	simm.s32 @p0 $0x2  }
0xf: {  	[tilespmem:s19], [sflag:$0x2] =	stream.linear.gather @p0 [hbm4b:s8+s19], $0xA00, $0x38;
	[tilespmem:$0xA1F8] =	vst v63  }
0x10: {  	_ =	swait.ge @p0 [sflag:s20], $0xA00  }
0x11: {  	[sflag:s20] =	ssyncset.done @p0 $0x0  }
0x12: {  	s21 =	simm.s32 @p0 $0x2800;
	[sflag:s20] =	ssyncadd.s32 @p0 $0xFFFFF600  }
0x13: {  	[tilespmem:s21], [sflag:$0x2] =	stream.linear.gather @p0 [hbm4b:s9+s19], $0xA00, $0x38;
	[tilespmem:$0xA1F8] =	vst v63  }
0x14: {  	_ =	swait.ge @p0 [sflag:s20], $0xA00  }
0x15: {  	[sflag:s20] =	ssyncset.done @p0 $0x0  }
0x16: {  	s19 =	simm.s32 @!p0 $0x0;
	[sflag:s20] =	ssyncadd.s32 @p0 $0xFFFFF600;
	s20 =	simm.s32 @!p0 $0x2  }
0x17: {  	[tilespmem:s19], [sflag:$0x2] =	stream.linear.gather @!p0 [hbm4b:s6+s19], $0x2800, $0x38;
	[tilespmem:$0xA1F8] =	vst v63  }
0x18: {  	_ =	swait.ge @!p0 [sflag:s20], $0x2800  }
0x19: {  	[sflag:s20] =	ssyncset.done @!p0 $0x0  }
0x1a: {  	s21 =	simm.s32 @!p0 $0x2800;
	[sflag:s20] =	ssyncadd.s32 @!p0 $0xFFFFD800  }
0x1b: {  	[tilespmem:s21], [sflag:$0x2] =	stream.linear.gather @!p0 [hbm4b:s7+s19], $0x2800, $0x38;
	[tilespmem:$0xA1F8] =	vst v63  }
0x1c: {  	_ =	swait.ge @!p0 [sflag:s20], $0x2800  }
0x1d: {  	[sflag:s20] =	ssyncset.done @!p0 $0x0  }
0x1e: {  	[sflag:s20] =	ssyncadd.s32 @!p0 $0xFFFFD800  }
0x1f: {  	[tilespmem:s13], [sflag:$0x2] =	stream.linear.gather [hbm4b:s3+s2], $0x2780, $0x38;
	[tilespmem:$0xA1F8] =	vst v63  }
0x20: {  	_ =	swait.ge [sflag:s14], $0x2780  }
0x21: {  	[sflag:s14] =	ssyncset.done $0x0  }
0x22: {  	s19 =	simm.s32 @!p1 $0x1C02;
	[sflag:s14] =	ssyncadd.s32 $0xFFFFD880  }
0x23: {  	[spmem:s15], [sflag:s19] =	dma.local @!p1 [hbm:s4], $0x4F0  }
0x24: {  	s19 =	simm.s32 @!p1 $0x2  }
0x25: {  	_ =	swait.ge @!p1 [sflag:s19], $0x4F0  }
0x26: {  	s21 =	smov.u32 s5;
	[sflag:s19] =	ssyncset.done @!p1 $0x0  }
0x27: {  	s20 =	simm.s32 $0x77C0;
	[sflag:s19] =	ssyncadd.s32 @!p1 $0xFFFFFB10;
	s19 =	simm.s32 $0x40  }
.LBB2_2:
0x28: {  	v0 =	vld [tilespmem:s19+$0xFFFFFFC0];
	_ =	sdelay $0x7  }
0x29: {  	v0 =	vld.idx.msk [tilespmem:v0+s13+$0x0], $0xffff;
	_ =	sdelay $0x4  }
0x2a: {  	[tilespmem:s20+$0xFFFFFFC0] =	vst v0  }
0x2b: {  	v0 =	vld [tilespmem:s19+$0xFFFFFFD0];
	_ =	sdelay $0x7  }
0x2c: {  	v0 =	vld.idx.msk [tilespmem:v0+s13+$0x0], $0xffff;
	_ =	sdelay $0x4  }
0x2d: {  	[tilespmem:s20+$0xFFFFFFD0] =	vst v0  }
0x2e: {  	v0 =	vld [tilespmem:s19+$0xFFFFFFE0];
	_ =	sdelay $0x7  }
0x2f: {  	v0 =	vld.idx.msk [tilespmem:v0+s13+$0x0], $0xffff;
	_ =	sdelay $0x4  }
0x30: {  	[tilespmem:s20+$0xFFFFFFE0] =	vst v0  }
0x31: {  	v0 =	vld [tilespmem:s19+$0xFFFFFFF0];
	_ =	sdelay $0x7  }
0x32: {  	v0 =	vld.idx.msk [tilespmem:v0+s13+$0x0], $0xffff;
	_ =	sdelay $0x4  }
0x33: {  	[tilespmem:s20+$0xFFFFFFF0] =	vst v0  }
0x34: {  	v0 =	vld [tilespmem:s19+$0x0];
	_ =	sdelay $0x7  }
0x35: {  	v0 =	vld.idx.msk [tilespmem:v0+s13+$0x0], $0xffff;
	_ =	sdelay $0x4  }
0x36: {  	[tilespmem:s20+$0x0] =	vst v0  }
0x37: {  	v0 =	vld [tilespmem:s19+$0x10];
	_ =	sdelay $0x7  }
0x38: {  	v0 =	vld.idx.msk [tilespmem:v0+s13+$0x0], $0xffff;
	_ =	sdelay $0x4  }
0x39: {  	[tilespmem:s20+$0x10] =	vst v0  }
0x3a: {  	v0 =	vld [tilespmem:s19+$0x20];
	_ =	sdelay $0x7  }
0x3b: {  	v0 =	vld.idx.msk [tilespmem:v0+s13+$0x0], $0xffff;
	_ =	sdelay $0x4  }
0x3c: {  	[tilespmem:s20+$0x20] =	vst v0  }
0x3d: {  	v0 =	vld [tilespmem:s19+$0x30];
	_ =	sdelay $0x7  }
0x3e: {  	p2 =	sne.s32 s21, $0x1;
	v0 =	vld.idx.msk [tilespmem:v0+s13+$0x0], $0xffff  }
.Ltmp0:
0x3f: {  	_ = 	snop;
	(pc) =	sbr.rel @p2 .LBB2_2-.Ltmp0, $2  }
0x40: {  	_ =	sdelay $0x2  }
0x41: {  	s21 =	sadd.s32 $0xFFFFFFFF, s21;
	s19 =	sadd.s32 $0x80, s19;
	[tilespmem:s20+$0x30] =	vst v0;
	s20 =	sadd.s32 $0x80, s20  }
0x42: {  	p3 =	sne.s32 s12, $0x800  }
.Ltmp1:
0x43: {  	_ = 	snop;
	(pc) =	sbr.rel @!p3 .LBB2_6-.Ltmp1, $3  }
0x44: {  	_ =	sdelay $0x1  }
0x45: {  	[bflag:$0x0] =	sbarrier.arrive $0xFFFF  }
0x46: {  	s20 =	simm.s32 $0x0;
	p2 =	por $0x0, $0x0  }
0x47: {  	s19 =	simm.s32 $0x7780;
	s20 =	simm.s32 $0x2800  }
0x48: {  	[spmem:s1] =	stream.indirect.scatter.add.f32 [tilespmem:s19], [sflag:$0x1], $0x1, s20, s16, $0xb8;
	[tilespmem:$0xA1F8] =	vst v63  }
0x49: {  	s25 =	simm.s32 $0x7800;
	s26 =	simm.s32 $0x2880  }
0x4a: {  	[spmem:s1] =	stream.indirect.scatter.add.f32 [tilespmem:s25], [sflag:$0x1], $0x1, s26, s16, $0xb8;
	[tilespmem:$0xA1F8] =	vst v63  }
0x4b: {  	s28 =	simm.s32 $0x7880;
	s29 =	simm.s32 $0x2900  }
0x4c: {  	[spmem:s1] =	stream.indirect.scatter.add.f32 [tilespmem:s28], [sflag:$0x1], $0x1, s29, s16, $0xb8;
	[tilespmem:$0xA1F8] =	vst v63  }
0x4d: {  	s30 =	simm.s32 $0x7900;
	s31 =	simm.s32 $0x2980  }
0x4e: {  	[spmem:s1] =	stream.indirect.scatter.add.f32 [tilespmem:s30], [sflag:$0x1], $0x1, s31, s16, $0xb8;
	[tilespmem:$0xA1F8] =	vst v63  }
0x4f: {  	_ =	swait.ge [sflag:s17], $0x80  }
0x50: {  	[sflag:s17] =	ssyncset.done $0x0  }
0x51: {  	[sflag:s17] =	ssyncadd.s32 $0xFFFFFF80  }
0x52: {  	_ =	swait.ge [sflag:s17], $0x80  }
0x53: {  	[sflag:s17] =	ssyncset.done $0x0  }
0x54: {  	p3 =	sne.s32 s12, $0x1000;
	[sflag:s17] =	ssyncadd.s32 $0xFFFFFF80  }
.Ltmp2:
0x55: {  	_ =	swait.ge [sflag:s17], $0x80;
	(pc) =	sbr.rel @!p3 .LBB2_6-.Ltmp2, $4  }
0x56: {  	[sflag:s17] =	ssyncset.done $0x0  }
0x57: {  	[sflag:s17] =	ssyncadd.s32 $0xFFFFFF80  }
0x58: {  	p2 =	por $0x1, $0x1;
	_ =	swait.ge [sflag:s17], $0x80  }
0x59: {  	s19 =	simm.s32 $0x1000;
	s20 =	simm.s32 $0x200;
	[sflag:s17] =	ssyncset.done $0x0  }
.LBB2_5:
0x5a: {  	s21 =	sadd.s32 $0x7780, s20  }
0x5b: {  	s22 =	sadd.s32 $0x2800, s20;
	[sflag:s17] =	ssyncadd.s32 $0xFFFFFF80;
	s23 =	smov.u32 s19  }
0x5c: {  	[spmem:s1] =	stream.indirect.scatter.add.f32 [tilespmem:s21], [sflag:$0x1], $0x1, s22, s16, $0xb8;
	[tilespmem:$0xA1F8] =	vst v63  }
0x5d: {  	s19 =	sadd.s32 $0x800, s19;
	s21 =	sadd.s32 $0x7800, s20;
	s22 =	sadd.s32 $0x2880, s20  }
0x5e: {  	[spmem:s1] =	stream.indirect.scatter.add.f32 [tilespmem:s21], [sflag:$0x1], $0x1, s22, s16, $0xb8;
	[tilespmem:$0xA1F8] =	vst v63  }
0x5f: {  	p3 =	sne.s32 s12, s19;
	s21 =	sadd.s32 $0x7880, s20;
	s22 =	sadd.s32 $0x2900, s20  }
0x60: {  	[spmem:s1] =	stream.indirect.scatter.add.f32 [tilespmem:s21], [sflag:$0x1], $0x1, s22, s16, $0xb8;
	[tilespmem:$0xA1F8] =	vst v63  }
0x61: {  	s21 =	sadd.s32 $0x7900, s20;
	s20 =	sadd.s32 $0x2980, s20  }
0x62: {  	[spmem:s1] =	stream.indirect.scatter.add.f32 [tilespmem:s21], [sflag:$0x1], $0x1, s20, s16, $0xb8;
	[tilespmem:$0xA1F8] =	vst v63  }
0x63: {  	_ =	swait.ge [sflag:s17], $0x80  }
0x64: {  	[sflag:s17] =	ssyncset.done $0x0  }
0x65: {  	[sflag:s17] =	ssyncadd.s32 $0xFFFFFF80  }
0x66: {  	_ =	swait.ge [sflag:s17], $0x80  }
0x67: {  	[sflag:s17] =	ssyncset.done $0x0  }
0x68: {  	[sflag:s17] =	ssyncadd.s32 $0xFFFFFF80  }
.Ltmp3:
0x69: {  	_ =	swait.ge [sflag:s17], $0x80;
	(pc) =	sbr.rel @p3 .LBB2_5-.Ltmp3, $4  }
0x6a: {  	[sflag:s17] =	ssyncset.done $0x0  }
0x6b: {  	[sflag:s17] =	ssyncadd.s32 $0xFFFFFF80  }
0x6c: {  	_ =	swait.ge [sflag:s17], $0x80  }
0x6d: {  	s20 =	sshra.s32 s23, $0x2;
	[sflag:s17] =	ssyncset.done $0x0  }
.LBB2_6:
0x6e: {  	s19 =	sadd.s32 $0x7780, s20;
	s21 =	sadd.s32 $0x2800, s20;
	[sflag:s17] =	ssyncadd.s32 @p2 $0xFFFFFF80  }
0x6f: {  	[spmem:s1] =	stream.indirect.scatter.add.f32 [tilespmem:s19], [sflag:$0x1], $0x1, s21, s16, $0xb8;
	[tilespmem:$0xA1F8] =	vst v63  }
0x70: {  	s25 =	sadd.s32 $0x7800, s20;
	s26 =	sadd.s32 $0x2880, s20  }
0x71: {  	[spmem:s1] =	stream.indirect.scatter.add.f32 [tilespmem:s25], [sflag:$0x1], $0x1, s26, s16, $0xb8;
	[tilespmem:$0xA1F8] =	vst v63  }
0x72: {  	s28 =	sadd.s32 $0x7880, s20;
	s29 =	sadd.s32 $0x2900, s20  }
0x73: {  	[spmem:s1] =	stream.indirect.scatter.add.f32 [tilespmem:s28], [sflag:$0x1], $0x1, s29, s16, $0xb8;
	[tilespmem:$0xA1F8] =	vst v63  }
0x74: {  	s30 =	sadd.s32 $0x7900, s20;
	s31 =	sadd.s32 $0x2980, s20  }
0x75: {  	[spmem:s1] =	stream.indirect.scatter.add.f32 [tilespmem:s30], [sflag:$0x1], $0x1, s31, s16, $0xb8;
	[tilespmem:$0xA1F8] =	vst v63  }
0x76: {  	_ =	swait.ge [sflag:s17], $0x80  }
0x77: {  	[sflag:s17] =	ssyncset.done $0x0  }
0x78: {  	[sflag:s17] =	ssyncadd.s32 $0xFFFFFF80  }
0x79: {  	_ =	swait.ge [sflag:s17], $0x80  }
0x7a: {  	[sflag:s17] =	ssyncset.done $0x0  }
0x7b: {  	[sflag:s17] =	ssyncadd.s32 $0xFFFFFF80  }
0x7c: {  	_ =	swait.ge [sflag:s17], $0x80  }
0x7d: {  	[sflag:s17] =	ssyncset.done $0x0  }
0x7e: {  	[sflag:s17] =	ssyncadd.s32 $0xFFFFFF80  }
0x7f: {  	_ =	swait.ge [sflag:s17], $0x80  }
0x80: {  	s20 =	simm.s32 @!p1 $0x20;
	s22 =	simm.s32 @!p1 $0x1C02;
	[sflag:s17] =	ssyncset.done $0x0  }
0x81: {  	s18 =	sadd.s32 $0x1, s18;
	s19 =	simm.s32 @!p1 $0x1;
	[sflag:s17] =	ssyncadd.s32 $0xFFFFFF80  }
0x82: {  	s21 =	simm.s32 @!p1 $0x10;
	p2 =	sne.s32 s18, s11;
	[bflag:$0x0] =	sbarrier.arrive $0xFFFF  }
0x83: {  	[hbm:s10@s20], [sflag:s22] =	dma.strided @!p1 [spmem:s15@s21], $0x4F0, s19, $0x10   }
.Ltmp4:
0x84: {  	_ = 	snop;
	(pc) =	sbr.rel @p2 .LBB2_1-.Ltmp4, $4  }
0x85: {  	s19 =	simm.s32 @!p1 $0x2  }
0x86: {  	_ =	swait.ge @!p1 [sflag:s19], $0x4F0  }
0x87: {  	[sflag:s19] =	ssyncset.done @!p1 $0x0  }
0x88: {  	[sflag:s19] =	ssyncadd.s32 @!p1 $0xFFFFFB10  }
0x89: {  	_ =	sfence.sel $0x180000  }
0x8a: {  	[bflag:$0x0] =	sbarrier.arrive $0xFFFF  }
0x8b: {  	_ =	strace $0x9000004D  }
0x8c: {  	s0 =	sadd.s32 @!p1 $0x100000, s0;
	[bflag:$0x2] =	sbarrier.arrive $0xFFFF  }
0x8d: {  	[sflag:s0] =	ssyncadd.tile.s32 @!p1 $0x1;
	_ =	shalt  }
.Lfunc_end2:
_tile_overlayer_lowered:
.L_overlay_start_2:
0x8e: {  	(tag) =	ssettag $0x2  }
0x8f: {  	s0 =	rddreg [dreg:$0x0];
	s2 =	stileid.u32  }
0x90: {  	s1 =	rddreg [dreg:$0x1];
	p0 =	sne.s32 s2, $0x0  }
0x91: {  	s3 =	rddreg [dreg:$0x2];
	[bflag:$0x3] =	sbarrier.arrive $0xFFFF;
	s2 =	simm.s32 @!p0 $0x1C02  }
0x92: {  	[timem:s3], [sflag:s2] =	dma.local @!p0 [hbm:s0], s1  }
0x93: {  	s0 =	simm.s32 @!p0 $0x2  }
0x94: {  	_ =	swait.ge @!p0 [sflag:s0], s1  }
0x95: {  	s1 =	ssub.s32 @!p0 $0x0, s1;
	[sflag:s0] =	ssyncset.done @!p0 $0x0  }
0x96: {  	[sflag:s0] =	ssyncadd.s32 @!p0 s1  }
0x97: {  	[bflag:$0x3] =	sbarrier.arrive $0xFFFF  }
0x98: {  	_ =	shalt  }

// kernel: kernel.8.cloned.1.call-start
scs
__scs_entry_jumppad:
0x0: {  	(pc) =	sbr.rel $0x88, $3  }
0x1: {  	(tag) =	ssettag $0x0;
	lr =	simm.s32 $0x1  }
0x2: {  	[smem:$0x3F9B] =	sst lr;
	_ =	strace $0xD0000000  }
0x3: {  	_ = 	snop  }
0x4: {  	_ = 	snop  }
0x5: {  	_ = 	snop  }
0x6: {  	_ = 	snop  }
0x7: {  	_ = 	snop  }
__scs_overlays_trampoline_lowered:
0x8: {  	[smem:$0x3FAA] =	sst s0  }
0x9: {  	[smem:$0x3FAB] =	sst s1  }
0xa: {  	[smem:$0x3FAC] =	sst s2  }
0xb: {  	[smem:$0x3FAD] =	sst s3  }
0xc: {  	[smem:$0x3FAE] =	sst s4  }
0xd: {  	[smem:$0x3FAF] =	sst s5  }
0xe: {  	[smem:$0x3FB0] =	sst s6  }
0xf: {  	[smem:$0x3FB1] =	sst s7  }
0x10: {  	[smem:$0x3FB2] =	sst s8  }
0x11: {  	[smem:$0x3FB3] =	sst s9;
	s0 =	simm.s32 @!p0 $0x0  }
0x12: {  	s1 =	sld [smem:$0x3F99];
	s0 =	simm.s32 @p0 $0x1  }
0x13: {  	[smem:$0x3FB4] =	sst s0;
	s0 =	simm.s32 @!p1 $0x0  }
0x14: {  	s2 =	sld [smem:$0x3F98];
	s0 =	simm.s32 @p1 $0x1  }
0x15: {  	[smem:$0x3FB5] =	sst s0;
	s0 =	simm.s32 @!p2 $0x0  }
0x16: {  	s3 =	sld [smem:$0x3FDB];
	s0 =	simm.s32 @p2 $0x1  }
0x17: {  	s4 =	simm.s32 $0x1BF5;
	[smem:$0x3FB7] =	sst s0  }
0x18: {  	s0 =	sld [smem:$0x3F9A];
	_ =	swait.ge [sflag:s4], $0x0  }
0x19: {  	s7 =	sld [smem:$0x3F9B]  }
0x1a: {  	s8 =	sadd.s32 $0xFFFFE003, lr  }
0x1b: {  	s9 =	sadd.s32 $0xFFFFFEF7, lr;
	s5 =	simm.s32 $0xFFFFFFFF;
	p2 =	slt.u32 s8, $0xFFFFF086  }
0x1c: {  	p1 =	slt.u32 s9, $0xF7A;
	s5 =	simm.s32 @!p2 $0x0  }
0x1d: {  	s5 =	simm.s32 @p1 $0x1;
	p0 =	seq.s32 s7, s2  }
0x1e: {  	s7 =	smul.u32 @!p0 $0xF7A, s2;
	p2 =	seq.s32 @!p0 s5, $0x0  }
0x1f: {  	s9 =	smul.u32 $0xF7A, s1;
	s8 =	simm.s32 @!p0 $0x1BF5;
	p2 =	por !p2, p0  }
0x20: {  	[sflag:s8] =	ssyncset.s32 @!p0 $0xFFFFF086;
	s6 =	sadd.s32 @!p0 s3, s7;
	s7 =	simm.s32 @!p0 $0x108  }
0x21: {  	s3 =	sadd.s32 s3, s9;
	s6 =	sadd.s32 @!p0 $0x88, s6;
	s7 =	simm.s32 @p2 $0x1082  }
0x22: {  	[simem:s7], [sflag:s8] =	dma.local @!p0 [hbm:s6], $0xF7A  }
0x23: {  	s9 =	sor.u32 $0xD0000000, s2;
	s6 =	simm.s32 $0x108;
	_ =	swait.ge @!p0 [sflag:s8], $0x0  }
0x24: {  	s3 =	sadd.s32 $0x88, s3;
	s6 =	simm.s32 @!p1 $0x1082;
	[sflag:s4] =	ssyncset.s32 $0xFFFFF086  }
0x25: {  	[simem:s6], [sflag:s4] =	dma.local [hbm:s3], $0xF7A  }
0x26: {  	[smem:$0x3F9B] =	sst s1;
	(tag) =	ssettag s2;
	_ =	strace s9  }
0x27: {  	s1 =	sld [smem:$0x3FAB]  }
0x28: {  	s2 =	sld [smem:$0x3FAC]  }
0x29: {  	s4 =	sld [smem:$0x3FAE]  }
0x2a: {  	p0 =	seq.s32 s5, $0x0;
	s5 =	sld [smem:$0x3FAF]  }
0x2b: {  	s6 =	sld [smem:$0x3FB0]  }
0x2c: {  	s7 =	sld [smem:$0x3FB1]  }
0x2d: {  	s3 =	simm.s32 $0x108;
	s8 =	sld [smem:$0x3FB2]  }
0x2e: {  	s3 =	simm.s32 @!p0 $0x1082;
	s9 =	sld [smem:$0x3FB3]  }
0x2f: {  	lr =	sadd.s32 s0, s3;
	s0 =	sld [smem:$0x3FAA]  }
0x30: {  	s3 =	sld [smem:$0x3FAD]  }
0x31: {  	[smem:$0x3FB6] =	sst s10  }
0x32: {  	s10 =	sld [smem:$0x3FB4];
	_ =	sdelay $0x3  }
0x33: {  	p0 =	seq.s32 s10, $0x1;
	s10 =	sld [smem:$0x3FB6];
	_ =	sdelay $0x3  }
0x34: {  	[smem:$0x3FB6] =	sst s10  }
0x35: {  	s10 =	sld [smem:$0x3FB5];
	_ =	sdelay $0x3  }
0x36: {  	p1 =	seq.s32 s10, $0x1;
	s10 =	sld [smem:$0x3FB6];
	_ =	sdelay $0x3  }
0x37: {  	[smem:$0x3FB6] =	sst s10  }
0x38: {  	s10 =	sld [smem:$0x3FB7]  }
0x39: {  	_ = 	snop;
	(pc) =	sbr.ind lr, $3  }
0x3a: {  	_ = 	snop  }
0x3b: {  	_ = 	snop  }
0x3c: {  	p2 =	seq.s32 s10, $0x1;
	s10 =	sld [smem:$0x3FB6]  }
0x3d: {  	_ =	shalt  }
0x3e: {  	_ =	shalt  }
0x3f: {  	_ =	shalt  }
0x40: {  	_ =	shalt  }
0x41: {  	_ =	shalt  }
0x42: {  	_ =	shalt  }
0x43: {  	_ =	shalt  }
0x44: {  	_ =	shalt  }
0x45: {  	_ =	shalt  }
0x46: {  	_ =	shalt  }
0x47: {  	_ =	shalt  }
0x48: {  	_ =	shalt  }
0x49: {  	_ =	shalt  }
0x4a: {  	_ =	shalt  }
0x4b: {  	_ =	shalt  }
0x4c: {  	_ =	shalt  }
0x4d: {  	_ =	shalt  }
0x4e: {  	_ =	shalt  }
0x4f: {  	_ =	shalt  }
0x50: {  	_ =	shalt  }
0x51: {  	_ =	shalt  }
0x52: {  	_ =	shalt  }
0x53: {  	_ =	shalt  }
0x54: {  	_ =	shalt  }
0x55: {  	_ =	shalt  }
0x56: {  	_ =	shalt  }
0x57: {  	_ =	shalt  }
0x58: {  	_ =	shalt  }
0x59: {  	_ =	shalt  }
0x5a: {  	_ =	shalt  }
0x5b: {  	_ =	shalt  }
0x5c: {  	_ =	shalt  }
0x5d: {  	_ =	shalt  }
0x5e: {  	_ =	shalt  }
0x5f: {  	_ =	shalt  }
0x60: {  	_ =	shalt  }
0x61: {  	_ =	shalt  }
0x62: {  	_ =	shalt  }
0x63: {  	_ =	shalt  }
0x64: {  	_ =	shalt  }
0x65: {  	_ =	shalt  }
0x66: {  	_ =	shalt  }
0x67: {  	_ =	shalt  }
0x68: {  	_ =	shalt  }
0x69: {  	_ =	shalt  }
0x6a: {  	_ =	shalt  }
0x6b: {  	_ =	shalt  }
0x6c: {  	_ =	shalt  }
0x6d: {  	_ =	shalt  }
0x6e: {  	_ =	shalt  }
0x6f: {  	_ =	shalt  }
0x70: {  	_ =	shalt  }
0x71: {  	_ =	shalt  }
0x72: {  	_ =	shalt  }
0x73: {  	_ =	shalt  }
0x74: {  	_ =	shalt  }
0x75: {  	_ =	shalt  }
0x76: {  	_ =	shalt  }
0x77: {  	_ =	shalt  }
0x78: {  	_ =	shalt  }
0x79: {  	_ =	shalt  }
0x7a: {  	_ =	shalt  }
0x7b: {  	_ =	shalt  }
0x7c: {  	_ =	shalt  }
0x7d: {  	_ =	shalt  }
0x7e: {  	_ =	shalt  }
0x7f: {  	_ =	shalt  }
0x80: {  	_ =	shalt  }
0x81: {  	_ =	shalt  }
0x82: {  	_ =	shalt  }
0x83: {  	_ =	shalt  }
0x84: {  	_ =	shalt  }
0x85: {  	_ =	shalt  }
0x86: {  	_ =	shalt  }
0x87: {  	_ =	shalt  }
.Lfunc_end0:
.L_simem_size_0:
called_computation_lowered:
.L_overlay_start_0:
0x88: {  	s2 =	sld [smem:$0x3FD9]  }
0x89: {  	s3 =	sld [smem:$0x3FFE];
	_ =	sdelay $0x1  }
0x8a: {  	s1 =	srdreg.scid  }
0x8b: {  	s0 =	sand.u32 $0x1, s1  }
0x8c: {  	s17 =	sshll.u32 s0, $0xA;
	s2 =	sadd.s32 s3, s2  }
0x8d: {  	s2 =	sadd.s32 s2, s17  }
0x8e: {  	[smem:$0x3FC2] =	sst s2  }
0x8f: {  	_ = 	snop  }
0x90: {  	s2 =	sld [smem:$0x3FD0];
	(tm) =	ssettm $0x1  }
0x91: {  	s18 =	sld [smem:$0x3FFB];
	_ =	sdelay $0x3  }
0x92: {  	_ =	strace s18  }
0x93: {  	s3 =	sld [smem:$0x3FFC];
	_ =	sdelay $0x3  }
0x94: {  	_ =	strace s3  }
0x95: {  	s3 =	sld [smem:$0x3FFD];
	_ =	sdelay $0x3  }
0x96: {  	_ =	strace s3  }
0x97: {  	_ =	strace $0x8FFFFFFF  }
0x98: {  	s19 =	sld [smem:$0x3FDB];
	_ =	sdelay $0x1  }
0x99: {  	s4 =	simm.s32 $_scs_section_size  }
0x9a: {  	s5 =	simm.s32 $_size__tile_overlayer_lowered;
	s6 =	simm.s32 $_tile_overlayer_lowered  }
0x9b: {  	s22 =	simm.s32 $0x1BFF;
	s21 =	sshll.u32 s6, $0x1;
	s3 =	sadd.s32 s4, s19  }
0x9c: {  	s7 =	simm.s32 $0x0;
	s20 =	sshll.u32 s5, $0x1;
	s5 =	sadd.s32 s21, s3  }
0x9d: {  	[timem:s7], [sflag:s22] =	dma.local [hbm:s5], s20  }
0x9e: {  	_ =	swait.ge [sflag:s22], s20  }
0x9f: {  	s4 =	ssub.s32 $0x0, s20;
	[sflag:s22] =	ssyncset.done $0x0  }
0xa0: {  	[sflag:s22] =	ssyncadd.s32 s4;
	_ =	sdelay $0x1  }
0xa1: {  	s23 =	simm.s32 $0x1B8B  }
0xa2: {  	_ =	swait.ge [sflag:s23], $0x1  }
0xa3: {  	[sflag:s23] =	ssyncset.done $0x0  }
0xa4: {  	s25 =	simm.s32 $0x1B8E;
	s24 =	sld [smem:$0x3FFE];
	[sflag:s23] =	ssyncadd.s32 $0xFFFFFFFF  }
0xa5: {  	s26 =	simm.s32 $execute0_lowered;
	[smem:$0x3FD2] =	sst s25  }
0xa6: {  	s5 =	sshll.u32 s26, $0x1;
	_ =	strace $0x80000046;
	[dreg:$0x1] =	wrdreg $0xFFFFFFFF  }
0xa7: {  	s28 =	simm.s32 $_size_execute0_lowered;
	s3 =	sadd.s32 s3, s5;
	[dreg:$0x0] =	wrdreg $0x0  }
0xa8: {  	s5 =	sshll.u32 s28, $0x1;
	[dreg:$0x2] =	wrdreg s3  }
0xa9: {  	[dreg:$0x3] =	wrdreg s5  }
0xaa: {  	[dreg:$0x4] =	wrdreg $0xC0  }
0xab: {  	_ =	task [dreg:s7], $0x5FFFF  }
0xac: {  	[dreg:$0x1] =	wrdreg $0xFFFFFFFF  }
0xad: {  	[dreg:$0x0] =	wrdreg $0x60  }
0xae: {  	[dreg:$0x2] =	wrdreg s24  }
0xaf: {  	[dreg:$0x3] =	wrdreg s2  }
0xb0: {  	[dreg:$0x4] =	wrdreg $0x28800  }
0xb1: {  	[dreg:$0x5] =	wrdreg $0x9  }
0xb2: {  	_ =	task.clear_ibuf [dreg:s7], $0x6FFFF;
	_ =	strace $0x90000046  }
0xb3: {  	s29 =	simm.s32 $0x9;
	_ =	strace $0x80000048  }
0xb4: {  	_ =	swait.ge [sflag:s29], $0x1  }
0xb5: {  	[sflag:s29] =	ssyncadd.s32 $0xFFFFFFFF  }
0xb6: {  	_ =	strace $0x90000048  }
0xb7: {  	_ =	sfence  }
0xb8: {  	s30 =	sld [smem:$0x0];
	_ =	sdelay $0x2  }
0xb9: {  	s31 =	sshll.u32 s1, $0xD;
	s1 =	sshrl.u32 s1, $0x2  }
0xba: {  	s3 =	sand.u32 $0x4000, s31;
	s1 =	sadd.s32 s1, s30  }
0xbb: {  	s0 =	sor.u32 s3, s0;
	s1 =	sshll.u32 s1, $0x11  }
0xbc: {  	s0 =	sor.u32 s1, s0  }
0xbd: {  	s0 =	sadd.s32 $0x8F2B, s0  }
0xbe: {  	[sflag:s0] =	ssyncadd.remote.s32 $0x1  }
0xbf: {  	_ =	sfence.sel $0xFFFF  }
0xc0: {  	[dreg:$0x0] =	wrdreg $0xFFFFFFFF;
	(pc) =	sbr.abs _section_cstart, $3  }
0xc1: {  	[dreg:$0x1] =	wrdreg $0xFFFFFFFF  }
0xc2: {  	_ =	task.clear_ibuf [dreg:s7], $0x2FFFF;
	_ =	strace $0x9FFFFFFF  }
0xc3: {  	(tm) =	ssettm $0x7FFFFFFF  }
tec
execute0_lowered:
.L_overlay_start_1:
0x0: {  	(tag) =	ssettag $0x1  }
0x1: {  	s7 =	rddreg [dreg:$0x0]  }
0x2: {  	s0 =	srdreg.scid;
	s1 =	rddreg [dreg:$0x1]  }
0x3: {  	s10 =	stileid.u32;
	s2 =	rddreg [dreg:$0x2];
	s3 =	simm.s32 $0x0  }
0x4: {  	s13 =	simm.s32 $0x80;
	s4 =	sand.u32 $0x1, s0;
	s0 =	rddreg [dreg:$0x3]  }
0x5: {  	s14 =	simm.s32 $0x1;
	s15 =	simm.s32 $0x0;
	[smem:$0x7FF] =	sst s3  }
0x6: {  	p1 =	sne.s32 s10, $0x0;
	s5 =	sshll.u32 s4, $0x4;
	_ =	strace $0x80000047  }
0x7: {  	s9 =	ssub.s32 $0x2, s4;
	s4 =	sadd.s32 $0x16200, s7;
	s12 =	sshrl.u32 @!p1 s2, $0x3  }
0x8: {  	s6 =	sor.u32 s10, s5;
	s11 =	sadd.s32 s5, s7;
	s31 =	sshrl.u32 s9, $0x1  }
0x9: {  	s5 =	simm.s32 $0x5;
	s8 =	smul.u32 $0x500, s6;
	p0 =	seq.s32 s6, $0x1F  }
0xa: {  	s10 =	simm.s32 $0x2800;
	s9 =	ssub.s32 s9, s31;
	s5 =	simm.s32 @!p0 $0x14  }
0xb: {  	s9 =	smax.u32 s9, $0x1;
	s8 =	sadd.s32 s8, s7;
	s7 =	sadd.s32 $0x15F00, s7  }
0xc: {  	s6 =	sadd.s32 $0xC400, s8;
	s8 =	sadd.s32 $0x16800, s11;
	s11 =	simm.s32 $0x2  }
.LBB2_1:
0xd: {  	s16 =	simm.s32 @p0 $0x0  }
0xe: {  	[tilespmem:s16], [sflag:$0x2] =	stream.linear.gather @p0 [hbm4b:s7+s16], $0xA00, $0x38;
	[tilespmem:$0x2AF8] =	vst v63  }
0xf: {  	s16 =	simm.s32 @p0 $0x2  }
0x10: {  	_ =	swait.ge @p0 [sflag:s16], $0xA00  }
0x11: {  	[sflag:s16] =	ssyncset.done @p0 $0x0  }
0x12: {  	[sflag:s16] =	ssyncadd.s32 @p0 $0xFFFFF600;
	s16 =	simm.s32 @!p0 $0x0  }
0x13: {  	[tilespmem:s16], [sflag:$0x2] =	stream.linear.gather @!p0 [hbm4b:s6+s16], $0x2800, $0x38;
	[tilespmem:$0x2AF8] =	vst v63  }
0x14: {  	s16 =	simm.s32 @!p0 $0x2  }
0x15: {  	_ =	swait.ge @!p0 [sflag:s16], $0x2800  }
0x16: {  	[sflag:s16] =	ssyncset.done @!p0 $0x0  }
0x17: {  	[sflag:s16] =	ssyncadd.s32 @!p0 $0xFFFFD800  }
0x18: {  	[tilespmem:s10], [sflag:$0x2] =	stream.linear.gather [hbm4b:s1+s3], $0x80, $0x38;
	[tilespmem:$0x2AF8] =	vst v63  }
0x19: {  	_ =	swait.ge [sflag:s11], $0x80  }
0x1a: {  	s17 =	simm.s32 @!p1 $0x1C02;
	[sflag:s11] =	ssyncset.done $0x0  }
0x1b: {  	p3 =	sne.s32 s5, $0x1;
	s16 =	simm.s32 @!p1 $0x2;
	[sflag:s11] =	ssyncadd.s32 $0xFFFFFF80  }
0x1c: {  	[spmem:s12], [sflag:s17] =	dma.local @!p1 [hbm:s4], $0x4F0  }
.Ltmp0:
0x1d: {  	_ =	swait.ge @!p1 [sflag:s16], $0x4F0;
	(pc) =	sbr.rel @!p3 .LBB2_4-.Ltmp0, $4  }
0x1e: {  	[sflag:s16] =	ssyncset.done @!p1 $0x0  }
0x1f: {  	[sflag:s16] =	ssyncadd.s32 @!p1 $0xFFFFFB10  }
0x20: {  	[bflag:$0x0] =	sbarrier.arrive $0xFFFF  }
0x21: {  	s18 =	simm.s32 $0x180;
	s19 =	sadd.s32 $0xFFFFFFFF, s5;
	p2 =	por $0x0, $0x0  }
0x22: {  	s20 =	simm.s32 $0x0  }
0x23: {  	[spmem:s2] =	stream.indirect.scatter.add.f32 [tilespmem:s10], [sflag:$0x1], $0x1, s20, s13, $0xb8;
	[tilespmem:$0x2AF8] =	vst v63  }
0x24: {  	s30 =	simm.s32 $0x80  }
0x25: {  	[spmem:s2] =	stream.indirect.scatter.add.f32 [tilespmem:s10], [sflag:$0x1], $0x1, s30, s13, $0xb8;
	[tilespmem:$0x2AF8] =	vst v63  }
0x26: {  	s31 =	simm.s32 $0x100  }
0x27: {  	[spmem:s2] =	stream.indirect.scatter.add.f32 [tilespmem:s10], [sflag:$0x1], $0x1, s31, s13, $0xb8;
	[tilespmem:$0x2AF8] =	vst v63  }
0x28: {  	_ = 	snop  }
0x29: {  	[spmem:s2] =	stream.indirect.scatter.add.f32 [tilespmem:s10], [sflag:$0x1], $0x1, s18, s13, $0xb8;
	[tilespmem:$0x2AF8] =	vst v63  }
0x2a: {  	_ =	swait.ge [sflag:s14], $0x80  }
0x2b: {  	[sflag:s14] =	ssyncset.done $0x0  }
0x2c: {  	[sflag:s14] =	ssyncadd.s32 $0xFFFFFF80  }
0x2d: {  	_ =	swait.ge [sflag:s14], $0x80  }
0x2e: {  	[sflag:s14] =	ssyncset.done $0x0  }
0x2f: {  	p3 =	sne.s32 s19, $0x1;
	[sflag:s14] =	ssyncadd.s32 $0xFFFFFF80  }
.Ltmp1:
0x30: {  	_ =	swait.ge [sflag:s14], $0x80;
	(pc) =	sbr.rel @!p3 .LBB2_4-.Ltmp1, $4  }
0x31: {  	[sflag:s14] =	ssyncset.done $0x0  }
0x32: {  	[sflag:s14] =	ssyncadd.s32 $0xFFFFFF80  }
0x33: {  	s19 =	sadd.s32 $0xFFFFFFFF, s19;
	_ =	swait.ge [sflag:s14], $0x80  }
0x34: {  	p2 =	por $0x1, $0x1;
	s18 =	simm.s32 $0x380;
	[sflag:s14] =	ssyncset.done $0x0  }
.LBB2_3:
0x35: {  	p3 =	sne.s32 s19, $0x1;
	s20 =	sadd.s32 $0xFFFFFE80, s18;
	[sflag:s14] =	ssyncadd.s32 $0xFFFFFF80  }
0x36: {  	[spmem:s2] =	stream.indirect.scatter.add.f32 [tilespmem:s10], [sflag:$0x1], $0x1, s20, s13, $0xb8;
	[tilespmem:$0x2AF8] =	vst v63  }
0x37: {  	s19 =	sadd.s32 $0xFFFFFFFF, s19;
	s20 =	sadd.s32 $0xFFFFFF00, s18  }
0x38: {  	[spmem:s2] =	stream.indirect.scatter.add.f32 [tilespmem:s10], [sflag:$0x1], $0x1, s20, s13, $0xb8;
	[tilespmem:$0x2AF8] =	vst v63  }
0x39: {  	s20 =	sadd.s32 $0xFFFFFF80, s18  }
0x3a: {  	[spmem:s2] =	stream.indirect.scatter.add.f32 [tilespmem:s10], [sflag:$0x1], $0x1, s20, s13, $0xb8;
	[tilespmem:$0x2AF8] =	vst v63  }
0x3b: {  	_ = 	snop  }
0x3c: {  	[spmem:s2] =	stream.indirect.scatter.add.f32 [tilespmem:s10], [sflag:$0x1], $0x1, s18, s13, $0xb8;
	[tilespmem:$0x2AF8] =	vst v63  }
0x3d: {  	_ =	swait.ge [sflag:s14], $0x80  }
0x3e: {  	[sflag:s14] =	ssyncset.done $0x0  }
0x3f: {  	[sflag:s14] =	ssyncadd.s32 $0xFFFFFF80  }
0x40: {  	_ =	swait.ge [sflag:s14], $0x80  }
0x41: {  	[sflag:s14] =	ssyncset.done $0x0  }
0x42: {  	[sflag:s14] =	ssyncadd.s32 $0xFFFFFF80  }
.Ltmp2:
0x43: {  	_ =	swait.ge [sflag:s14], $0x80;
	(pc) =	sbr.rel @p3 .LBB2_3-.Ltmp2, $4  }
0x44: {  	[sflag:s14] =	ssyncset.done $0x0  }
0x45: {  	[sflag:s14] =	ssyncadd.s32 $0xFFFFFF80  }
0x46: {  	_ =	swait.ge [sflag:s14], $0x80  }
0x47: {  	s18 =	sadd.s32 $0x200, s18;
	[sflag:s14] =	ssyncset.done $0x0  }
.LBB2_4:
0x48: {  	s19 =	sadd.s32 $0xFFFFFE80, s18;
	[sflag:s14] =	ssyncadd.s32 @p2 $0xFFFFFF80  }
0x49: {  	[spmem:s2] =	stream.indirect.scatter.add.f32 [tilespmem:s10], [sflag:$0x1], $0x1, s19, s13, $0xb8;
	[tilespmem:$0x2AF8] =	vst v63  }
0x4a: {  	s30 =	sadd.s32 $0xFFFFFF00, s18  }
0x4b: {  	[spmem:s2] =	stream.indirect.scatter.add.f32 [tilespmem:s10], [sflag:$0x1], $0x1, s30, s13, $0xb8;
	[tilespmem:$0x2AF8] =	vst v63  }
0x4c: {  	s31 =	sadd.s32 $0xFFFFFF80, s18  }
0x4d: {  	[spmem:s2] =	stream.indirect.scatter.add.f32 [tilespmem:s10], [sflag:$0x1], $0x1, s31, s13, $0xb8;
	[tilespmem:$0x2AF8] =	vst v63  }
0x4e: {  	_ = 	snop  }
0x4f: {  	[spmem:s2] =	stream.indirect.scatter.add.f32 [tilespmem:s10], [sflag:$0x1], $0x1, s18, s13, $0xb8;
	[tilespmem:$0x2AF8] =	vst v63  }
0x50: {  	_ =	swait.ge [sflag:s14], $0x80  }
0x51: {  	[sflag:s14] =	ssyncset.done $0x0  }
0x52: {  	[sflag:s14] =	ssyncadd.s32 $0xFFFFFF80  }
0x53: {  	_ =	swait.ge [sflag:s14], $0x80  }
0x54: {  	[sflag:s14] =	ssyncset.done $0x0  }
0x55: {  	[sflag:s14] =	ssyncadd.s32 $0xFFFFFF80  }
0x56: {  	_ =	swait.ge [sflag:s14], $0x80  }
0x57: {  	[sflag:s14] =	ssyncset.done $0x0  }
0x58: {  	[sflag:s14] =	ssyncadd.s32 $0xFFFFFF80  }
0x59: {  	_ =	swait.ge [sflag:s14], $0x80  }
0x5a: {  	s20 =	simm.s32 @!p1 $0x10;
	s15 =	sadd.s32 $0x1, s15;
	[sflag:s14] =	ssyncset.done $0x0  }
0x5b: {  	s19 =	simm.s32 @!p1 $0x20;
	p2 =	sne.s32 s15, s9;
	[sflag:s14] =	ssyncadd.s32 $0xFFFFFF80  }
.Ltmp3:
0x5c: {  	s18 =	simm.s32 @!p1 $0x1;
	[bflag:$0x0] =	sbarrier.arrive $0xFFFF;
	(pc) =	sbr.rel @p2 .LBB2_1-.Ltmp3, $4  }
0x5d: {  	[hbm:s8@s19], [sflag:s17] =	dma.strided @!p1 [spmem:s12@s20], $0x4F0, s18, $0x10   }
0x5e: {  	_ =	swait.ge @!p1 [sflag:s16], $0x4F0  }
0x5f: {  	[sflag:s16] =	ssyncset.done @!p1 $0x0  }
0x60: {  	[sflag:s16] =	ssyncadd.s32 @!p1 $0xFFFFFB10  }
0x61: {  	_ =	sfence.sel $0x180000  }
0x62: {  	[bflag:$0x0] =	sbarrier.arrive $0xFFFF  }
0x63: {  	_ =	strace $0x90000047  }
0x64: {  	s0 =	sadd.s32 @!p1 $0x100000, s0;
	[bflag:$0x2] =	sbarrier.arrive $0xFFFF  }
0x65: {  	[sflag:s0] =	ssyncadd.tile.s32 @!p1 $0x1;
	_ =	shalt  }
.Lfunc_end2:
_tile_overlayer_lowered:
.L_overlay_start_2:
0x66: {  	(tag) =	ssettag $0x2  }
0x67: {  	s0 =	rddreg [dreg:$0x0];
	s2 =	stileid.u32  }
0x68: {  	s1 =	rddreg [dreg:$0x1];
	p0 =	sne.s32 s2, $0x0  }
0x69: {  	s3 =	rddreg [dreg:$0x2];
	[bflag:$0x3] =	sbarrier.arrive $0xFFFF;
	s2 =	simm.s32 @!p0 $0x1C02  }
0x6a: {  	[timem:s3], [sflag:s2] =	dma.local @!p0 [hbm:s0], s1  }
0x6b: {  	s0 =	simm.s32 @!p0 $0x2  }
0x6c: {  	_ =	swait.ge @!p0 [sflag:s0], s1  }
0x6d: {  	s1 =	ssub.s32 @!p0 $0x0, s1;
	[sflag:s0] =	ssyncset.done @!p0 $0x0  }
0x6e: {  	[sflag:s0] =	ssyncadd.s32 @!p0 s1  }
0x6f: {  	[bflag:$0x3] =	sbarrier.arrive $0xFFFF  }
0x70: {  	_ =	shalt  }

</sc_bundles>
